<compile_context>
chip_gen: v7x
topology: tpu7x:2x2x1
jax: 0.10.2.dev20260603
libtpu: 0.0.44.dev20260713+nightly
codegen_flags: <defaults>
</compile_context>

<pallas_src>
import functools

import jax
import jax.numpy as jnp
from jax import lax
from jax.experimental import pallas as pl
from jax.experimental.pallas import tpu as pltpu
from jax.experimental.pallas import tpu_sc as plsc

_NC = 2
_NS = 16
_L = 16
_D = 128
_H = _D // 2
_CHUNK = 128
_ROW_BLK = 2048

_SC_PARAMS = pltpu.CompilerParams(use_tc_tiling_on_sc=False)


def _round_up(a, b):
    return (a + b - 1) // b * b


@functools.lru_cache(None)
def _deg_kernel(n_pad, n_chunks):
    rows_pt = n_pad // _NS
    n_cp = rows_pt // _CHUNK
    hc = n_chunks // 2
    mesh = plsc.VectorSubcoreMesh(core_axis_name="c", subcore_axis_name="s")

    @functools.partial(
        pl.kernel,
        out_type=jax.ShapeDtypeStruct((2 * n_pad, _D), jnp.float32),
        mesh=mesh,
        scratch_types=[
            pltpu.VMEM((n_chunks, _CHUNK), jnp.int32),
            pltpu.VMEM((_CHUNK, _L), jnp.float32),
            pltpu.VMEM((rows_pt, _L), jnp.float32),
            pltpu.VMEM((_CHUNK, _D), jnp.float32),
            pltpu.VMEM_SHARED((n_pad, _L), jnp.float32),
        ],
        compiler_params=_SC_PARAMS,
    )
    def deg(dst_hbm, out_hbm, dstv, onesv, locv, outv, acc_sh):
        cid = lax.axis_index("c")
        sid = lax.axis_index("s")
        base = sid * rows_pt
        out_base = cid * n_pad + base
        ones16 = jnp.ones((_L,), jnp.float32)
        zeros16 = jnp.zeros((_L,), jnp.float32)

        def fill_ones(r, carry):
            onesv[r, :] = ones16
            return carry

        lax.fori_loop(0, _CHUNK, fill_ones, 0)

        def fill_zero(r, carry):
            locv[r, :] = zeros16
            return carry

        lax.fori_loop(0, rows_pt, fill_zero, 0)
        pltpu.sync_copy(locv, acc_sh.at[pl.ds(base, rows_pt)])
        plsc.subcore_barrier()

        pltpu.sync_copy(dst_hbm.at[sid], dstv)

        def chunk(jj, carry):
            pltpu.sync_copy(onesv, acc_sh.at[dstv.at[cid * hc + jj]],
                            add=True)
            return carry

        lax.fori_loop(0, hc, chunk, 0)
        plsc.subcore_barrier()

        pltpu.sync_copy(acc_sh.at[pl.ds(base, rows_pt)], locv)

        for t in range(n_cp):
            def widen(i, carry):
                v = locv[t * _CHUNK + i, :]
                for k in range(_D // _L):
                    outv[i, pl.ds(k * _L, _L)] = v
                return carry

            lax.fori_loop(0, _CHUNK, widen, 0)
            pltpu.sync_copy(outv,
                            out_hbm.at[pl.ds(out_base + t * _CHUNK, _CHUNK)])

    return deg


@functools.lru_cache(None)
def _edge_kernel(n_pad, n_chunks):
    rows_pt = n_pad // _NS
    n_cp = rows_pt // _CHUNK
    mesh = plsc.VectorSubcoreMesh(core_axis_name="c", subcore_axis_name="s")

    @functools.partial(
        pl.kernel,
        out_type=jax.ShapeDtypeStruct((2 * n_pad, _H), jnp.float32),
        mesh=mesh,
        scratch_types=[
            pltpu.VMEM((n_chunks, _CHUNK), jnp.int32),
            pltpu.VMEM((n_chunks, _CHUNK), jnp.int32),
            pltpu.VMEM((2, _CHUNK, _H), jnp.float32),
            pltpu.VMEM_SHARED((n_pad, _H), jnp.float32),
            pltpu.SemaphoreType.DMA,
            pltpu.SemaphoreType.DMA,
        ],
        compiler_params=_SC_PARAMS,
    )
    def edge(src_hbm, dst_hbm, hp_hbm, out_hbm, srcv, dstv, rows, acc_sh,
             sem0, sem1):
        cid = lax.axis_index("c")
        sid = lax.axis_index("s")
        base = sid * rows_pt
        out_base = cid * n_pad + base
        zeros16 = jnp.zeros((_L,), jnp.float32)

        def zrow(r, carry):
            for k in range(_H // _L):
                rows[0, r, pl.ds(k * _L, _L)] = zeros16
            return carry

        lax.fori_loop(0, _CHUNK, zrow, 0)
        for t in range(n_cp):
            pltpu.sync_copy(rows.at[0],
                            acc_sh.at[pl.ds(base + t * _CHUNK, _CHUNK)])
        plsc.subcore_barrier()

        pltpu.sync_copy(src_hbm.at[sid], srcv)
        pltpu.sync_copy(dst_hbm.at[sid], dstv)

        def addoff(j, carry):
            for k in range(_CHUNK // _L):
                sl = pl.ds(k * _L, _L)
                srcv[j, sl] = srcv[j, sl] * 2 + cid
            return carry

        lax.fori_loop(0, n_chunks, addoff, 0)

        sems = (sem0, sem1)
        pltpu.async_copy(hp_hbm.at[srcv.at[0]], rows.at[0], sem0)

        def outer(jj, carry):
            for b in range(2):
                j = jj * 2 + b

                @pl.when(j + 1 < n_chunks)
                def _start():
                    pltpu.async_copy(hp_hbm.at[srcv.at[j + 1]],
                                     rows.at[1 - b], sems[1 - b])

                pltpu.make_async_copy(hp_hbm.at[srcv.at[j]], rows.at[b],
                                      sems[b]).wait()
                pltpu.sync_copy(rows.at[b], acc_sh.at[dstv.at[j]], add=True)
            return carry

        lax.fori_loop(0, n_chunks // 2, outer, 0)
        plsc.subcore_barrier()

        for t in range(n_cp):
            pltpu.sync_copy(acc_sh.at[pl.ds(base + t * _CHUNK, _CHUNK)],
                            out_hbm.at[pl.ds(out_base + t * _CHUNK, _CHUNK)])

    return edge


def _mm1_body(x_ref, w_ref, d0_ref, d1_ref, hp_ref, dinv_ref):
    dinv = lax.rsqrt(d0_ref[...] + d1_ref[...] + 1.0)
    h = jnp.dot(x_ref[...], w_ref[...], preferred_element_type=jnp.float32)
    hp_ref[...] = dinv * h
    dinv_ref[...] = dinv


def _post_body(al_ref, ah_ref, hp_ref, dv_ref, b_ref, g_ref, bb_ref,
               out_ref, *, final):
    dv = dv_ref[...]
    hpv = hp_ref[...]
    bv = b_ref[...]
    sl = dv[:, 0:_H] * (al_ref[...] + hpv[:, 0:_H]) + bv[:, 0:_H]
    sh = dv[:, _H:_D] * (ah_ref[...] + hpv[:, _H:_D]) + bv[:, _H:_D]
    mu = (jnp.sum(sl, -1, keepdims=True) +
          jnp.sum(sh, -1, keepdims=True)) * (1.0 / _D)
    cl = sl - mu
    ch = sh - mu
    var = (jnp.sum(cl * cl, -1, keepdims=True) +
           jnp.sum(ch * ch, -1, keepdims=True)) * (1.0 / _D)
    r = lax.rsqrt(var + 1e-5)
    gv = g_ref[...]
    bbv = bb_ref[...]
    tl = cl * r * gv[:, 0:_H] + bbv[:, 0:_H]
    th = ch * r * gv[:, _H:_D] + bbv[:, _H:_D]
    el = jnp.where(tl > 0, tl, jnp.exp(jnp.minimum(tl, 0.0)) - 1.0)
    eh = jnp.where(th > 0, th, jnp.exp(jnp.minimum(th, 0.0)) - 1.0)
    if final:
        m = jnp.maximum(jnp.max(el, -1, keepdims=True),
                        jnp.max(eh, -1, keepdims=True))
        lse = jnp.log(jnp.sum(jnp.exp(el - m), -1, keepdims=True) +
                      jnp.sum(jnp.exp(eh - m), -1, keepdims=True)) + m
        el = el - lse
        eh = eh - lse
    out_ref[:, 0:_H] = el
    out_ref[:, _H:_D] = eh


def _row_spec():
    return pl.BlockSpec((_ROW_BLK, _D), lambda i: (i, 0))


@functools.lru_cache(None)
def _mm1_call(n_pad):
    nb = n_pad // _ROW_BLK
    return pl.pallas_call(
        _mm1_body,
        grid=(nb,),
        in_specs=[
            _row_spec(),
            pl.BlockSpec((_D, _D), lambda i: (0, 0)),
            _row_spec(),
            pl.BlockSpec((_ROW_BLK, _D), lambda i: (nb + i, 0)),
        ],
        out_specs=[_row_spec(), _row_spec()],
        out_shape=[jax.ShapeDtypeStruct((n_pad, _D), jnp.float32),
                   jax.ShapeDtypeStruct((n_pad, _D), jnp.float32)],
    )


@functools.lru_cache(None)
def _post_call(n_pad, final):
    nb = n_pad // _ROW_BLK
    half = pl.BlockSpec((_ROW_BLK, _H), lambda i: (i, 0))
    halfhi = pl.BlockSpec((_ROW_BLK, _H), lambda i: (nb + i, 0))
    vec = pl.BlockSpec((1, _D), lambda i: (0, 0))
    return pl.pallas_call(
        functools.partial(_post_body, final=final),
        grid=(nb,),
        in_specs=[half, halfhi, _row_spec(), _row_spec(), vec, vec, vec],
        out_specs=pl.BlockSpec((_ROW_BLK, _D), lambda i: (i, 0)),
        out_shape=jax.ShapeDtypeStruct((n_pad, _D), jnp.float32),
    )


def _postmm_body(al_ref, ah_ref, hp_ref, dv_ref, b_ref, g_ref, bb_ref,
                 w_ref, hp2_ref):
    dv = dv_ref[...]
    hpv = hp_ref[...]
    bv = b_ref[...]
    sl = dv[:, 0:_H] * (al_ref[...] + hpv[:, 0:_H]) + bv[:, 0:_H]
    sh = dv[:, _H:_D] * (ah_ref[...] + hpv[:, _H:_D]) + bv[:, _H:_D]
    mu = (jnp.sum(sl, -1, keepdims=True) +
          jnp.sum(sh, -1, keepdims=True)) * (1.0 / _D)
    cl = sl - mu
    ch = sh - mu
    var = (jnp.sum(cl * cl, -1, keepdims=True) +
           jnp.sum(ch * ch, -1, keepdims=True)) * (1.0 / _D)
    r = lax.rsqrt(var + 1e-5)
    gv = g_ref[...]
    bbv = bb_ref[...]
    tl = cl * r * gv[:, 0:_H] + bbv[:, 0:_H]
    th = ch * r * gv[:, _H:_D] + bbv[:, _H:_D]
    el = jnp.where(tl > 0, tl, jnp.exp(jnp.minimum(tl, 0.0)) - 1.0)
    eh = jnp.where(th > 0, th, jnp.exp(jnp.minimum(th, 0.0)) - 1.0)
    z = jnp.concatenate([el, eh], axis=-1)
    hp2_ref[...] = dv * jnp.dot(z, w_ref[...],
                                preferred_element_type=jnp.float32)


@functools.lru_cache(None)
def _postmm_call(n_pad):
    nb = n_pad // _ROW_BLK
    half = pl.BlockSpec((_ROW_BLK, _H), lambda i: (i, 0))
    halfhi = pl.BlockSpec((_ROW_BLK, _H), lambda i: (nb + i, 0))
    vec = pl.BlockSpec((1, _D), lambda i: (0, 0))
    return pl.pallas_call(
        _postmm_body,
        grid=(nb,),
        in_specs=[half, halfhi, _row_spec(), _row_spec(), vec, vec, vec,
                  pl.BlockSpec((_D, _D), lambda i: (0, 0))],
        out_specs=_row_spec(),
        out_shape=jax.ShapeDtypeStruct((n_pad, _D), jnp.float32),
    )


def kernel(x, edge_index, W1, b1, ln1_g, ln1_b, W2, b2, ln2_g, ln2_b):
    n, d = x.shape
    e = edge_index.shape[1]
    n_pad = _round_up(n, _NS * _CHUNK)
    e_pad = _round_up(e, _NS * _CHUNK * 2)
    n_chunks = e_pad // (_NS * _CHUNK)
    pad = e_pad - e

    padv = jnp.full((pad,), n, jnp.int32)
    src = jnp.concatenate([edge_index[0], padv]).reshape(_NS, n_chunks, _CHUNK)
    dst = jnp.concatenate([edge_index[1], padv]).reshape(_NS, n_chunks, _CHUNK)
    x_pad = jnp.concatenate([x, jnp.zeros((n_pad - n, d), x.dtype)])

    deg = _deg_kernel(n_pad, n_chunks)(dst)

    b1r = b1.reshape(1, _D)
    g1r = ln1_g.reshape(1, _D)
    bb1r = ln1_b.reshape(1, _D)
    b2r = b2.reshape(1, _D)
    g2r = ln2_g.reshape(1, _D)
    bb2r = ln2_b.reshape(1, _D)

    edge_call = _edge_kernel(n_pad, n_chunks)

    hp1, dinvw = _mm1_call(n_pad)(x_pad, W1, deg, deg)
    acc1 = edge_call(src, dst, hp1.reshape(2 * n_pad, _H))
    hp2 = _postmm_call(n_pad)(acc1, acc1, hp1, dinvw, b1r, g1r, bb1r, W2)
    acc2 = edge_call(src, dst, hp2.reshape(2 * n_pad, _H))
    z2 = _post_call(n_pad, True)(acc2, acc2, hp2, dinvw, b2r, g2r, bb2r)
    return z2[:n]

# --- scband reference (transcript-rebuilt; emitter-appended) ---
"""Pipeline reference for scband-gnn-6949257085137 (READ-ONLY COPY).

The authoritative reference and input builder live on the scoring server;
editing this copy changes nothing except your own understanding.
"""

import jax, jax.numpy as jnp
import numpy as np

N = 10000
E = 320000
D_IN = 128
D_MID = 128
D_OUT = 128


def setup_inputs(seed: int = 0) -> dict:
    key = jax.random.key(seed)
    ks = jax.random.split(key, 12)
    x = jax.random.normal(ks[0], (N, D_IN), dtype=jnp.float32)
    edge_index = jax.random.randint(ks[1], (2, E), 0, N, dtype=jnp.int32)
    s1 = 1.0 / np.sqrt(D_IN)
    s2 = 1.0 / np.sqrt(D_MID)
    W1 = jax.random.normal(ks[2], (D_IN, D_MID), dtype=jnp.float32) * s1
    b1 = jnp.zeros((D_MID,), dtype=jnp.float32)
    ln1_g = jnp.ones((D_MID,), dtype=jnp.float32)
    ln1_b = jnp.zeros((D_MID,), dtype=jnp.float32)
    W2 = jax.random.normal(ks[3], (D_MID, D_OUT), dtype=jnp.float32) * s2
    b2 = jnp.zeros((D_OUT,), dtype=jnp.float32)
    ln2_g = jnp.ones((D_OUT,), dtype=jnp.float32)
    ln2_b = jnp.zeros((D_OUT,), dtype=jnp.float32)
    return {"x": x, "edge_index": edge_index, "W1": W1, "b1": b1,
            "ln1_g": ln1_g, "ln1_b": ln1_b, "W2": W2, "b2": b2,
            "ln2_g": ln2_g, "ln2_b": ln2_b}


def _gcn_conv(x, src, dst, W, b, n):
    # GCNConv with self-loops and symmetric normalization (PyG semantics)
    h = x @ W
    deg = jnp.zeros((n,), dtype=jnp.float32).at[dst].add(1.0)
    dinv = jnp.where(deg > 0, 1.0 / jnp.sqrt(deg), 0.0)
    norm = dinv[src] * dinv[dst]
    msg = h[src] * norm[:, None]
    out = jnp.zeros((n, h.shape[1]), dtype=h.dtype).at[dst].add(msg)
    return out + b


def _layer_norm(x, g, b, eps=1e-5):
    mu = jnp.mean(x, axis=-1, keepdims=True)
    var = jnp.mean((x - mu) ** 2, axis=-1, keepdims=True)
    return (x - mu) / jnp.sqrt(var + eps) * g + b


def reference(x, edge_index, W1, b1, ln1_g, ln1_b, W2, b2, ln2_g, ln2_b):
    n = x.shape[0]
    loops = jnp.arange(n, dtype=edge_index.dtype)
    src = jnp.concatenate([edge_index[0], loops])
    dst = jnp.concatenate([edge_index[1], loops])
    h = _gcn_conv(x, src, dst, W1, b1, n)
    h = jax.nn.elu(_layer_norm(h, ln1_g, ln1_b))
    # dropout is identity in eval mode
    h = _gcn_conv(h, src, dst, W2, b2, n)
    h = jax.nn.elu(_layer_norm(h, ln2_g, ln2_b))
    return jax.nn.log_softmax(h, axis=1)

if __name__ == "__main__":
    import jax
    _d = setup_inputs()
    print(jax.jit(kernel)(*tuple(_d.values())))

</pallas_src>

<mosaic_0001>
#map = affine_map<(d0, d1) -> (0, 0, 0)>
#map1 = affine_map<(d0, d1) -> (0, 0)>
module attributes {stable_mosaic.version = 14 : i64} {
  func.func @edge(%arg0: i32, %arg1: i32, %arg2: memref<16x158x128xi32, #tpu.memory_space<hbm>>, %arg3: memref<16x158x128xi32, #tpu.memory_space<hbm>>, %arg4: memref<20480x64xf32, #tpu.memory_space<hbm>>, %arg5: memref<20480x64xf32, #tpu.memory_space<hbm>>, %arg6: memref<158x128xi32, #tpu.memory_space<vmem>>, %arg7: memref<158x128xi32, #tpu.memory_space<vmem>>, %arg8: memref<2x128x64xf32, #tpu.memory_space<vmem>>, %arg9: memref<10240x64xf32, #tpu.memory_space<vmem_shared>>, %arg10: memref<!tpu.dma_semaphore, #tpu.memory_space<semaphore_mem>>, %arg11: memref<!tpu.dma_semaphore, #tpu.memory_space<semaphore_mem>>) attributes {dimension_semantics = [#tpu.dimension_semantics<core_parallel>, #tpu.dimension_semantics<subcore_parallel>], iteration_bounds = array<i64: 2, 16>, scalar_prefetch = 0 : i64, scratch_operands = 6 : i64, tpu.core_type = #tpu.core_type<sc_vector_subcore>, window_params = [{transform_indices = #map}, {transform_indices = #map}, {transform_indices = #map1}, {transform_indices = #map1}]} {
    %mul3A = arith.constant 640 : i32
    %mul3A_0 = arith.muli %arg1, %mul3A : i32
    %mul3A_1 = arith.constant 10240 : i32
    %mul3A_2 = arith.muli %arg0, %mul3A_1 : i32
    %add3A = arith.addi %mul3A_2, %mul3A_0 : i32
    %broadcast_in_dim3A = arith.constant 0.000000e+00 : f32
    %broadcast_in_dim3A_3 = vector.broadcast %broadcast_in_dim3A : f32 to vector<16xf32>
    %scan3A = arith.constant 0 : i32
    %scan3A_4 = arith.constant 0 : i32
    %scan3A_5 = arith.constant 128 : i32
    %scan3A_6 = arith.addi %scan3A_4, %scan3A_5 : i32
    %scan3A_7 = arith.constant 1 : i32
    scf.for %scan3A_67 = %scan3A_4 to %scan3A_6 step %scan3A_7  : i32 {
      %swap3A = arith.constant 0 : i32
      %swap3A_68 = arith.index_cast %swap3A : i32 to index
      %swap3A_69 = arith.index_cast %scan3A_67 : i32 to index
      %swap3A_70 = arith.constant 0 : index
      %swap3A_71 = tpu.vector_load %arg8[%swap3A_68, %swap3A_69, %swap3A_70] {strides = array<i32>} : memref<2x128x64xf32, #tpu.memory_space<vmem>>, vector<1x1x16xf32>,
      %swap3A_72 = vector.shape_cast %swap3A_71 : vector<1x1x16xf32> to vector<16xf32>
      %swap3A_73 = vector.shape_cast %broadcast_in_dim3A_3 : vector<16xf32> to vector<1x1x16xf32>
      tpu.vector_store %arg8[%swap3A_68, %swap3A_69, %swap3A_70], %swap3A_73 {strides = array<i32>} : memref<2x128x64xf32, #tpu.memory_space<vmem>>, vector<1x1x16xf32>,
      %swap3A_74 = arith.constant 0 : i32
      %swap3A_75 = arith.index_cast %swap3A_74 : i32 to index
      %swap3A_76 = arith.index_cast %scan3A_67 : i32 to index
      %swap3A_77 = arith.constant 16 : index
      %swap3A_78 = tpu.vector_load %arg8[%swap3A_75, %swap3A_76, %swap3A_77] {strides = array<i32>} : memref<2x128x64xf32, #tpu.memory_space<vmem>>, vector<1x1x16xf32>,
      %swap3A_79 = vector.shape_cast %swap3A_78 : vector<1x1x16xf32> to vector<16xf32>
      %swap3A_80 = vector.shape_cast %broadcast_in_dim3A_3 : vector<16xf32> to vector<1x1x16xf32>
      tpu.vector_store %arg8[%swap3A_75, %swap3A_76, %swap3A_77], %swap3A_80 {strides = array<i32>} : memref<2x128x64xf32, #tpu.memory_space<vmem>>, vector<1x1x16xf32>,
      %swap3A_81 = arith.constant 0 : i32
      %swap3A_82 = arith.index_cast %swap3A_81 : i32 to index
      %swap3A_83 = arith.index_cast %scan3A_67 : i32 to index
      %swap3A_84 = arith.constant 32 : index
      %swap3A_85 = tpu.vector_load %arg8[%swap3A_82, %swap3A_83, %swap3A_84] {strides = array<i32>} : memref<2x128x64xf32, #tpu.memory_space<vmem>>, vector<1x1x16xf32>,
      %swap3A_86 = vector.shape_cast %swap3A_85 : vector<1x1x16xf32> to vector<16xf32>
      %swap3A_87 = vector.shape_cast %broadcast_in_dim3A_3 : vector<16xf32> to vector<1x1x16xf32>
      tpu.vector_store %arg8[%swap3A_82, %swap3A_83, %swap3A_84], %swap3A_87 {strides = array<i32>} : memref<2x128x64xf32, #tpu.memory_space<vmem>>, vector<1x1x16xf32>,
      %swap3A_88 = arith.constant 0 : i32
      %swap3A_89 = arith.index_cast %swap3A_88 : i32 to index
      %swap3A_90 = arith.index_cast %scan3A_67 : i32 to index
      %swap3A_91 = arith.constant 48 : index
      %swap3A_92 = tpu.vector_load %arg8[%swap3A_89, %swap3A_90, %swap3A_91] {strides = array<i32>} : memref<2x128x64xf32, #tpu.memory_space<vmem>>, vector<1x1x16xf32>,
      %swap3A_93 = vector.shape_cast %swap3A_92 : vector<1x1x16xf32> to vector<16xf32>
      %swap3A_94 = vector.shape_cast %broadcast_in_dim3A_3 : vector<16xf32> to vector<1x1x16xf32>
      tpu.vector_store %arg8[%swap3A_89, %swap3A_90, %swap3A_91], %swap3A_94 {strides = array<i32>} : memref<2x128x64xf32, #tpu.memory_space<vmem>>, vector<1x1x16xf32>,
    }
    %scan3A_8 = arith.constant 128 : i32
    %add3A_9 = arith.constant 0 : i32
    %add3A_10 = arith.addi %mul3A_0, %add3A_9 : i32
    %run_scoped3A = arith.constant 0 : i32
    "tpu.region"() ({
      %run_scoped3A_67 = tpu.sem_alloc : memref<!tpu.dma_semaphore, #tpu.memory_space<semaphore_mem>>
      %dma_start3A_68 = arith.constant 0 : i32
      %dma_start3A_69 = arith.constant 0 : i32
      %dma_start3A_70 = tpu.memref_slice %arg8[%run_scoped3A, %dma_start3A_68, %dma_start3A_69] : memref<2x128x64xf32, #tpu.memory_space<vmem>> -> memref<1x128x64xf32, #tpu.memory_space<vmem>>
      %dma_start3A_71 = tpu.memref_squeeze %dma_start3A_70 : memref<1x128x64xf32, #tpu.memory_space<vmem>> -> memref<128x64xf32, #tpu.memory_space<vmem>>
      %dma_start3A_72 = arith.constant 0 : i32
      %dma_start3A_73 = tpu.memref_slice %arg9[%add3A_10, %dma_start3A_72] : memref<10240x64xf32, #tpu.memory_space<vmem_shared>> -> memref<128x64xf32, #tpu.memory_space<vmem_shared>>
      %dma_start3A_74 = arith.constant 0 : i32
      %dma_start3A_75 = tpu.memref_slice %arg9[%add3A_10, %dma_start3A_74] : memref<10240x64xf32, #tpu.memory_space<vmem_shared>> -> memref<128x64xf32, #tpu.memory_space<vmem_shared>>
      %dma_start3A_76 = arith.constant 0 : i32
      %dma_start3A_77 = arith.constant 0 : i32
      %dma_start3A_78 = tpu.memref_slice %arg8[%run_scoped3A, %dma_start3A_76, %dma_start3A_77] : memref<2x128x64xf32, #tpu.memory_space<vmem>> -> memref<1x128x64xf32, #tpu.memory_space<vmem>>
      %dma_start3A_79 = tpu.memref_squeeze %dma_start3A_78 : memref<1x128x64xf32, #tpu.memory_space<vmem>> -> memref<128x64xf32, #tpu.memory_space<vmem>>
      tpu.enqueue_dma source(%dma_start3A_79 : memref<128x64xf32, #tpu.memory_space<vmem>>) target(%dma_start3A_75 : memref<128x64xf32, #tpu.memory_space<vmem_shared>>) target_semaphore(%run_scoped3A_67 : memref<!tpu.dma_semaphore, #tpu.memory_space<semaphore_mem>>)
      %dma_wait3A = arith.constant 0 : i32
      %dma_wait3A_80 = arith.constant 0 : i32
      %dma_wait3A_81 = tpu.memref_slice %arg8[%run_scoped3A, %dma_wait3A, %dma_wait3A_80] : memref<2x128x64xf32, #tpu.memory_space<vmem>> -> memref<1x128x64xf32, #tpu.memory_space<vmem>>
      %dma_wait3A_82 = tpu.memref_squeeze %dma_wait3A_81 : memref<1x128x64xf32, #tpu.memory_space<vmem>> -> memref<128x64xf32, #tpu.memory_space<vmem>>
      %dma_wait3A_83 = arith.constant 0 : i32
      %dma_wait3A_84 = tpu.memref_slice %arg9[%add3A_10, %dma_wait3A_83] : memref<10240x64xf32, #tpu.memory_space<vmem_shared>> -> memref<128x64xf32, #tpu.memory_space<vmem_shared>>
      %dma_wait3A_85 = arith.constant 0 : i32
      %dma_wait3A_86 = tpu.memref_slice %arg9[%add3A_10, %dma_wait3A_85] : memref<10240x64xf32, #tpu.memory_space<vmem_shared>> -> memref<128x64xf32, #tpu.memory_space<vmem_shared>>
      %dma_wait3A_87 = arith.constant 0 : i32
      %dma_wait3A_88 = arith.constant 0 : i32
      %dma_wait3A_89 = tpu.memref_slice %arg8[%run_scoped3A, %dma_wait3A_87, %dma_wait3A_88] : memref<2x128x64xf32, #tpu.memory_space<vmem>> -> memref<1x128x64xf32, #tpu.memory_space<vmem>>
      %dma_wait3A_90 = tpu.memref_squeeze %dma_wait3A_89 : memref<1x128x64xf32, #tpu.memory_space<vmem>> -> memref<128x64xf32, #tpu.memory_space<vmem>>
      tpu.wait_dma2 semaphore(%run_scoped3A_67 : memref<!tpu.dma_semaphore, #tpu.memory_space<semaphore_mem>>) src(%dma_wait3A_90 : memref<128x64xf32, #tpu.memory_space<vmem>>) dst(%dma_wait3A_86 : memref<128x64xf32, #tpu.memory_space<vmem_shared>>)
      tpu.yield
    }) : () -> ()
    %add3A_11 = arith.constant 128 : i32
    %add3A_12 = arith.addi %mul3A_0, %add3A_11 : i32
    %run_scoped3A_13 = arith.constant 0 : i32
    "tpu.region"() ({
      %run_scoped3A_67 = tpu.sem_alloc : memref<!tpu.dma_semaphore, #tpu.memory_space<semaphore_mem>>
      %dma_start3A_68 = arith.constant 0 : i32
      %dma_start3A_69 = arith.constant 0 : i32
      %dma_start3A_70 = tpu.memref_slice %arg8[%run_scoped3A_13, %dma_start3A_68, %dma_start3A_69] : memref<2x128x64xf32, #tpu.memory_space<vmem>> -> memref<1x128x64xf32, #tpu.memory_space<vmem>>
      %dma_start3A_71 = tpu.memref_squeeze %dma_start3A_70 : memref<1x128x64xf32, #tpu.memory_space<vmem>> -> memref<128x64xf32, #tpu.memory_space<vmem>>
      %dma_start3A_72 = arith.constant 0 : i32
      %dma_start3A_73 = tpu.memref_slice %arg9[%add3A_12, %dma_start3A_72] : memref<10240x64xf32, #tpu.memory_space<vmem_shared>> -> memref<128x64xf32, #tpu.memory_space<vmem_shared>>
      %dma_start3A_74 = arith.constant 0 : i32
      %dma_start3A_75 = tpu.memref_slice %arg9[%add3A_12, %dma_start3A_74] : memref<10240x64xf32, #tpu.memory_space<vmem_shared>> -> memref<128x64xf32, #tpu.memory_space<vmem_shared>>
      %dma_start3A_76 = arith.constant 0 : i32
      %dma_start3A_77 = arith.constant 0 : i32
      %dma_start3A_78 = tpu.memref_slice %arg8[%run_scoped3A_13, %dma_start3A_76, %dma_start3A_77] : memref<2x128x64xf32, #tpu.memory_space<vmem>> -> memref<1x128x64xf32, #tpu.memory_space<vmem>>
      %dma_start3A_79 = tpu.memref_squeeze %dma_start3A_78 : memref<1x128x64xf32, #tpu.memory_space<vmem>> -> memref<128x64xf32, #tpu.memory_space<vmem>>
      tpu.enqueue_dma source(%dma_start3A_79 : memref<128x64xf32, #tpu.memory_space<vmem>>) target(%dma_start3A_75 : memref<128x64xf32, #tpu.memory_space<vmem_shared>>) target_semaphore(%run_scoped3A_67 : memref<!tpu.dma_semaphore, #tpu.memory_space<semaphore_mem>>)
      %dma_wait3A = arith.constant 0 : i32
      %dma_wait3A_80 = arith.constant 0 : i32
      %dma_wait3A_81 = tpu.memref_slice %arg8[%run_scoped3A_13, %dma_wait3A, %dma_wait3A_80] : memref<2x128x64xf32, #tpu.memory_space<vmem>> -> memref<1x128x64xf32, #tpu.memory_space<vmem>>
      %dma_wait3A_82 = tpu.memref_squeeze %dma_wait3A_81 : memref<1x128x64xf32, #tpu.memory_space<vmem>> -> memref<128x64xf32, #tpu.memory_space<vmem>>
      %dma_wait3A_83 = arith.constant 0 : i32
      %dma_wait3A_84 = tpu.memref_slice %arg9[%add3A_12, %dma_wait3A_83] : memref<10240x64xf32, #tpu.memory_space<vmem_shared>> -> memref<128x64xf32, #tpu.memory_space<vmem_shared>>
      %dma_wait3A_85 = arith.constant 0 : i32
      %dma_wait3A_86 = tpu.memref_slice %arg9[%add3A_12, %dma_wait3A_85] : memref<10240x64xf32, #tpu.memory_space<vmem_shared>> -> memref<128x64xf32, #tpu.memory_space<vmem_shared>>
      %dma_wait3A_87 = arith.constant 0 : i32
      %dma_wait3A_88 = arith.constant 0 : i32
      %dma_wait3A_89 = tpu.memref_slice %arg8[%run_scoped3A_13, %dma_wait3A_87, %dma_wait3A_88] : memref<2x128x64xf32, #tpu.memory_space<vmem>> -> memref<1x128x64xf32, #tpu.memory_space<vmem>>
      %dma_wait3A_90 = tpu.memref_squeeze %dma_wait3A_89 : memref<1x128x64xf32, #tpu.memory_space<vmem>> -> memref<128x64xf32, #tpu.memory_space<vmem>>
      tpu.wait_dma2 semaphore(%run_scoped3A_67 : memref<!tpu.dma_semaphore, #tpu.memory_space<semaphore_mem>>) src(%dma_wait3A_90 : memref<128x64xf32, #tpu.memory_space<vmem>>) dst(%dma_wait3A_86 : memref<128x64xf32, #tpu.memory_space<vmem_shared>>)
      tpu.yield
    }) : () -> ()
    %add3A_14 = arith.constant 256 : i32
    %add3A_15 = arith.addi %mul3A_0, %add3A_14 : i32
    %run_scoped3A_16 = arith.constant 0 : i32
    "tpu.region"() ({
      %run_scoped3A_67 = tpu.sem_alloc : memref<!tpu.dma_semaphore, #tpu.memory_space<semaphore_mem>>
      %dma_start3A_68 = arith.constant 0 : i32
      %dma_start3A_69 = arith.constant 0 : i32
      %dma_start3A_70 = tpu.memref_slice %arg8[%run_scoped3A_16, %dma_start3A_68, %dma_start3A_69] : memref<2x128x64xf32, #tpu.memory_space<vmem>> -> memref<1x128x64xf32, #tpu.memory_space<vmem>>
      %dma_start3A_71 = tpu.memref_squeeze %dma_start3A_70 : memref<1x128x64xf32, #tpu.memory_space<vmem>> -> memref<128x64xf32, #tpu.memory_space<vmem>>
      %dma_start3A_72 = arith.constant 0 : i32
      %dma_start3A_73 = tpu.memref_slice %arg9[%add3A_15, %dma_start3A_72] : memref<10240x64xf32, #tpu.memory_space<vmem_shared>> -> memref<128x64xf32, #tpu.memory_space<vmem_shared>>
      %dma_start3A_74 = arith.constant 0 : i32
      %dma_start3A_75 = tpu.memref_slice %arg9[%add3A_15, %dma_start3A_74] : memref<10240x64xf32, #tpu.memory_space<vmem_shared>> -> memref<128x64xf32, #tpu.memory_space<vmem_shared>>
      %dma_start3A_76 = arith.constant 0 : i32
      %dma_start3A_77 = arith.constant 0 : i32
      %dma_start3A_78 = tpu.memref_slice %arg8[%run_scoped3A_16, %dma_start3A_76, %dma_start3A_77] : memref<2x128x64xf32, #tpu.memory_space<vmem>> -> memref<1x128x64xf32, #tpu.memory_space<vmem>>
      %dma_start3A_79 = tpu.memref_squeeze %dma_start3A_78 : memref<1x128x64xf32, #tpu.memory_space<vmem>> -> memref<128x64xf32, #tpu.memory_space<vmem>>
      tpu.enqueue_dma source(%dma_start3A_79 : memref<128x64xf32, #tpu.memory_space<vmem>>) target(%dma_start3A_75 : memref<128x64xf32, #tpu.memory_space<vmem_shared>>) target_semaphore(%run_scoped3A_67 : memref<!tpu.dma_semaphore, #tpu.memory_space<semaphore_mem>>)
      %dma_wait3A = arith.constant 0 : i32
      %dma_wait3A_80 = arith.constant 0 : i32
      %dma_wait3A_81 = tpu.memref_slice %arg8[%run_scoped3A_16, %dma_wait3A, %dma_wait3A_80] : memref<2x128x64xf32, #tpu.memory_space<vmem>> -> memref<1x128x64xf32, #tpu.memory_space<vmem>>
      %dma_wait3A_82 = tpu.memref_squeeze %dma_wait3A_81 : memref<1x128x64xf32, #tpu.memory_space<vmem>> -> memref<128x64xf32, #tpu.memory_space<vmem>>
      %dma_wait3A_83 = arith.constant 0 : i32
      %dma_wait3A_84 = tpu.memref_slice %arg9[%add3A_15, %dma_wait3A_83] : memref<10240x64xf32, #tpu.memory_space<vmem_shared>> -> memref<128x64xf32, #tpu.memory_space<vmem_shared>>
      %dma_wait3A_85 = arith.constant 0 : i32
      %dma_wait3A_86 = tpu.memref_slice %arg9[%add3A_15, %dma_wait3A_85] : memref<10240x64xf32, #tpu.memory_space<vmem_shared>> -> memref<128x64xf32, #tpu.memory_space<vmem_shared>>
      %dma_wait3A_87 = arith.constant 0 : i32
      %dma_wait3A_88 = arith.constant 0 : i32
      %dma_wait3A_89 = tpu.memref_slice %arg8[%run_scoped3A_16, %dma_wait3A_87, %dma_wait3A_88] : memref<2x128x64xf32, #tpu.memory_space<vmem>> -> memref<1x128x64xf32, #tpu.memory_space<vmem>>
      %dma_wait3A_90 = tpu.memref_squeeze %dma_wait3A_89 : memref<1x128x64xf32, #tpu.memory_space<vmem>> -> memref<128x64xf32, #tpu.memory_space<vmem>>
      tpu.wait_dma2 semaphore(%run_scoped3A_67 : memref<!tpu.dma_semaphore, #tpu.memory_space<semaphore_mem>>) src(%dma_wait3A_90 : memref<128x64xf32, #tpu.memory_space<vmem>>) dst(%dma_wait3A_86 : memref<128x64xf32, #tpu.memory_space<vmem_shared>>)
      tpu.yield
    }) : () -> ()
    %add3A_17 = arith.constant 384 : i32
    %add3A_18 = arith.addi %mul3A_0, %add3A_17 : i32
    %run_scoped3A_19 = arith.constant 0 : i32
    "tpu.region"() ({
      %run_scoped3A_67 = tpu.sem_alloc : memref<!tpu.dma_semaphore, #tpu.memory_space<semaphore_mem>>
      %dma_start3A_68 = arith.constant 0 : i32
      %dma_start3A_69 = arith.constant 0 : i32
      %dma_start3A_70 = tpu.memref_slice %arg8[%run_scoped3A_19, %dma_start3A_68, %dma_start3A_69] : memref<2x128x64xf32, #tpu.memory_space<vmem>> -> memref<1x128x64xf32, #tpu.memory_space<vmem>>
      %dma_start3A_71 = tpu.memref_squeeze %dma_start3A_70 : memref<1x128x64xf32, #tpu.memory_space<vmem>> -> memref<128x64xf32, #tpu.memory_space<vmem>>
      %dma_start3A_72 = arith.constant 0 : i32
      %dma_start3A_73 = tpu.memref_slice %arg9[%add3A_18, %dma_start3A_72] : memref<10240x64xf32, #tpu.memory_space<vmem_shared>> -> memref<128x64xf32, #tpu.memory_space<vmem_shared>>
      %dma_start3A_74 = arith.constant 0 : i32
      %dma_start3A_75 = tpu.memref_slice %arg9[%add3A_18, %dma_start3A_74] : memref<10240x64xf32, #tpu.memory_space<vmem_shared>> -> memref<128x64xf32, #tpu.memory_space<vmem_shared>>
      %dma_start3A_76 = arith.constant 0 : i32
      %dma_start3A_77 = arith.constant 0 : i32
      %dma_start3A_78 = tpu.memref_slice %arg8[%run_scoped3A_19, %dma_start3A_76, %dma_start3A_77] : memref<2x128x64xf32, #tpu.memory_space<vmem>> -> memref<1x128x64xf32, #tpu.memory_space<vmem>>
      %dma_start3A_79 = tpu.memref_squeeze %dma_start3A_78 : memref<1x128x64xf32, #tpu.memory_space<vmem>> -> memref<128x64xf32, #tpu.memory_space<vmem>>
      tpu.enqueue_dma source(%dma_start3A_79 : memref<128x64xf32, #tpu.memory_space<vmem>>) target(%dma_start3A_75 : memref<128x64xf32, #tpu.memory_space<vmem_shared>>) target_semaphore(%run_scoped3A_67 : memref<!tpu.dma_semaphore, #tpu.memory_space<semaphore_mem>>)
      %dma_wait3A = arith.constant 0 : i32
      %dma_wait3A_80 = arith.constant 0 : i32
      %dma_wait3A_81 = tpu.memref_slice %arg8[%run_scoped3A_19, %dma_wait3A, %dma_wait3A_80] : memref<2x128x64xf32, #tpu.memory_space<vmem>> -> memref<1x128x64xf32, #tpu.memory_space<vmem>>
      %dma_wait3A_82 = tpu.memref_squeeze %dma_wait3A_81 : memref<1x128x64xf32, #tpu.memory_space<vmem>> -> memref<128x64xf32, #tpu.memory_space<vmem>>
      %dma_wait3A_83 = arith.constant 0 : i32
      %dma_wait3A_84 = tpu.memref_slice %arg9[%add3A_18, %dma_wait3A_83] : memref<10240x64xf32, #tpu.memory_space<vmem_shared>> -> memref<128x64xf32, #tpu.memory_space<vmem_shared>>
      %dma_wait3A_85 = arith.constant 0 : i32
      %dma_wait3A_86 = tpu.memref_slice %arg9[%add3A_18, %dma_wait3A_85] : memref<10240x64xf32, #tpu.memory_space<vmem_shared>> -> memref<128x64xf32, #tpu.memory_space<vmem_shared>>
      %dma_wait3A_87 = arith.constant 0 : i32
      %dma_wait3A_88 = arith.constant 0 : i32
      %dma_wait3A_89 = tpu.memref_slice %arg8[%run_scoped3A_19, %dma_wait3A_87, %dma_wait3A_88] : memref<2x128x64xf32, #tpu.memory_space<vmem>> -> memref<1x128x64xf32, #tpu.memory_space<vmem>>
      %dma_wait3A_90 = tpu.memref_squeeze %dma_wait3A_89 : memref<1x128x64xf32, #tpu.memory_space<vmem>> -> memref<128x64xf32, #tpu.memory_space<vmem>>
      tpu.wait_dma2 semaphore(%run_scoped3A_67 : memref<!tpu.dma_semaphore, #tpu.memory_space<semaphore_mem>>) src(%dma_wait3A_90 : memref<128x64xf32, #tpu.memory_space<vmem>>) dst(%dma_wait3A_86 : memref<128x64xf32, #tpu.memory_space<vmem_shared>>)
      tpu.yield
    }) : () -> ()
    %add3A_20 = arith.constant 512 : i32
    %add3A_21 = arith.addi %mul3A_0, %add3A_20 : i32
    %run_scoped3A_22 = arith.constant 0 : i32
    "tpu.region"() ({
      %run_scoped3A_67 = tpu.sem_alloc : memref<!tpu.dma_semaphore, #tpu.memory_space<semaphore_mem>>
      %dma_start3A_68 = arith.constant 0 : i32
      %dma_start3A_69 = arith.constant 0 : i32
      %dma_start3A_70 = tpu.memref_slice %arg8[%run_scoped3A_22, %dma_start3A_68, %dma_start3A_69] : memref<2x128x64xf32, #tpu.memory_space<vmem>> -> memref<1x128x64xf32, #tpu.memory_space<vmem>>
      %dma_start3A_71 = tpu.memref_squeeze %dma_start3A_70 : memref<1x128x64xf32, #tpu.memory_space<vmem>> -> memref<128x64xf32, #tpu.memory_space<vmem>>
      %dma_start3A_72 = arith.constant 0 : i32
      %dma_start3A_73 = tpu.memref_slice %arg9[%add3A_21, %dma_start3A_72] : memref<10240x64xf32, #tpu.memory_space<vmem_shared>> -> memref<128x64xf32, #tpu.memory_space<vmem_shared>>
      %dma_start3A_74 = arith.constant 0 : i32
      %dma_start3A_75 = tpu.memref_slice %arg9[%add3A_21, %dma_start3A_74] : memref<10240x64xf32, #tpu.memory_space<vmem_shared>> -> memref<128x64xf32, #tpu.memory_space<vmem_shared>>
      %dma_start3A_76 = arith.constant 0 : i32
      %dma_start3A_77 = arith.constant 0 : i32
      %dma_start3A_78 = tpu.memref_slice %arg8[%run_scoped3A_22, %dma_start3A_76, %dma_start3A_77] : memref<2x128x64xf32, #tpu.memory_space<vmem>> -> memref<1x128x64xf32, #tpu.memory_space<vmem>>
      %dma_start3A_79 = tpu.memref_squeeze %dma_start3A_78 : memref<1x128x64xf32, #tpu.memory_space<vmem>> -> memref<128x64xf32, #tpu.memory_space<vmem>>
      tpu.enqueue_dma source(%dma_start3A_79 : memref<128x64xf32, #tpu.memory_space<vmem>>) target(%dma_start3A_75 : memref<128x64xf32, #tpu.memory_space<vmem_shared>>) target_semaphore(%run_scoped3A_67 : memref<!tpu.dma_semaphore, #tpu.memory_space<semaphore_mem>>)
      %dma_wait3A = arith.constant 0 : i32
      %dma_wait3A_80 = arith.constant 0 : i32
      %dma_wait3A_81 = tpu.memref_slice %arg8[%run_scoped3A_22, %dma_wait3A, %dma_wait3A_80] : memref<2x128x64xf32, #tpu.memory_space<vmem>> -> memref<1x128x64xf32, #tpu.memory_space<vmem>>
      %dma_wait3A_82 = tpu.memref_squeeze %dma_wait3A_81 : memref<1x128x64xf32, #tpu.memory_space<vmem>> -> memref<128x64xf32, #tpu.memory_space<vmem>>
      %dma_wait3A_83 = arith.constant 0 : i32
      %dma_wait3A_84 = tpu.memref_slice %arg9[%add3A_21, %dma_wait3A_83] : memref<10240x64xf32, #tpu.memory_space<vmem_shared>> -> memref<128x64xf32, #tpu.memory_space<vmem_shared>>
      %dma_wait3A_85 = arith.constant 0 : i32
      %dma_wait3A_86 = tpu.memref_slice %arg9[%add3A_21, %dma_wait3A_85] : memref<10240x64xf32, #tpu.memory_space<vmem_shared>> -> memref<128x64xf32, #tpu.memory_space<vmem_shared>>
      %dma_wait3A_87 = arith.constant 0 : i32
      %dma_wait3A_88 = arith.constant 0 : i32
      %dma_wait3A_89 = tpu.memref_slice %arg8[%run_scoped3A_22, %dma_wait3A_87, %dma_wait3A_88] : memref<2x128x64xf32, #tpu.memory_space<vmem>> -> memref<1x128x64xf32, #tpu.memory_space<vmem>>
      %dma_wait3A_90 = tpu.memref_squeeze %dma_wait3A_89 : memref<1x128x64xf32, #tpu.memory_space<vmem>> -> memref<128x64xf32, #tpu.memory_space<vmem>>
      tpu.wait_dma2 semaphore(%run_scoped3A_67 : memref<!tpu.dma_semaphore, #tpu.memory_space<semaphore_mem>>) src(%dma_wait3A_90 : memref<128x64xf32, #tpu.memory_space<vmem>>) dst(%dma_wait3A_86 : memref<128x64xf32, #tpu.memory_space<vmem_shared>>)
      tpu.yield
    }) : () -> ()
    %barrier3A = arith.constant 0 : index
    tpu.barrier barrier_id(%barrier3A)
    "tpu.region"() ({
      %run_scoped3A_67 = tpu.sem_alloc : memref<!tpu.dma_semaphore, #tpu.memory_space<semaphore_mem>>
      %dma_start3A_68 = arith.constant 0 : i32
      %dma_start3A_69 = arith.constant 0 : i32
      %dma_start3A_70 = tpu.memref_slice %arg2[%arg1, %dma_start3A_68, %dma_start3A_69] : memref<16x158x128xi32, #tpu.memory_space<hbm>> -> memref<1x158x128xi32, #tpu.memory_space<hbm>>
      %dma_start3A_71 = tpu.memref_squeeze %dma_start3A_70 : memref<1x158x128xi32, #tpu.memory_space<hbm>> -> memref<158x128xi32, #tpu.memory_space<hbm>>
      %dma_start3A_72 = arith.constant 0 : i32
      %dma_start3A_73 = arith.constant 0 : i32
      %dma_start3A_74 = tpu.memref_slice %arg2[%arg1, %dma_start3A_72, %dma_start3A_73] : memref<16x158x128xi32, #tpu.memory_space<hbm>> -> memref<1x158x128xi32, #tpu.memory_space<hbm>>
      %dma_start3A_75 = tpu.memref_squeeze %dma_start3A_74 : memref<1x158x128xi32, #tpu.memory_space<hbm>> -> memref<158x128xi32, #tpu.memory_space<hbm>>
      tpu.enqueue_dma source(%dma_start3A_75 : memref<158x128xi32, #tpu.memory_space<hbm>>) target(%arg6 : memref<158x128xi32, #tpu.memory_space<vmem>>) target_semaphore(%run_scoped3A_67 : memref<!tpu.dma_semaphore, #tpu.memory_space<semaphore_mem>>)
      %dma_wait3A = arith.constant 0 : i32
      %dma_wait3A_76 = arith.constant 0 : i32
      %dma_wait3A_77 = tpu.memref_slice %arg2[%arg1, %dma_wait3A, %dma_wait3A_76] : memref<16x158x128xi32, #tpu.memory_space<hbm>> -> memref<1x158x128xi32, #tpu.memory_space<hbm>>
      %dma_wait3A_78 = tpu.memref_squeeze %dma_wait3A_77 : memref<1x158x128xi32, #tpu.memory_space<hbm>> -> memref<158x128xi32, #tpu.memory_space<hbm>>
      %dma_wait3A_79 = arith.constant 0 : i32
      %dma_wait3A_80 = arith.constant 0 : i32
      %dma_wait3A_81 = tpu.memref_slice %arg2[%arg1, %dma_wait3A_79, %dma_wait3A_80] : memref<16x158x128xi32, #tpu.memory_space<hbm>> -> memref<1x158x128xi32, #tpu.memory_space<hbm>>
      %dma_wait3A_82 = tpu.memref_squeeze %dma_wait3A_81 : memref<1x158x128xi32, #tpu.memory_space<hbm>> -> memref<158x128xi32, #tpu.memory_space<hbm>>
      tpu.wait_dma2 semaphore(%run_scoped3A_67 : memref<!tpu.dma_semaphore, #tpu.memory_space<semaphore_mem>>) src(%dma_wait3A_82 : memref<158x128xi32, #tpu.memory_space<hbm>>) dst(%arg6 : memref<158x128xi32, #tpu.memory_space<vmem>>)
      tpu.yield
    }) : () -> ()
    "tpu.region"() ({
      %run_scoped3A_67 = tpu.sem_alloc : memref<!tpu.dma_semaphore, #tpu.memory_space<semaphore_mem>>
      %dma_start3A_68 = arith.constant 0 : i32
      %dma_start3A_69 = arith.constant 0 : i32
      %dma_start3A_70 = tpu.memref_slice %arg3[%arg1, %dma_start3A_68, %dma_start3A_69] : memref<16x158x128xi32, #tpu.memory_space<hbm>> -> memref<1x158x128xi32, #tpu.memory_space<hbm>>
      %dma_start3A_71 = tpu.memref_squeeze %dma_start3A_70 : memref<1x158x128xi32, #tpu.memory_space<hbm>> -> memref<158x128xi32, #tpu.memory_space<hbm>>
      %dma_start3A_72 = arith.constant 0 : i32
      %dma_start3A_73 = arith.constant 0 : i32
      %dma_start3A_74 = tpu.memref_slice %arg3[%arg1, %dma_start3A_72, %dma_start3A_73] : memref<16x158x128xi32, #tpu.memory_space<hbm>> -> memref<1x158x128xi32, #tpu.memory_space<hbm>>
      %dma_start3A_75 = tpu.memref_squeeze %dma_start3A_74 : memref<1x158x128xi32, #tpu.memory_space<hbm>> -> memref<158x128xi32, #tpu.memory_space<hbm>>
      tpu.enqueue_dma source(%dma_start3A_75 : memref<158x128xi32, #tpu.memory_space<hbm>>) target(%arg7 : memref<158x128xi32, #tpu.memory_space<vmem>>) target_semaphore(%run_scoped3A_67 : memref<!tpu.dma_semaphore, #tpu.memory_space<semaphore_mem>>)
      %dma_wait3A = arith.constant 0 : i32
      %dma_wait3A_76 = arith.constant 0 : i32
      %dma_wait3A_77 = tpu.memref_slice %arg3[%arg1, %dma_wait3A, %dma_wait3A_76] : memref<16x158x128xi32, #tpu.memory_space<hbm>> -> memref<1x158x128xi32, #tpu.memory_space<hbm>>
      %dma_wait3A_78 = tpu.memref_squeeze %dma_wait3A_77 : memref<1x158x128xi32, #tpu.memory_space<hbm>> -> memref<158x128xi32, #tpu.memory_space<hbm>>
      %dma_wait3A_79 = arith.constant 0 : i32
      %dma_wait3A_80 = arith.constant 0 : i32
      %dma_wait3A_81 = tpu.memref_slice %arg3[%arg1, %dma_wait3A_79, %dma_wait3A_80] : memref<16x158x128xi32, #tpu.memory_space<hbm>> -> memref<1x158x128xi32, #tpu.memory_space<hbm>>
      %dma_wait3A_82 = tpu.memref_squeeze %dma_wait3A_81 : memref<1x158x128xi32, #tpu.memory_space<hbm>> -> memref<158x128xi32, #tpu.memory_space<hbm>>
      tpu.wait_dma2 semaphore(%run_scoped3A_67 : memref<!tpu.dma_semaphore, #tpu.memory_space<semaphore_mem>>) src(%dma_wait3A_82 : memref<158x128xi32, #tpu.memory_space<hbm>>) dst(%arg7 : memref<158x128xi32, #tpu.memory_space<vmem>>)
      tpu.yield
    }) : () -> ()
    %scan3A_23 = arith.constant 0 : i32
    %scan3A_24 = arith.constant 0 : i32
    %scan3A_25 = arith.constant 158 : i32
    %scan3A_26 = arith.addi %scan3A_24, %scan3A_25 : i32
    %scan3A_27 = arith.constant 1 : i32
    scf.for %scan3A_67 = %scan3A_24 to %scan3A_26 step %scan3A_27  : i32 {
      %get3A = arith.index_cast %scan3A_67 : i32 to index
      %get3A_68 = arith.constant 0 : index
      %get3A_69 = tpu.vector_load %arg6[%get3A, %get3A_68] {strides = array<i32>} : memref<158x128xi32, #tpu.memory_space<vmem>>, vector<1x16xi32>,
      %get3A_70 = vector.shape_cast %get3A_69 : vector<1x16xi32> to vector<16xi32>
      %mul3A_71 = arith.constant 2 : i32
      %mul3A_72 = vector.broadcast %mul3A_71 : i32 to vector<16xi32>
      %mul3A_73 = arith.muli %get3A_70, %mul3A_72 : vector<16xi32>
      %add3A_74 = vector.broadcast %arg0 : i32 to vector<16xi32>
      %add3A_75 = arith.addi %mul3A_73, %add3A_74 : vector<16xi32>
      %swap3A = arith.index_cast %scan3A_67 : i32 to index
      %swap3A_76 = arith.constant 0 : index
      %swap3A_77 = tpu.vector_load %arg6[%swap3A, %swap3A_76] {strides = array<i32>} : memref<158x128xi32, #tpu.memory_space<vmem>>, vector<1x16xi32>,
      %swap3A_78 = vector.shape_cast %swap3A_77 : vector<1x16xi32> to vector<16xi32>
      %swap3A_79 = vector.shape_cast %add3A_75 : vector<16xi32> to vector<1x16xi32>
      tpu.vector_store %arg6[%swap3A, %swap3A_76], %swap3A_79 {strides = array<i32>} : memref<158x128xi32, #tpu.memory_space<vmem>>, vector<1x16xi32>,
      %get3A_80 = arith.index_cast %scan3A_67 : i32 to index
      %get3A_81 = arith.constant 16 : index
      %get3A_82 = tpu.vector_load %arg6[%get3A_80, %get3A_81] {strides = array<i32>} : memref<158x128xi32, #tpu.memory_space<vmem>>, vector<1x16xi32>,
      %get3A_83 = vector.shape_cast %get3A_82 : vector<1x16xi32> to vector<16xi32>
      %mul3A_84 = arith.constant 2 : i32
      %mul3A_85 = vector.broadcast %mul3A_84 : i32 to vector<16xi32>
      %mul3A_86 = arith.muli %get3A_83, %mul3A_85 : vector<16xi32>
      %add3A_87 = vector.broadcast %arg0 : i32 to vector<16xi32>
      %add3A_88 = arith.addi %mul3A_86, %add3A_87 : vector<16xi32>
      %swap3A_89 = arith.index_cast %scan3A_67 : i32 to index
      %swap3A_90 = arith.constant 16 : index
      %swap3A_91 = tpu.vector_load %arg6[%swap3A_89, %swap3A_90] {strides = array<i32>} : memref<158x128xi32, #tpu.memory_space<vmem>>, vector<1x16xi32>,
      %swap3A_92 = vector.shape_cast %swap3A_91 : vector<1x16xi32> to vector<16xi32>
      %swap3A_93 = vector.shape_cast %add3A_88 : vector<16xi32> to vector<1x16xi32>
      tpu.vector_store %arg6[%swap3A_89, %swap3A_90], %swap3A_93 {strides = array<i32>} : memref<158x128xi32, #tpu.memory_space<vmem>>, vector<1x16xi32>,
      %get3A_94 = arith.index_cast %scan3A_67 : i32 to index
      %get3A_95 = arith.constant 32 : index
      %get3A_96 = tpu.vector_load %arg6[%get3A_94, %get3A_95] {strides = array<i32>} : memref<158x128xi32, #tpu.memory_space<vmem>>, vector<1x16xi32>,
      %get3A_97 = vector.shape_cast %get3A_96 : vector<1x16xi32> to vector<16xi32>
      %mul3A_98 = arith.constant 2 : i32
      %mul3A_99 = vector.broadcast %mul3A_98 : i32 to vector<16xi32>
      %mul3A_100 = arith.muli %get3A_97, %mul3A_99 : vector<16xi32>
      %add3A_101 = vector.broadcast %arg0 : i32 to vector<16xi32>
      %add3A_102 = arith.addi %mul3A_100, %add3A_101 : vector<16xi32>
      %swap3A_103 = arith.index_cast %scan3A_67 : i32 to index
      %swap3A_104 = arith.constant 32 : index
      %swap3A_105 = tpu.vector_load %arg6[%swap3A_103, %swap3A_104] {strides = array<i32>} : memref<158x128xi32, #tpu.memory_space<vmem>>, vector<1x16xi32>,
      %swap3A_106 = vector.shape_cast %swap3A_105 : vector<1x16xi32> to vector<16xi32>
      %swap3A_107 = vector.shape_cast %add3A_102 : vector<16xi32> to vector<1x16xi32>
      tpu.vector_store %arg6[%swap3A_103, %swap3A_104], %swap3A_107 {strides = array<i32>} : memref<158x128xi32, #tpu.memory_space<vmem>>, vector<1x16xi32>,
      %get3A_108 = arith.index_cast %scan3A_67 : i32 to index
      %get3A_109 = arith.constant 48 : index
      %get3A_110 = tpu.vector_load %arg6[%get3A_108, %get3A_109] {strides = array<i32>} : memref<158x128xi32, #tpu.memory_space<vmem>>, vector<1x16xi32>,
      %get3A_111 = vector.shape_cast %get3A_110 : vector<1x16xi32> to vector<16xi32>
      %mul3A_112 = arith.constant 2 : i32
      %mul3A_113 = vector.broadcast %mul3A_112 : i32 to vector<16xi32>
      %mul3A_114 = arith.muli %get3A_111, %mul3A_113 : vector<16xi32>
      %add3A_115 = vector.broadcast %arg0 : i32 to vector<16xi32>
      %add3A_116 = arith.addi %mul3A_114, %add3A_115 : vector<16xi32>
      %swap3A_117 = arith.index_cast %scan3A_67 : i32 to index
      %swap3A_118 = arith.constant 48 : index
      %swap3A_119 = tpu.vector_load %arg6[%swap3A_117, %swap3A_118] {strides = array<i32>} : memref<158x128xi32, #tpu.memory_space<vmem>>, vector<1x16xi32>,
      %swap3A_120 = vector.shape_cast %swap3A_119 : vector<1x16xi32> to vector<16xi32>
      %swap3A_121 = vector.shape_cast %add3A_116 : vector<16xi32> to vector<1x16xi32>
      tpu.vector_store %arg6[%swap3A_117, %swap3A_118], %swap3A_121 {strides = array<i32>} : memref<158x128xi32, #tpu.memory_space<vmem>>, vector<1x16xi32>,
      %get3A_122 = arith.index_cast %scan3A_67 : i32 to index
      %get3A_123 = arith.constant 64 : index
      %get3A_124 = tpu.vector_load %arg6[%get3A_122, %get3A_123] {strides = array<i32>} : memref<158x128xi32, #tpu.memory_space<vmem>>, vector<1x16xi32>,
      %get3A_125 = vector.shape_cast %get3A_124 : vector<1x16xi32> to vector<16xi32>
      %mul3A_126 = arith.constant 2 : i32
      %mul3A_127 = vector.broadcast %mul3A_126 : i32 to vector<16xi32>
      %mul3A_128 = arith.muli %get3A_125, %mul3A_127 : vector<16xi32>
      %add3A_129 = vector.broadcast %arg0 : i32 to vector<16xi32>
      %add3A_130 = arith.addi %mul3A_128, %add3A_129 : vector<16xi32>
      %swap3A_131 = arith.index_cast %scan3A_67 : i32 to index
      %swap3A_132 = arith.constant 64 : index
      %swap3A_133 = tpu.vector_load %arg6[%swap3A_131, %swap3A_132] {strides = array<i32>} : memref<158x128xi32, #tpu.memory_space<vmem>>, vector<1x16xi32>,
      %swap3A_134 = vector.shape_cast %swap3A_133 : vector<1x16xi32> to vector<16xi32>
      %swap3A_135 = vector.shape_cast %add3A_130 : vector<16xi32> to vector<1x16xi32>
      tpu.vector_store %arg6[%swap3A_131, %swap3A_132], %swap3A_135 {strides = array<i32>} : memref<158x128xi32, #tpu.memory_space<vmem>>, vector<1x16xi32>,
      %get3A_136 = arith.index_cast %scan3A_67 : i32 to index
      %get3A_137 = arith.constant 80 : index
      %get3A_138 = tpu.vector_load %arg6[%get3A_136, %get3A_137] {strides = array<i32>} : memref<158x128xi32, #tpu.memory_space<vmem>>, vector<1x16xi32>,
      %get3A_139 = vector.shape_cast %get3A_138 : vector<1x16xi32> to vector<16xi32>
      %mul3A_140 = arith.constant 2 : i32
      %mul3A_141 = vector.broadcast %mul3A_140 : i32 to vector<16xi32>
      %mul3A_142 = arith.muli %get3A_139, %mul3A_141 : vector<16xi32>
      %add3A_143 = vector.broadcast %arg0 : i32 to vector<16xi32>
      %add3A_144 = arith.addi %mul3A_142, %add3A_143 : vector<16xi32>
      %swap3A_145 = arith.index_cast %scan3A_67 : i32 to index
      %swap3A_146 = arith.constant 80 : index
      %swap3A_147 = tpu.vector_load %arg6[%swap3A_145, %swap3A_146] {strides = array<i32>} : memref<158x128xi32, #tpu.memory_space<vmem>>, vector<1x16xi32>,
      %swap3A_148 = vector.shape_cast %swap3A_147 : vector<1x16xi32> to vector<16xi32>
      %swap3A_149 = vector.shape_cast %add3A_144 : vector<16xi32> to vector<1x16xi32>
      tpu.vector_store %arg6[%swap3A_145, %swap3A_146], %swap3A_149 {strides = array<i32>} : memref<158x128xi32, #tpu.memory_space<vmem>>, vector<1x16xi32>,
      %get3A_150 = arith.index_cast %scan3A_67 : i32 to index
      %get3A_151 = arith.constant 96 : index
      %get3A_152 = tpu.vector_load %arg6[%get3A_150, %get3A_151] {strides = array<i32>} : memref<158x128xi32, #tpu.memory_space<vmem>>, vector<1x16xi32>,
      %get3A_153 = vector.shape_cast %get3A_152 : vector<1x16xi32> to vector<16xi32>
      %mul3A_154 = arith.constant 2 : i32
      %mul3A_155 = vector.broadcast %mul3A_154 : i32 to vector<16xi32>
      %mul3A_156 = arith.muli %get3A_153, %mul3A_155 : vector<16xi32>
      %add3A_157 = vector.broadcast %arg0 : i32 to vector<16xi32>
      %add3A_158 = arith.addi %mul3A_156, %add3A_157 : vector<16xi32>
      %swap3A_159 = arith.index_cast %scan3A_67 : i32 to index
      %swap3A_160 = arith.constant 96 : index
      %swap3A_161 = tpu.vector_load %arg6[%swap3A_159, %swap3A_160] {strides = array<i32>} : memref<158x128xi32, #tpu.memory_space<vmem>>, vector<1x16xi32>,
      %swap3A_162 = vector.shape_cast %swap3A_161 : vector<1x16xi32> to vector<16xi32>
      %swap3A_163 = vector.shape_cast %add3A_158 : vector<16xi32> to vector<1x16xi32>
      tpu.vector_store %arg6[%swap3A_159, %swap3A_160], %swap3A_163 {strides = array<i32>} : memref<158x128xi32, #tpu.memory_space<vmem>>, vector<1x16xi32>,
      %get3A_164 = arith.index_cast %scan3A_67 : i32 to index
      %get3A_165 = arith.constant 112 : index
      %get3A_166 = tpu.vector_load %arg6[%get3A_164, %get3A_165] {strides = array<i32>} : memref<158x128xi32, #tpu.memory_space<vmem>>, vector<1x16xi32>,
      %get3A_167 = vector.shape_cast %get3A_166 : vector<1x16xi32> to vector<16xi32>
      %mul3A_168 = arith.constant 2 : i32
      %mul3A_169 = vector.broadcast %mul3A_168 : i32 to vector<16xi32>
      %mul3A_170 = arith.muli %get3A_167, %mul3A_169 : vector<16xi32>
      %add3A_171 = vector.broadcast %arg0 : i32 to vector<16xi32>
      %add3A_172 = arith.addi %mul3A_170, %add3A_171 : vector<16xi32>
      %swap3A_173 = arith.index_cast %scan3A_67 : i32 to index
      %swap3A_174 = arith.constant 112 : index
      %swap3A_175 = tpu.vector_load %arg6[%swap3A_173, %swap3A_174] {strides = array<i32>} : memref<158x128xi32, #tpu.memory_space<vmem>>, vector<1x16xi32>,
      %swap3A_176 = vector.shape_cast %swap3A_175 : vector<1x16xi32> to vector<16xi32>
      %swap3A_177 = vector.shape_cast %add3A_172 : vector<16xi32> to vector<1x16xi32>
      tpu.vector_store %arg6[%swap3A_173, %swap3A_174], %swap3A_177 {strides = array<i32>} : memref<158x128xi32, #tpu.memory_space<vmem>>, vector<1x16xi32>,
    }
    %scan3A_28 = arith.constant 158 : i32
    %dma_start3A = arith.constant 0 : i32
    %dma_start3A_29 = arith.constant 0 : i32
    %dma_start3A_30 = arith.constant 0 : i32
    %dma_start3A_31 = arith.constant 0 : i32
    %dma_start3A_32 = tpu.memref_slice %arg8[%dma_start3A_29, %dma_start3A_30, %dma_start3A_31] : memref<2x128x64xf32, #tpu.memory_space<vmem>> -> memref<1x128x64xf32, #tpu.memory_space<vmem>>
    %dma_start3A_33 = tpu.memref_squeeze %dma_start3A_32 : memref<1x128x64xf32, #tpu.memory_space<vmem>> -> memref<128x64xf32, #tpu.memory_space<vmem>>
    %dma_start3A_34 = arith.constant 0 : i32
    %dma_start3A_35 = tpu.memref_slice %arg6[%dma_start3A, %dma_start3A_34] : memref<158x128xi32, #tpu.memory_space<vmem>> -> memref<1x128xi32, #tpu.memory_space<vmem>>
    %dma_start3A_36 = tpu.memref_squeeze %dma_start3A_35 : memref<1x128xi32, #tpu.memory_space<vmem>> -> memref<128xi32, #tpu.memory_space<vmem>>
    %dma_start3A_37 = arith.constant 0 : i32
    %dma_start3A_38 = arith.constant 0 : i32
    %dma_start3A_39 = tpu.memref_slice %arg4[%dma_start3A_37, %dma_start3A_38] : memref<20480x64xf32, #tpu.memory_space<hbm>> -> memref<20480x64xf32, #tpu.memory_space<hbm>>
    tpu.enqueue_indirect_dma source(%dma_start3A_39 : memref<20480x64xf32, #tpu.memory_space<hbm>>) target(%dma_start3A_33 : memref<128x64xf32, #tpu.memory_space<vmem>>) offsets(%dma_start3A_36 : memref<128xi32, #tpu.memory_space<vmem>>) semaphore(%arg10 : memref<!tpu.dma_semaphore, #tpu.memory_space<semaphore_mem>>)
    %scan3A_40 = arith.constant 0 : i32
    %scan3A_41 = arith.constant 0 : i32
    %scan3A_42 = arith.constant 79 : i32
    %scan3A_43 = arith.addi %scan3A_41, %scan3A_42 : i32
    %scan3A_44 = arith.constant 1 : i32
    scf.for %scan3A_67 = %scan3A_41 to %scan3A_43 step %scan3A_44  : i32 {
      %mul3A_68 = arith.constant 2 : i32
      %mul3A_69 = arith.muli %scan3A_67, %mul3A_68 : i32
      %add3A_70 = arith.constant 0 : i32
      %add3A_71 = arith.addi %mul3A_69, %add3A_70 : i32
      %add3A_72 = arith.constant 1 : i32
      %add3A_73 = arith.addi %add3A_71, %add3A_72 : i32
      %lt3A = arith.constant 158 : i32
      %lt3A_74 = arith.cmpi slt, %add3A_73, %lt3A : i32
      %convert_element_type3A = arith.extui %lt3A_74 : i1 to i32
      %cond3A = arith.constant 0 : i32
      %cond3A_75 = arith.cmpi ne, %convert_element_type3A, %cond3A : i32
      scf.if %cond3A_75 {
        %add3A_110 = arith.constant 1 : i32
        %add3A_111 = arith.addi %add3A_71, %add3A_110 : i32
        %dma_start3A_112 = arith.constant 1 : i32
        %dma_start3A_113 = arith.constant 0 : i32
        %dma_start3A_114 = arith.constant 0 : i32
        %dma_start3A_115 = tpu.memref_slice %arg8[%dma_start3A_112, %dma_start3A_113, %dma_start3A_114] : memref<2x128x64xf32, #tpu.memory_space<vmem>> -> memref<1x128x64xf32, #tpu.memory_space<vmem>>
        %dma_start3A_116 = tpu.memref_squeeze %dma_start3A_115 : memref<1x128x64xf32, #tpu.memory_space<vmem>> -> memref<128x64xf32, #tpu.memory_space<vmem>>
        %dma_start3A_117 = arith.constant 0 : i32
        %dma_start3A_118 = tpu.memref_slice %arg6[%add3A_111, %dma_start3A_117] : memref<158x128xi32, #tpu.memory_space<vmem>> -> memref<1x128xi32, #tpu.memory_space<vmem>>
        %dma_start3A_119 = tpu.memref_squeeze %dma_start3A_118 : memref<1x128xi32, #tpu.memory_space<vmem>> -> memref<128xi32, #tpu.memory_space<vmem>>
        %dma_start3A_120 = arith.constant 0 : i32
        %dma_start3A_121 = arith.constant 0 : i32
        %dma_start3A_122 = tpu.memref_slice %arg4[%dma_start3A_120, %dma_start3A_121] : memref<20480x64xf32, #tpu.memory_space<hbm>> -> memref<20480x64xf32, #tpu.memory_space<hbm>>
        tpu.enqueue_indirect_dma source(%dma_start3A_122 : memref<20480x64xf32, #tpu.memory_space<hbm>>) target(%dma_start3A_116 : memref<128x64xf32, #tpu.memory_space<vmem>>) offsets(%dma_start3A_119 : memref<128xi32, #tpu.memory_space<vmem>>) semaphore(%arg11 : memref<!tpu.dma_semaphore, #tpu.memory_space<semaphore_mem>>)
      } else {
      }
      %dma_wait3A = arith.constant 0 : i32
      %dma_wait3A_76 = arith.constant 0 : i32
      %dma_wait3A_77 = arith.constant 0 : i32
      %dma_wait3A_78 = tpu.memref_slice %arg8[%dma_wait3A, %dma_wait3A_76, %dma_wait3A_77] : memref<2x128x64xf32, #tpu.memory_space<vmem>> -> memref<1x128x64xf32, #tpu.memory_space<vmem>>
      %dma_wait3A_79 = tpu.memref_squeeze %dma_wait3A_78 : memref<1x128x64xf32, #tpu.memory_space<vmem>> -> memref<128x64xf32, #tpu.memory_space<vmem>>
      %dma_wait3A_80 = arith.constant 0 : i32
      %dma_wait3A_81 = tpu.memref_slice %arg6[%add3A_71, %dma_wait3A_80] : memref<158x128xi32, #tpu.memory_space<vmem>> -> memref<1x128xi32, #tpu.memory_space<vmem>>
      %dma_wait3A_82 = tpu.memref_squeeze %dma_wait3A_81 : memref<1x128xi32, #tpu.memory_space<vmem>> -> memref<128xi32, #tpu.memory_space<vmem>>
      %dma_wait3A_83 = arith.constant 0 : i32
      %dma_wait3A_84 = arith.constant 0 : i32
      %dma_wait3A_85 = tpu.memref_slice %arg4[%dma_wait3A_83, %dma_wait3A_84] : memref<20480x64xf32, #tpu.memory_space<hbm>> -> memref<20480x64xf32, #tpu.memory_space<hbm>>
      tpu.wait_indirect_dma semaphore(%arg10 : memref<!tpu.dma_semaphore, #tpu.memory_space<semaphore_mem>>) src(%dma_wait3A_85 : memref<20480x64xf32, #tpu.memory_space<hbm>>) dst(%dma_wait3A_79 : memref<128x64xf32, #tpu.memory_space<vmem>>)
      %run_scoped3A_86 = arith.constant 0 : i32
      "tpu.region"() ({
        %run_scoped3A_110 = tpu.sem_alloc : memref<!tpu.dma_semaphore, #tpu.memory_space<semaphore_mem>>
        %dma_start3A_111 = arith.constant 0 : i32
        %dma_start3A_112 = arith.constant 0 : i32
        %dma_start3A_113 = tpu.memref_slice %arg8[%run_scoped3A_86, %dma_start3A_111, %dma_start3A_112] : memref<2x128x64xf32, #tpu.memory_space<vmem>> -> memref<1x128x64xf32, #tpu.memory_space<vmem>>
        %dma_start3A_114 = tpu.memref_squeeze %dma_start3A_113 : memref<1x128x64xf32, #tpu.memory_space<vmem>> -> memref<128x64xf32, #tpu.memory_space<vmem>>
        %dma_start3A_115 = arith.constant 0 : i32
        %dma_start3A_116 = tpu.memref_slice %arg7[%add3A_71, %dma_start3A_115] : memref<158x128xi32, #tpu.memory_space<vmem>> -> memref<1x128xi32, #tpu.memory_space<vmem>>
        %dma_start3A_117 = tpu.memref_squeeze %dma_start3A_116 : memref<1x128xi32, #tpu.memory_space<vmem>> -> memref<128xi32, #tpu.memory_space<vmem>>
        %dma_start3A_118 = arith.constant 0 : i32
        %dma_start3A_119 = arith.constant 0 : i32
        %dma_start3A_120 = tpu.memref_slice %arg9[%dma_start3A_118, %dma_start3A_119] : memref<10240x64xf32, #tpu.memory_space<vmem_shared>> -> memref<10240x64xf32, #tpu.memory_space<vmem_shared>>
        tpu.enqueue_indirect_dma source(%dma_start3A_114 : memref<128x64xf32, #tpu.memory_space<vmem>>) target(%dma_start3A_120 : memref<10240x64xf32, #tpu.memory_space<vmem_shared>>) offsets(%dma_start3A_117 : memref<128xi32, #tpu.memory_space<vmem>>) semaphore(%run_scoped3A_110 : memref<!tpu.dma_semaphore, #tpu.memory_space<semaphore_mem>>) {add = true}
        %dma_wait3A_121 = arith.constant 0 : i32
        %dma_wait3A_122 = arith.constant 0 : i32
        %dma_wait3A_123 = tpu.memref_slice %arg8[%run_scoped3A_86, %dma_wait3A_121, %dma_wait3A_122] : memref<2x128x64xf32, #tpu.memory_space<vmem>> -> memref<1x128x64xf32, #tpu.memory_space<vmem>>
        %dma_wait3A_124 = tpu.memref_squeeze %dma_wait3A_123 : memref<1x128x64xf32, #tpu.memory_space<vmem>> -> memref<128x64xf32, #tpu.memory_space<vmem>>
        %dma_wait3A_125 = arith.constant 0 : i32
        %dma_wait3A_126 = tpu.memref_slice %arg7[%add3A_71, %dma_wait3A_125] : memref<158x128xi32, #tpu.memory_space<vmem>> -> memref<1x128xi32, #tpu.memory_space<vmem>>
        %dma_wait3A_127 = tpu.memref_squeeze %dma_wait3A_126 : memref<1x128xi32, #tpu.memory_space<vmem>> -> memref<128xi32, #tpu.memory_space<vmem>>
        %dma_wait3A_128 = arith.constant 0 : i32
        %dma_wait3A_129 = arith.constant 0 : i32
        %dma_wait3A_130 = tpu.memref_slice %arg9[%dma_wait3A_128, %dma_wait3A_129] : memref<10240x64xf32, #tpu.memory_space<vmem_shared>> -> memref<10240x64xf32, #tpu.memory_space<vmem_shared>>
        tpu.wait_indirect_dma semaphore(%run_scoped3A_110 : memref<!tpu.dma_semaphore, #tpu.memory_space<semaphore_mem>>) src(%dma_wait3A_124 : memref<128x64xf32, #tpu.memory_space<vmem>>) dst(%dma_wait3A_130 : memref<10240x64xf32, #tpu.memory_space<vmem_shared>>)
        tpu.yield
      }) : () -> ()
      %mul3A_87 = arith.constant 2 : i32
      %mul3A_88 = arith.muli %scan3A_67, %mul3A_87 : i32
      %add3A_89 = arith.constant 1 : i32
      %add3A_90 = arith.addi %mul3A_88, %add3A_89 : i32
      %add3A_91 = arith.constant 1 : i32
      %add3A_92 = arith.addi %add3A_90, %add3A_91 : i32
      %lt3A_93 = arith.constant 158 : i32
      %lt3A_94 = arith.cmpi slt, %add3A_92, %lt3A_93 : i32
      %convert_element_type3A_95 = arith.extui %lt3A_94 : i1 to i32
      %cond3A_96 = arith.constant 0 : i32
      %cond3A_97 = arith.cmpi ne, %convert_element_type3A_95, %cond3A_96 : i32
      scf.if %cond3A_97 {
        %add3A_110 = arith.constant 1 : i32
        %add3A_111 = arith.addi %add3A_90, %add3A_110 : i32
        %dma_start3A_112 = arith.constant 0 : i32
        %dma_start3A_113 = arith.constant 0 : i32
        %dma_start3A_114 = arith.constant 0 : i32
        %dma_start3A_115 = tpu.memref_slice %arg8[%dma_start3A_112, %dma_start3A_113, %dma_start3A_114] : memref<2x128x64xf32, #tpu.memory_space<vmem>> -> memref<1x128x64xf32, #tpu.memory_space<vmem>>
        %dma_start3A_116 = tpu.memref_squeeze %dma_start3A_115 : memref<1x128x64xf32, #tpu.memory_space<vmem>> -> memref<128x64xf32, #tpu.memory_space<vmem>>
        %dma_start3A_117 = arith.constant 0 : i32
        %dma_start3A_118 = tpu.memref_slice %arg6[%add3A_111, %dma_start3A_117] : memref<158x128xi32, #tpu.memory_space<vmem>> -> memref<1x128xi32, #tpu.memory_space<vmem>>
        %dma_start3A_119 = tpu.memref_squeeze %dma_start3A_118 : memref<1x128xi32, #tpu.memory_space<vmem>> -> memref<128xi32, #tpu.memory_space<vmem>>
        %dma_start3A_120 = arith.constant 0 : i32
        %dma_start3A_121 = arith.constant 0 : i32
        %dma_start3A_122 = tpu.memref_slice %arg4[%dma_start3A_120, %dma_start3A_121] : memref<20480x64xf32, #tpu.memory_space<hbm>> -> memref<20480x64xf32, #tpu.memory_space<hbm>>
        tpu.enqueue_indirect_dma source(%dma_start3A_122 : memref<20480x64xf32, #tpu.memory_space<hbm>>) target(%dma_start3A_116 : memref<128x64xf32, #tpu.memory_space<vmem>>) offsets(%dma_start3A_119 : memref<128xi32, #tpu.memory_space<vmem>>) semaphore(%arg10 : memref<!tpu.dma_semaphore, #tpu.memory_space<semaphore_mem>>)
      } else {
      }
      %dma_wait3A_98 = arith.constant 1 : i32
      %dma_wait3A_99 = arith.constant 0 : i32
      %dma_wait3A_100 = arith.constant 0 : i32
      %dma_wait3A_101 = tpu.memref_slice %arg8[%dma_wait3A_98, %dma_wait3A_99, %dma_wait3A_100] : memref<2x128x64xf32, #tpu.memory_space<vmem>> -> memref<1x128x64xf32, #tpu.memory_space<vmem>>
      %dma_wait3A_102 = tpu.memref_squeeze %dma_wait3A_101 : memref<1x128x64xf32, #tpu.memory_space<vmem>> -> memref<128x64xf32, #tpu.memory_space<vmem>>
      %dma_wait3A_103 = arith.constant 0 : i32
      %dma_wait3A_104 = tpu.memref_slice %arg6[%add3A_90, %dma_wait3A_103] : memref<158x128xi32, #tpu.memory_space<vmem>> -> memref<1x128xi32, #tpu.memory_space<vmem>>
      %dma_wait3A_105 = tpu.memref_squeeze %dma_wait3A_104 : memref<1x128xi32, #tpu.memory_space<vmem>> -> memref<128xi32, #tpu.memory_space<vmem>>
      %dma_wait3A_106 = arith.constant 0 : i32
      %dma_wait3A_107 = arith.constant 0 : i32
      %dma_wait3A_108 = tpu.memref_slice %arg4[%dma_wait3A_106, %dma_wait3A_107] : memref<20480x64xf32, #tpu.memory_space<hbm>> -> memref<20480x64xf32, #tpu.memory_space<hbm>>
      tpu.wait_indirect_dma semaphore(%arg11 : memref<!tpu.dma_semaphore, #tpu.memory_space<semaphore_mem>>) src(%dma_wait3A_108 : memref<20480x64xf32, #tpu.memory_space<hbm>>) dst(%dma_wait3A_102 : memref<128x64xf32, #tpu.memory_space<vmem>>)
      %run_scoped3A_109 = arith.constant 1 : i32
      "tpu.region"() ({
        %run_scoped3A_110 = tpu.sem_alloc : memref<!tpu.dma_semaphore, #tpu.memory_space<semaphore_mem>>
        %dma_start3A_111 = arith.constant 0 : i32
        %dma_start3A_112 = arith.constant 0 : i32
        %dma_start3A_113 = tpu.memref_slice %arg8[%run_scoped3A_109, %dma_start3A_111, %dma_start3A_112] : memref<2x128x64xf32, #tpu.memory_space<vmem>> -> memref<1x128x64xf32, #tpu.memory_space<vmem>>
        %dma_start3A_114 = tpu.memref_squeeze %dma_start3A_113 : memref<1x128x64xf32, #tpu.memory_space<vmem>> -> memref<128x64xf32, #tpu.memory_space<vmem>>
        %dma_start3A_115 = arith.constant 0 : i32
        %dma_start3A_116 = tpu.memref_slice %arg7[%add3A_90, %dma_start3A_115] : memref<158x128xi32, #tpu.memory_space<vmem>> -> memref<1x128xi32, #tpu.memory_space<vmem>>
        %dma_start3A_117 = tpu.memref_squeeze %dma_start3A_116 : memref<1x128xi32, #tpu.memory_space<vmem>> -> memref<128xi32, #tpu.memory_space<vmem>>
        %dma_start3A_118 = arith.constant 0 : i32
        %dma_start3A_119 = arith.constant 0 : i32
        %dma_start3A_120 = tpu.memref_slice %arg9[%dma_start3A_118, %dma_start3A_119] : memref<10240x64xf32, #tpu.memory_space<vmem_shared>> -> memref<10240x64xf32, #tpu.memory_space<vmem_shared>>
        tpu.enqueue_indirect_dma source(%dma_start3A_114 : memref<128x64xf32, #tpu.memory_space<vmem>>) target(%dma_start3A_120 : memref<10240x64xf32, #tpu.memory_space<vmem_shared>>) offsets(%dma_start3A_117 : memref<128xi32, #tpu.memory_space<vmem>>) semaphore(%run_scoped3A_110 : memref<!tpu.dma_semaphore, #tpu.memory_space<semaphore_mem>>) {add = true}
        %dma_wait3A_121 = arith.constant 0 : i32
        %dma_wait3A_122 = arith.constant 0 : i32
        %dma_wait3A_123 = tpu.memref_slice %arg8[%run_scoped3A_109, %dma_wait3A_121, %dma_wait3A_122] : memref<2x128x64xf32, #tpu.memory_space<vmem>> -> memref<1x128x64xf32, #tpu.memory_space<vmem>>
        %dma_wait3A_124 = tpu.memref_squeeze %dma_wait3A_123 : memref<1x128x64xf32, #tpu.memory_space<vmem>> -> memref<128x64xf32, #tpu.memory_space<vmem>>
        %dma_wait3A_125 = arith.constant 0 : i32
        %dma_wait3A_126 = tpu.memref_slice %arg7[%add3A_90, %dma_wait3A_125] : memref<158x128xi32, #tpu.memory_space<vmem>> -> memref<1x128xi32, #tpu.memory_space<vmem>>
        %dma_wait3A_127 = tpu.memref_squeeze %dma_wait3A_126 : memref<1x128xi32, #tpu.memory_space<vmem>> -> memref<128xi32, #tpu.memory_space<vmem>>
        %dma_wait3A_128 = arith.constant 0 : i32
        %dma_wait3A_129 = arith.constant 0 : i32
        %dma_wait3A_130 = tpu.memref_slice %arg9[%dma_wait3A_128, %dma_wait3A_129] : memref<10240x64xf32, #tpu.memory_space<vmem_shared>> -> memref<10240x64xf32, #tpu.memory_space<vmem_shared>>
        tpu.wait_indirect_dma semaphore(%run_scoped3A_110 : memref<!tpu.dma_semaphore, #tpu.memory_space<semaphore_mem>>) src(%dma_wait3A_124 : memref<128x64xf32, #tpu.memory_space<vmem>>) dst(%dma_wait3A_130 : memref<10240x64xf32, #tpu.memory_space<vmem_shared>>)
        tpu.yield
      }) : () -> ()
    }
    %scan3A_45 = arith.constant 79 : i32
    %barrier3A_46 = arith.constant 0 : index
    tpu.barrier barrier_id(%barrier3A_46)
    %add3A_47 = arith.constant 0 : i32
    %add3A_48 = arith.addi %mul3A_0, %add3A_47 : i32
    %add3A_49 = arith.constant 0 : i32
    %add3A_50 = arith.addi %add3A, %add3A_49 : i32
    "tpu.region"() ({
      %run_scoped3A_67 = tpu.sem_alloc : memref<!tpu.dma_semaphore, #tpu.memory_space<semaphore_mem>>
      %dma_start3A_68 = arith.constant 0 : i32
      %dma_start3A_69 = tpu.memref_slice %arg5[%add3A_50, %dma_start3A_68] : memref<20480x64xf32, #tpu.memory_space<hbm>> -> memref<128x64xf32, #tpu.memory_space<hbm>>
      %dma_start3A_70 = arith.constant 0 : i32
      %dma_start3A_71 = tpu.memref_slice %arg9[%add3A_48, %dma_start3A_70] : memref<10240x64xf32, #tpu.memory_space<vmem_shared>> -> memref<128x64xf32, #tpu.memory_space<vmem_shared>>
      tpu.enqueue_dma source(%dma_start3A_71 : memref<128x64xf32, #tpu.memory_space<vmem_shared>>) target(%dma_start3A_69 : memref<128x64xf32, #tpu.memory_space<hbm>>) target_semaphore(%run_scoped3A_67 : memref<!tpu.dma_semaphore, #tpu.memory_space<semaphore_mem>>)
      %dma_wait3A = arith.constant 0 : i32
      %dma_wait3A_72 = tpu.memref_slice %arg5[%add3A_50, %dma_wait3A] : memref<20480x64xf32, #tpu.memory_space<hbm>> -> memref<128x64xf32, #tpu.memory_space<hbm>>
      %dma_wait3A_73 = arith.constant 0 : i32
      %dma_wait3A_74 = tpu.memref_slice %arg9[%add3A_48, %dma_wait3A_73] : memref<10240x64xf32, #tpu.memory_space<vmem_shared>> -> memref<128x64xf32, #tpu.memory_space<vmem_shared>>
      tpu.wait_dma2 semaphore(%run_scoped3A_67 : memref<!tpu.dma_semaphore, #tpu.memory_space<semaphore_mem>>) src(%dma_wait3A_74 : memref<128x64xf32, #tpu.memory_space<vmem_shared>>) dst(%dma_wait3A_72 : memref<128x64xf32, #tpu.memory_space<hbm>>)
      tpu.yield
    }) : () -> ()
    %add3A_51 = arith.constant 128 : i32
    %add3A_52 = arith.addi %mul3A_0, %add3A_51 : i32
    %add3A_53 = arith.constant 128 : i32
    %add3A_54 = arith.addi %add3A, %add3A_53 : i32
    "tpu.region"() ({
      %run_scoped3A_67 = tpu.sem_alloc : memref<!tpu.dma_semaphore, #tpu.memory_space<semaphore_mem>>
      %dma_start3A_68 = arith.constant 0 : i32
      %dma_start3A_69 = tpu.memref_slice %arg5[%add3A_54, %dma_start3A_68] : memref<20480x64xf32, #tpu.memory_space<hbm>> -> memref<128x64xf32, #tpu.memory_space<hbm>>
      %dma_start3A_70 = arith.constant 0 : i32
      %dma_start3A_71 = tpu.memref_slice %arg9[%add3A_52, %dma_start3A_70] : memref<10240x64xf32, #tpu.memory_space<vmem_shared>> -> memref<128x64xf32, #tpu.memory_space<vmem_shared>>
      tpu.enqueue_dma source(%dma_start3A_71 : memref<128x64xf32, #tpu.memory_space<vmem_shared>>) target(%dma_start3A_69 : memref<128x64xf32, #tpu.memory_space<hbm>>) target_semaphore(%run_scoped3A_67 : memref<!tpu.dma_semaphore, #tpu.memory_space<semaphore_mem>>)
      %dma_wait3A = arith.constant 0 : i32
      %dma_wait3A_72 = tpu.memref_slice %arg5[%add3A_54, %dma_wait3A] : memref<20480x64xf32, #tpu.memory_space<hbm>> -> memref<128x64xf32, #tpu.memory_space<hbm>>
      %dma_wait3A_73 = arith.constant 0 : i32
      %dma_wait3A_74 = tpu.memref_slice %arg9[%add3A_52, %dma_wait3A_73] : memref<10240x64xf32, #tpu.memory_space<vmem_shared>> -> memref<128x64xf32, #tpu.memory_space<vmem_shared>>
      tpu.wait_dma2 semaphore(%run_scoped3A_67 : memref<!tpu.dma_semaphore, #tpu.memory_space<semaphore_mem>>) src(%dma_wait3A_74 : memref<128x64xf32, #tpu.memory_space<vmem_shared>>) dst(%dma_wait3A_72 : memref<128x64xf32, #tpu.memory_space<hbm>>)
      tpu.yield
    }) : () -> ()
    %add3A_55 = arith.constant 256 : i32
    %add3A_56 = arith.addi %mul3A_0, %add3A_55 : i32
    %add3A_57 = arith.constant 256 : i32
    %add3A_58 = arith.addi %add3A, %add3A_57 : i32
    "tpu.region"() ({
      %run_scoped3A_67 = tpu.sem_alloc : memref<!tpu.dma_semaphore, #tpu.memory_space<semaphore_mem>>
      %dma_start3A_68 = arith.constant 0 : i32
      %dma_start3A_69 = tpu.memref_slice %arg5[%add3A_58, %dma_start3A_68] : memref<20480x64xf32, #tpu.memory_space<hbm>> -> memref<128x64xf32, #tpu.memory_space<hbm>>
      %dma_start3A_70 = arith.constant 0 : i32
      %dma_start3A_71 = tpu.memref_slice %arg9[%add3A_56, %dma_start3A_70] : memref<10240x64xf32, #tpu.memory_space<vmem_shared>> -> memref<128x64xf32, #tpu.memory_space<vmem_shared>>
      tpu.enqueue_dma source(%dma_start3A_71 : memref<128x64xf32, #tpu.memory_space<vmem_shared>>) target(%dma_start3A_69 : memref<128x64xf32, #tpu.memory_space<hbm>>) target_semaphore(%run_scoped3A_67 : memref<!tpu.dma_semaphore, #tpu.memory_space<semaphore_mem>>)
      %dma_wait3A = arith.constant 0 : i32
      %dma_wait3A_72 = tpu.memref_slice %arg5[%add3A_58, %dma_wait3A] : memref<20480x64xf32, #tpu.memory_space<hbm>> -> memref<128x64xf32, #tpu.memory_space<hbm>>
      %dma_wait3A_73 = arith.constant 0 : i32
      %dma_wait3A_74 = tpu.memref_slice %arg9[%add3A_56, %dma_wait3A_73] : memref<10240x64xf32, #tpu.memory_space<vmem_shared>> -> memref<128x64xf32, #tpu.memory_space<vmem_shared>>
      tpu.wait_dma2 semaphore(%run_scoped3A_67 : memref<!tpu.dma_semaphore, #tpu.memory_space<semaphore_mem>>) src(%dma_wait3A_74 : memref<128x64xf32, #tpu.memory_space<vmem_shared>>) dst(%dma_wait3A_72 : memref<128x64xf32, #tpu.memory_space<hbm>>)
      tpu.yield
    }) : () -> ()
    %add3A_59 = arith.constant 384 : i32
    %add3A_60 = arith.addi %mul3A_0, %add3A_59 : i32
    %add3A_61 = arith.constant 384 : i32
    %add3A_62 = arith.addi %add3A, %add3A_61 : i32
    "tpu.region"() ({
      %run_scoped3A_67 = tpu.sem_alloc : memref<!tpu.dma_semaphore, #tpu.memory_space<semaphore_mem>>
      %dma_start3A_68 = arith.constant 0 : i32
      %dma_start3A_69 = tpu.memref_slice %arg5[%add3A_62, %dma_start3A_68] : memref<20480x64xf32, #tpu.memory_space<hbm>> -> memref<128x64xf32, #tpu.memory_space<hbm>>
      %dma_start3A_70 = arith.constant 0 : i32
      %dma_start3A_71 = tpu.memref_slice %arg9[%add3A_60, %dma_start3A_70] : memref<10240x64xf32, #tpu.memory_space<vmem_shared>> -> memref<128x64xf32, #tpu.memory_space<vmem_shared>>
      tpu.enqueue_dma source(%dma_start3A_71 : memref<128x64xf32, #tpu.memory_space<vmem_shared>>) target(%dma_start3A_69 : memref<128x64xf32, #tpu.memory_space<hbm>>) target_semaphore(%run_scoped3A_67 : memref<!tpu.dma_semaphore, #tpu.memory_space<semaphore_mem>>)
      %dma_wait3A = arith.constant 0 : i32
      %dma_wait3A_72 = tpu.memref_slice %arg5[%add3A_62, %dma_wait3A] : memref<20480x64xf32, #tpu.memory_space<hbm>> -> memref<128x64xf32, #tpu.memory_space<hbm>>
      %dma_wait3A_73 = arith.constant 0 : i32
      %dma_wait3A_74 = tpu.memref_slice %arg9[%add3A_60, %dma_wait3A_73] : memref<10240x64xf32, #tpu.memory_space<vmem_shared>> -> memref<128x64xf32, #tpu.memory_space<vmem_shared>>
      tpu.wait_dma2 semaphore(%run_scoped3A_67 : memref<!tpu.dma_semaphore, #tpu.memory_space<semaphore_mem>>) src(%dma_wait3A_74 : memref<128x64xf32, #tpu.memory_space<vmem_shared>>) dst(%dma_wait3A_72 : memref<128x64xf32, #tpu.memory_space<hbm>>)
      tpu.yield
    }) : () -> ()
    %add3A_63 = arith.constant 512 : i32
    %add3A_64 = arith.addi %mul3A_0, %add3A_63 : i32
    %add3A_65 = arith.constant 512 : i32
    %add3A_66 = arith.addi %add3A, %add3A_65 : i32
    "tpu.region"() ({
      %run_scoped3A_67 = tpu.sem_alloc : memref<!tpu.dma_semaphore, #tpu.memory_space<semaphore_mem>>
      %dma_start3A_68 = arith.constant 0 : i32
      %dma_start3A_69 = tpu.memref_slice %arg5[%add3A_66, %dma_start3A_68] : memref<20480x64xf32, #tpu.memory_space<hbm>> -> memref<128x64xf32, #tpu.memory_space<hbm>>
      %dma_start3A_70 = arith.constant 0 : i32
      %dma_start3A_71 = tpu.memref_slice %arg9[%add3A_64, %dma_start3A_70] : memref<10240x64xf32, #tpu.memory_space<vmem_shared>> -> memref<128x64xf32, #tpu.memory_space<vmem_shared>>
      tpu.enqueue_dma source(%dma_start3A_71 : memref<128x64xf32, #tpu.memory_space<vmem_shared>>) target(%dma_start3A_69 : memref<128x64xf32, #tpu.memory_space<hbm>>) target_semaphore(%run_scoped3A_67 : memref<!tpu.dma_semaphore, #tpu.memory_space<semaphore_mem>>)
      %dma_wait3A = arith.constant 0 : i32
      %dma_wait3A_72 = tpu.memref_slice %arg5[%add3A_66, %dma_wait3A] : memref<20480x64xf32, #tpu.memory_space<hbm>> -> memref<128x64xf32, #tpu.memory_space<hbm>>
      %dma_wait3A_73 = arith.constant 0 : i32
      %dma_wait3A_74 = tpu.memref_slice %arg9[%add3A_64, %dma_wait3A_73] : memref<10240x64xf32, #tpu.memory_space<vmem_shared>> -> memref<128x64xf32, #tpu.memory_space<vmem_shared>>
      tpu.wait_dma2 semaphore(%run_scoped3A_67 : memref<!tpu.dma_semaphore, #tpu.memory_space<semaphore_mem>>) src(%dma_wait3A_74 : memref<128x64xf32, #tpu.memory_space<vmem_shared>>) dst(%dma_wait3A_72 : memref<128x64xf32, #tpu.memory_space<hbm>>)
      tpu.yield
    }) : () -> ()
    return
  }
}

#map = affine_map<(d0, d1) -> (0, 0, 0)>
#map1 = affine_map<(d0, d1) -> (0, 0)>
module attributes {stable_mosaic.version = 14 : i64} {
  func.func @deg(%arg0: i32, %arg1: i32, %arg2: memref<16x158x128xi32, #tpu.memory_space<hbm>>, %arg3: memref<20480x128xf32, #tpu.memory_space<hbm>>, %arg4: memref<158x128xi32, #tpu.memory_space<vmem>>, %arg5: memref<128x16xf32, #tpu.memory_space<vmem>>, %arg6: memref<640x16xf32, #tpu.memory_space<vmem>>, %arg7: memref<128x128xf32, #tpu.memory_space<vmem>>, %arg8: memref<10240x16xf32, #tpu.memory_space<vmem_shared>>) attributes {dimension_semantics = [#tpu.dimension_semantics<core_parallel>, #tpu.dimension_semantics<subcore_parallel>], iteration_bounds = array<i64: 2, 16>, scalar_prefetch = 0 : i64, scratch_operands = 5 : i64, tpu.core_type = #tpu.core_type<sc_vector_subcore>, window_params = [{transform_indices = #map}, {transform_indices = #map1}]} {
    %mul3A = arith.constant 640 : i32
    %mul3A_0 = arith.muli %arg1, %mul3A : i32
    %mul3A_1 = arith.constant 10240 : i32
    %mul3A_2 = arith.muli %arg0, %mul3A_1 : i32
    %add3A = arith.addi %mul3A_2, %mul3A_0 : i32
    %broadcast_in_dim3A = arith.constant 1.000000e+00 : f32
    %broadcast_in_dim3A_3 = vector.broadcast %broadcast_in_dim3A : f32 to vector<16xf32>
    %broadcast_in_dim3A_4 = arith.constant 0.000000e+00 : f32
    %broadcast_in_dim3A_5 = vector.broadcast %broadcast_in_dim3A_4 : f32 to vector<16xf32>
    %scan3A = arith.constant 0 : i32
    %scan3A_6 = arith.constant 0 : i32
    %scan3A_7 = arith.constant 128 : i32
    %scan3A_8 = arith.addi %scan3A_6, %scan3A_7 : i32
    %scan3A_9 = arith.constant 1 : i32
    scf.for %scan3A_64 = %scan3A_6 to %scan3A_8 step %scan3A_9  : i32 {
      %swap3A = arith.index_cast %scan3A_64 : i32 to index
      %swap3A_65 = arith.constant 0 : index
      %swap3A_66 = tpu.vector_load %arg5[%swap3A, %swap3A_65] {strides = array<i32>} : memref<128x16xf32, #tpu.memory_space<vmem>>, vector<1x16xf32>,
      %swap3A_67 = vector.shape_cast %swap3A_66 : vector<1x16xf32> to vector<16xf32>
      %swap3A_68 = vector.shape_cast %broadcast_in_dim3A_3 : vector<16xf32> to vector<1x16xf32>
      tpu.vector_store %arg5[%swap3A, %swap3A_65], %swap3A_68 {strides = array<i32>} : memref<128x16xf32, #tpu.memory_space<vmem>>, vector<1x16xf32>,
    }
    %scan3A_10 = arith.constant 128 : i32
    %scan3A_11 = arith.constant 0 : i32
    %scan3A_12 = arith.constant 0 : i32
    %scan3A_13 = arith.constant 640 : i32
    %scan3A_14 = arith.addi %scan3A_12, %scan3A_13 : i32
    %scan3A_15 = arith.constant 1 : i32
    scf.for %scan3A_64 = %scan3A_12 to %scan3A_14 step %scan3A_15  : i32 {
      %swap3A = arith.index_cast %scan3A_64 : i32 to index
      %swap3A_65 = arith.constant 0 : index
      %swap3A_66 = tpu.vector_load %arg6[%swap3A, %swap3A_65] {strides = array<i32>} : memref<640x16xf32, #tpu.memory_space<vmem>>, vector<1x16xf32>,
      %swap3A_67 = vector.shape_cast %swap3A_66 : vector<1x16xf32> to vector<16xf32>
      %swap3A_68 = vector.shape_cast %broadcast_in_dim3A_5 : vector<16xf32> to vector<1x16xf32>
      tpu.vector_store %arg6[%swap3A, %swap3A_65], %swap3A_68 {strides = array<i32>} : memref<640x16xf32, #tpu.memory_space<vmem>>, vector<1x16xf32>,
    }
    %scan3A_16 = arith.constant 640 : i32
    "tpu.region"() ({
      %run_scoped3A = tpu.sem_alloc : memref<!tpu.dma_semaphore, #tpu.memory_space<semaphore_mem>>
      %dma_start3A = arith.constant 0 : i32
      %dma_start3A_64 = tpu.memref_slice %arg8[%mul3A_0, %dma_start3A] : memref<10240x16xf32, #tpu.memory_space<vmem_shared>> -> memref<640x16xf32, #tpu.memory_space<vmem_shared>>
      %dma_start3A_65 = arith.constant 0 : i32
      %dma_start3A_66 = tpu.memref_slice %arg8[%mul3A_0, %dma_start3A_65] : memref<10240x16xf32, #tpu.memory_space<vmem_shared>> -> memref<640x16xf32, #tpu.memory_space<vmem_shared>>
      tpu.enqueue_dma source(%arg6 : memref<640x16xf32, #tpu.memory_space<vmem>>) target(%dma_start3A_66 : memref<640x16xf32, #tpu.memory_space<vmem_shared>>) target_semaphore(%run_scoped3A : memref<!tpu.dma_semaphore, #tpu.memory_space<semaphore_mem>>)
      %dma_wait3A = arith.constant 0 : i32
      %dma_wait3A_67 = tpu.memref_slice %arg8[%mul3A_0, %dma_wait3A] : memref<10240x16xf32, #tpu.memory_space<vmem_shared>> -> memref<640x16xf32, #tpu.memory_space<vmem_shared>>
      %dma_wait3A_68 = arith.constant 0 : i32
      %dma_wait3A_69 = tpu.memref_slice %arg8[%mul3A_0, %dma_wait3A_68] : memref<10240x16xf32, #tpu.memory_space<vmem_shared>> -> memref<640x16xf32, #tpu.memory_space<vmem_shared>>
      tpu.wait_dma2 semaphore(%run_scoped3A : memref<!tpu.dma_semaphore, #tpu.memory_space<semaphore_mem>>) src(%arg6 : memref<640x16xf32, #tpu.memory_space<vmem>>) dst(%dma_wait3A_69 : memref<640x16xf32, #tpu.memory_space<vmem_shared>>)
      tpu.yield
    }) : () -> ()
    %barrier3A = arith.constant 0 : index
    tpu.barrier barrier_id(%barrier3A)
    "tpu.region"() ({
      %run_scoped3A = tpu.sem_alloc : memref<!tpu.dma_semaphore, #tpu.memory_space<semaphore_mem>>
      %dma_start3A = arith.constant 0 : i32
      %dma_start3A_64 = arith.constant 0 : i32
      %dma_start3A_65 = tpu.memref_slice %arg2[%arg1, %dma_start3A, %dma_start3A_64] : memref<16x158x128xi32, #tpu.memory_space<hbm>> -> memref<1x158x128xi32, #tpu.memory_space<hbm>>
      %dma_start3A_66 = tpu.memref_squeeze %dma_start3A_65 : memref<1x158x128xi32, #tpu.memory_space<hbm>> -> memref<158x128xi32, #tpu.memory_space<hbm>>
      %dma_start3A_67 = arith.constant 0 : i32
      %dma_start3A_68 = arith.constant 0 : i32
      %dma_start3A_69 = tpu.memref_slice %arg2[%arg1, %dma_start3A_67, %dma_start3A_68] : memref<16x158x128xi32, #tpu.memory_space<hbm>> -> memref<1x158x128xi32, #tpu.memory_space<hbm>>
      %dma_start3A_70 = tpu.memref_squeeze %dma_start3A_69 : memref<1x158x128xi32, #tpu.memory_space<hbm>> -> memref<158x128xi32, #tpu.memory_space<hbm>>
      tpu.enqueue_dma source(%dma_start3A_70 : memref<158x128xi32, #tpu.memory_space<hbm>>) target(%arg4 : memref<158x128xi32, #tpu.memory_space<vmem>>) target_semaphore(%run_scoped3A : memref<!tpu.dma_semaphore, #tpu.memory_space<semaphore_mem>>)
      %dma_wait3A = arith.constant 0 : i32
      %dma_wait3A_71 = arith.constant 0 : i32
      %dma_wait3A_72 = tpu.memref_slice %arg2[%arg1, %dma_wait3A, %dma_wait3A_71] : memref<16x158x128xi32, #tpu.memory_space<hbm>> -> memref<1x158x128xi32, #tpu.memory_space<hbm>>
      %dma_wait3A_73 = tpu.memref_squeeze %dma_wait3A_72 : memref<1x158x128xi32, #tpu.memory_space<hbm>> -> memref<158x128xi32, #tpu.memory_space<hbm>>
      %dma_wait3A_74 = arith.constant 0 : i32
      %dma_wait3A_75 = arith.constant 0 : i32
      %dma_wait3A_76 = tpu.memref_slice %arg2[%arg1, %dma_wait3A_74, %dma_wait3A_75] : memref<16x158x128xi32, #tpu.memory_space<hbm>> -> memref<1x158x128xi32, #tpu.memory_space<hbm>>
      %dma_wait3A_77 = tpu.memref_squeeze %dma_wait3A_76 : memref<1x158x128xi32, #tpu.memory_space<hbm>> -> memref<158x128xi32, #tpu.memory_space<hbm>>
      tpu.wait_dma2 semaphore(%run_scoped3A : memref<!tpu.dma_semaphore, #tpu.memory_space<semaphore_mem>>) src(%dma_wait3A_77 : memref<158x128xi32, #tpu.memory_space<hbm>>) dst(%arg4 : memref<158x128xi32, #tpu.memory_space<vmem>>)
      tpu.yield
    }) : () -> ()
    %scan3A_17 = arith.constant 0 : i32
    %scan3A_18 = arith.constant 0 : i32
    %scan3A_19 = arith.constant 79 : i32
    %scan3A_20 = arith.addi %scan3A_18, %scan3A_19 : i32
    %scan3A_21 = arith.constant 1 : i32
    scf.for %scan3A_64 = %scan3A_18 to %scan3A_20 step %scan3A_21  : i32 {
      %mul3A_65 = arith.constant 79 : i32
      %mul3A_66 = arith.muli %arg0, %mul3A_65 : i32
      %add3A_67 = arith.addi %mul3A_66, %scan3A_64 : i32
      "tpu.region"() ({
        %run_scoped3A = tpu.sem_alloc : memref<!tpu.dma_semaphore, #tpu.memory_space<semaphore_mem>>
        %dma_start3A = arith.constant 0 : i32
        %dma_start3A_68 = tpu.memref_slice %arg4[%add3A_67, %dma_start3A] : memref<158x128xi32, #tpu.memory_space<vmem>> -> memref<1x128xi32, #tpu.memory_space<vmem>>
        %dma_start3A_69 = tpu.memref_squeeze %dma_start3A_68 : memref<1x128xi32, #tpu.memory_space<vmem>> -> memref<128xi32, #tpu.memory_space<vmem>>
        %dma_start3A_70 = arith.constant 0 : i32
        %dma_start3A_71 = arith.constant 0 : i32
        %dma_start3A_72 = tpu.memref_slice %arg8[%dma_start3A_70, %dma_start3A_71] : memref<10240x16xf32, #tpu.memory_space<vmem_shared>> -> memref<10240x16xf32, #tpu.memory_space<vmem_shared>>
        tpu.enqueue_indirect_dma source(%arg5 : memref<128x16xf32, #tpu.memory_space<vmem>>) target(%dma_start3A_72 : memref<10240x16xf32, #tpu.memory_space<vmem_shared>>) offsets(%dma_start3A_69 : memref<128xi32, #tpu.memory_space<vmem>>) semaphore(%run_scoped3A : memref<!tpu.dma_semaphore, #tpu.memory_space<semaphore_mem>>) {add = true}
        %dma_wait3A = arith.constant 0 : i32
        %dma_wait3A_73 = tpu.memref_slice %arg4[%add3A_67, %dma_wait3A] : memref<158x128xi32, #tpu.memory_space<vmem>> -> memref<1x128xi32, #tpu.memory_space<vmem>>
        %dma_wait3A_74 = tpu.memref_squeeze %dma_wait3A_73 : memref<1x128xi32, #tpu.memory_space<vmem>> -> memref<128xi32, #tpu.memory_space<vmem>>
        %dma_wait3A_75 = arith.constant 0 : i32
        %dma_wait3A_76 = arith.constant 0 : i32
        %dma_wait3A_77 = tpu.memref_slice %arg8[%dma_wait3A_75, %dma_wait3A_76] : memref<10240x16xf32, #tpu.memory_space<vmem_shared>> -> memref<10240x16xf32, #tpu.memory_space<vmem_shared>>
        tpu.wait_indirect_dma semaphore(%run_scoped3A : memref<!tpu.dma_semaphore, #tpu.memory_space<semaphore_mem>>) src(%arg5 : memref<128x16xf32, #tpu.memory_space<vmem>>) dst(%dma_wait3A_77 : memref<10240x16xf32, #tpu.memory_space<vmem_shared>>)
        tpu.yield
      }) : () -> ()
    }
    %scan3A_22 = arith.constant 79 : i32
    %barrier3A_23 = arith.constant 0 : index
    tpu.barrier barrier_id(%barrier3A_23)
    "tpu.region"() ({
      %run_scoped3A = tpu.sem_alloc : memref<!tpu.dma_semaphore, #tpu.memory_space<semaphore_mem>>
      %dma_start3A = arith.constant 0 : i32
      %dma_start3A_64 = tpu.memref_slice %arg8[%mul3A_0, %dma_start3A] : memref<10240x16xf32, #tpu.memory_space<vmem_shared>> -> memref<640x16xf32, #tpu.memory_space<vmem_shared>>
      %dma_start3A_65 = arith.constant 0 : i32
      %dma_start3A_66 = tpu.memref_slice %arg8[%mul3A_0, %dma_start3A_65] : memref<10240x16xf32, #tpu.memory_space<vmem_shared>> -> memref<640x16xf32, #tpu.memory_space<vmem_shared>>
      tpu.enqueue_dma source(%dma_start3A_66 : memref<640x16xf32, #tpu.memory_space<vmem_shared>>) target(%arg6 : memref<640x16xf32, #tpu.memory_space<vmem>>) target_semaphore(%run_scoped3A : memref<!tpu.dma_semaphore, #tpu.memory_space<semaphore_mem>>)
      %dma_wait3A = arith.constant 0 : i32
      %dma_wait3A_67 = tpu.memref_slice %arg8[%mul3A_0, %dma_wait3A] : memref<10240x16xf32, #tpu.memory_space<vmem_shared>> -> memref<640x16xf32, #tpu.memory_space<vmem_shared>>
      %dma_wait3A_68 = arith.constant 0 : i32
      %dma_wait3A_69 = tpu.memref_slice %arg8[%mul3A_0, %dma_wait3A_68] : memref<10240x16xf32, #tpu.memory_space<vmem_shared>> -> memref<640x16xf32, #tpu.memory_space<vmem_shared>>
      tpu.wait_dma2 semaphore(%run_scoped3A : memref<!tpu.dma_semaphore, #tpu.memory_space<semaphore_mem>>) src(%dma_wait3A_69 : memref<640x16xf32, #tpu.memory_space<vmem_shared>>) dst(%arg6 : memref<640x16xf32, #tpu.memory_space<vmem>>)
      tpu.yield
    }) : () -> ()
    %scan3A_24 = arith.constant 0 : i32
    %scan3A_25 = arith.constant 0 : i32
    %scan3A_26 = arith.constant 128 : i32
    %scan3A_27 = arith.addi %scan3A_25, %scan3A_26 : i32
    %scan3A_28 = arith.constant 1 : i32
    scf.for %scan3A_64 = %scan3A_25 to %scan3A_27 step %scan3A_28  : i32 {
      %add3A_65 = arith.constant 0 : i32
      %add3A_66 = arith.addi %add3A_65, %scan3A_64 : i32
      %get3A = arith.index_cast %add3A_66 : i32 to index
      %get3A_67 = arith.constant 0 : index
      %get3A_68 = tpu.vector_load %arg6[%get3A, %get3A_67] {strides = array<i32>} : memref<640x16xf32, #tpu.memory_space<vmem>>, vector<1x16xf32>,
      %get3A_69 = vector.shape_cast %get3A_68 : vector<1x16xf32> to vector<16xf32>
      %swap3A = arith.index_cast %scan3A_64 : i32 to index
      %swap3A_70 = arith.constant 0 : index
      %swap3A_71 = tpu.vector_load %arg7[%swap3A, %swap3A_70] {strides = array<i32>} : memref<128x128xf32, #tpu.memory_space<vmem>>, vector<1x16xf32>,
      %swap3A_72 = vector.shape_cast %swap3A_71 : vector<1x16xf32> to vector<16xf32>
      %swap3A_73 = vector.shape_cast %get3A_69 : vector<16xf32> to vector<1x16xf32>
      tpu.vector_store %arg7[%swap3A, %swap3A_70], %swap3A_73 {strides = array<i32>} : memref<128x128xf32, #tpu.memory_space<vmem>>, vector<1x16xf32>,
      %swap3A_74 = arith.index_cast %scan3A_64 : i32 to index
      %swap3A_75 = arith.constant 16 : index
      %swap3A_76 = tpu.vector_load %arg7[%swap3A_74, %swap3A_75] {strides = array<i32>} : memref<128x128xf32, #tpu.memory_space<vmem>>, vector<1x16xf32>,
      %swap3A_77 = vector.shape_cast %swap3A_76 : vector<1x16xf32> to vector<16xf32>
      %swap3A_78 = vector.shape_cast %get3A_69 : vector<16xf32> to vector<1x16xf32>
      tpu.vector_store %arg7[%swap3A_74, %swap3A_75], %swap3A_78 {strides = array<i32>} : memref<128x128xf32, #tpu.memory_space<vmem>>, vector<1x16xf32>,
      %swap3A_79 = arith.index_cast %scan3A_64 : i32 to index
      %swap3A_80 = arith.constant 32 : index
      %swap3A_81 = tpu.vector_load %arg7[%swap3A_79, %swap3A_80] {strides = array<i32>} : memref<128x128xf32, #tpu.memory_space<vmem>>, vector<1x16xf32>,
      %swap3A_82 = vector.shape_cast %swap3A_81 : vector<1x16xf32> to vector<16xf32>
      %swap3A_83 = vector.shape_cast %get3A_69 : vector<16xf32> to vector<1x16xf32>
      tpu.vector_store %arg7[%swap3A_79, %swap3A_80], %swap3A_83 {strides = array<i32>} : memref<128x128xf32, #tpu.memory_space<vmem>>, vector<1x16xf32>,
      %swap3A_84 = arith.index_cast %scan3A_64 : i32 to index
      %swap3A_85 = arith.constant 48 : index
      %swap3A_86 = tpu.vector_load %arg7[%swap3A_84, %swap3A_85] {strides = array<i32>} : memref<128x128xf32, #tpu.memory_space<vmem>>, vector<1x16xf32>,
      %swap3A_87 = vector.shape_cast %swap3A_86 : vector<1x16xf32> to vector<16xf32>
      %swap3A_88 = vector.shape_cast %get3A_69 : vector<16xf32> to vector<1x16xf32>
      tpu.vector_store %arg7[%swap3A_84, %swap3A_85], %swap3A_88 {strides = array<i32>} : memref<128x128xf32, #tpu.memory_space<vmem>>, vector<1x16xf32>,
      %swap3A_89 = arith.index_cast %scan3A_64 : i32 to index
      %swap3A_90 = arith.constant 64 : index
      %swap3A_91 = tpu.vector_load %arg7[%swap3A_89, %swap3A_90] {strides = array<i32>} : memref<128x128xf32, #tpu.memory_space<vmem>>, vector<1x16xf32>,
      %swap3A_92 = vector.shape_cast %swap3A_91 : vector<1x16xf32> to vector<16xf32>
      %swap3A_93 = vector.shape_cast %get3A_69 : vector<16xf32> to vector<1x16xf32>
      tpu.vector_store %arg7[%swap3A_89, %swap3A_90], %swap3A_93 {strides = array<i32>} : memref<128x128xf32, #tpu.memory_space<vmem>>, vector<1x16xf32>,
      %swap3A_94 = arith.index_cast %scan3A_64 : i32 to index
      %swap3A_95 = arith.constant 80 : index
      %swap3A_96 = tpu.vector_load %arg7[%swap3A_94, %swap3A_95] {strides = array<i32>} : memref<128x128xf32, #tpu.memory_space<vmem>>, vector<1x16xf32>,
      %swap3A_97 = vector.shape_cast %swap3A_96 : vector<1x16xf32> to vector<16xf32>
      %swap3A_98 = vector.shape_cast %get3A_69 : vector<16xf32> to vector<1x16xf32>
      tpu.vector_store %arg7[%swap3A_94, %swap3A_95], %swap3A_98 {strides = array<i32>} : memref<128x128xf32, #tpu.memory_space<vmem>>, vector<1x16xf32>,
      %swap3A_99 = arith.index_cast %scan3A_64 : i32 to index
      %swap3A_100 = arith.constant 96 : index
      %swap3A_101 = tpu.vector_load %arg7[%swap3A_99, %swap3A_100] {strides = array<i32>} : memref<128x128xf32, #tpu.memory_space<vmem>>, vector<1x16xf32>,
      %swap3A_102 = vector.shape_cast %swap3A_101 : vector<1x16xf32> to vector<16xf32>
      %swap3A_103 = vector.shape_cast %get3A_69 : vector<16xf32> to vector<1x16xf32>
      tpu.vector_store %arg7[%swap3A_99, %swap3A_100], %swap3A_103 {strides = array<i32>} : memref<128x128xf32, #tpu.memory_space<vmem>>, vector<1x16xf32>,
      %swap3A_104 = arith.index_cast %scan3A_64 : i32 to index
      %swap3A_105 = arith.constant 112 : index
      %swap3A_106 = tpu.vector_load %arg7[%swap3A_104, %swap3A_105] {strides = array<i32>} : memref<128x128xf32, #tpu.memory_space<vmem>>, vector<1x16xf32>,
      %swap3A_107 = vector.shape_cast %swap3A_106 : vector<1x16xf32> to vector<16xf32>
      %swap3A_108 = vector.shape_cast %get3A_69 : vector<16xf32> to vector<1x16xf32>
      tpu.vector_store %arg7[%swap3A_104, %swap3A_105], %swap3A_108 {strides = array<i32>} : memref<128x128xf32, #tpu.memory_space<vmem>>, vector<1x16xf32>,
    }
    %scan3A_29 = arith.constant 128 : i32
    %add3A_30 = arith.constant 0 : i32
    %add3A_31 = arith.addi %add3A, %add3A_30 : i32
    "tpu.region"() ({
      %run_scoped3A = tpu.sem_alloc : memref<!tpu.dma_semaphore, #tpu.memory_space<semaphore_mem>>
      %dma_start3A = arith.constant 0 : i32
      %dma_start3A_64 = tpu.memref_slice %arg3[%add3A_31, %dma_start3A] : memref<20480x128xf32, #tpu.memory_space<hbm>> -> memref<128x128xf32, #tpu.memory_space<hbm>>
      %dma_start3A_65 = arith.constant 0 : i32
      %dma_start3A_66 = tpu.memref_slice %arg3[%add3A_31, %dma_start3A_65] : memref<20480x128xf32, #tpu.memory_space<hbm>> -> memref<128x128xf32, #tpu.memory_space<hbm>>
      tpu.enqueue_dma source(%arg7 : memref<128x128xf32, #tpu.memory_space<vmem>>) target(%dma_start3A_66 : memref<128x128xf32, #tpu.memory_space<hbm>>) target_semaphore(%run_scoped3A : memref<!tpu.dma_semaphore, #tpu.memory_space<semaphore_mem>>)
      %dma_wait3A = arith.constant 0 : i32
      %dma_wait3A_67 = tpu.memref_slice %arg3[%add3A_31, %dma_wait3A] : memref<20480x128xf32, #tpu.memory_space<hbm>> -> memref<128x128xf32, #tpu.memory_space<hbm>>
      %dma_wait3A_68 = arith.constant 0 : i32
      %dma_wait3A_69 = tpu.memref_slice %arg3[%add3A_31, %dma_wait3A_68] : memref<20480x128xf32, #tpu.memory_space<hbm>> -> memref<128x128xf32, #tpu.memory_space<hbm>>
      tpu.wait_dma2 semaphore(%run_scoped3A : memref<!tpu.dma_semaphore, #tpu.memory_space<semaphore_mem>>) src(%arg7 : memref<128x128xf32, #tpu.memory_space<vmem>>) dst(%dma_wait3A_69 : memref<128x128xf32, #tpu.memory_space<hbm>>)
      tpu.yield
    }) : () -> ()
    %scan3A_32 = arith.constant 0 : i32
    %scan3A_33 = arith.constant 0 : i32
    %scan3A_34 = arith.constant 128 : i32
    %scan3A_35 = arith.addi %scan3A_33, %scan3A_34 : i32
    %scan3A_36 = arith.constant 1 : i32
    scf.for %scan3A_64 = %scan3A_33 to %scan3A_35 step %scan3A_36  : i32 {
      %add3A_65 = arith.constant 128 : i32
      %add3A_66 = arith.addi %add3A_65, %scan3A_64 : i32
      %get3A = arith.index_cast %add3A_66 : i32 to index
      %get3A_67 = arith.constant 0 : index
      %get3A_68 = tpu.vector_load %arg6[%get3A, %get3A_67] {strides = array<i32>} : memref<640x16xf32, #tpu.memory_space<vmem>>, vector<1x16xf32>,
      %get3A_69 = vector.shape_cast %get3A_68 : vector<1x16xf32> to vector<16xf32>
      %swap3A = arith.index_cast %scan3A_64 : i32 to index
      %swap3A_70 = arith.constant 0 : index
      %swap3A_71 = tpu.vector_load %arg7[%swap3A, %swap3A_70] {strides = array<i32>} : memref<128x128xf32, #tpu.memory_space<vmem>>, vector<1x16xf32>,
      %swap3A_72 = vector.shape_cast %swap3A_71 : vector<1x16xf32> to vector<16xf32>
      %swap3A_73 = vector.shape_cast %get3A_69 : vector<16xf32> to vector<1x16xf32>
      tpu.vector_store %arg7[%swap3A, %swap3A_70], %swap3A_73 {strides = array<i32>} : memref<128x128xf32, #tpu.memory_space<vmem>>, vector<1x16xf32>,
      %swap3A_74 = arith.index_cast %scan3A_64 : i32 to index
      %swap3A_75 = arith.constant 16 : index
      %swap3A_76 = tpu.vector_load %arg7[%swap3A_74, %swap3A_75] {strides = array<i32>} : memref<128x128xf32, #tpu.memory_space<vmem>>, vector<1x16xf32>,
      %swap3A_77 = vector.shape_cast %swap3A_76 : vector<1x16xf32> to vector<16xf32>
      %swap3A_78 = vector.shape_cast %get3A_69 : vector<16xf32> to vector<1x16xf32>
      tpu.vector_store %arg7[%swap3A_74, %swap3A_75], %swap3A_78 {strides = array<i32>} : memref<128x128xf32, #tpu.memory_space<vmem>>, vector<1x16xf32>,
      %swap3A_79 = arith.index_cast %scan3A_64 : i32 to index
      %swap3A_80 = arith.constant 32 : index
      %swap3A_81 = tpu.vector_load %arg7[%swap3A_79, %swap3A_80] {strides = array<i32>} : memref<128x128xf32, #tpu.memory_space<vmem>>, vector<1x16xf32>,
      %swap3A_82 = vector.shape_cast %swap3A_81 : vector<1x16xf32> to vector<16xf32>
      %swap3A_83 = vector.shape_cast %get3A_69 : vector<16xf32> to vector<1x16xf32>
      tpu.vector_store %arg7[%swap3A_79, %swap3A_80], %swap3A_83 {strides = array<i32>} : memref<128x128xf32, #tpu.memory_space<vmem>>, vector<1x16xf32>,
      %swap3A_84 = arith.index_cast %scan3A_64 : i32 to index
      %swap3A_85 = arith.constant 48 : index
      %swap3A_86 = tpu.vector_load %arg7[%swap3A_84, %swap3A_85] {strides = array<i32>} : memref<128x128xf32, #tpu.memory_space<vmem>>, vector<1x16xf32>,
      %swap3A_87 = vector.shape_cast %swap3A_86 : vector<1x16xf32> to vector<16xf32>
      %swap3A_88 = vector.shape_cast %get3A_69 : vector<16xf32> to vector<1x16xf32>
      tpu.vector_store %arg7[%swap3A_84, %swap3A_85], %swap3A_88 {strides = array<i32>} : memref<128x128xf32, #tpu.memory_space<vmem>>, vector<1x16xf32>,
      %swap3A_89 = arith.index_cast %scan3A_64 : i32 to index
      %swap3A_90 = arith.constant 64 : index
      %swap3A_91 = tpu.vector_load %arg7[%swap3A_89, %swap3A_90] {strides = array<i32>} : memref<128x128xf32, #tpu.memory_space<vmem>>, vector<1x16xf32>,
      %swap3A_92 = vector.shape_cast %swap3A_91 : vector<1x16xf32> to vector<16xf32>
      %swap3A_93 = vector.shape_cast %get3A_69 : vector<16xf32> to vector<1x16xf32>
      tpu.vector_store %arg7[%swap3A_89, %swap3A_90], %swap3A_93 {strides = array<i32>} : memref<128x128xf32, #tpu.memory_space<vmem>>, vector<1x16xf32>,
      %swap3A_94 = arith.index_cast %scan3A_64 : i32 to index
      %swap3A_95 = arith.constant 80 : index
      %swap3A_96 = tpu.vector_load %arg7[%swap3A_94, %swap3A_95] {strides = array<i32>} : memref<128x128xf32, #tpu.memory_space<vmem>>, vector<1x16xf32>,
      %swap3A_97 = vector.shape_cast %swap3A_96 : vector<1x16xf32> to vector<16xf32>
      %swap3A_98 = vector.shape_cast %get3A_69 : vector<16xf32> to vector<1x16xf32>
      tpu.vector_store %arg7[%swap3A_94, %swap3A_95], %swap3A_98 {strides = array<i32>} : memref<128x128xf32, #tpu.memory_space<vmem>>, vector<1x16xf32>,
      %swap3A_99 = arith.index_cast %scan3A_64 : i32 to index
      %swap3A_100 = arith.constant 96 : index
      %swap3A_101 = tpu.vector_load %arg7[%swap3A_99, %swap3A_100] {strides = array<i32>} : memref<128x128xf32, #tpu.memory_space<vmem>>, vector<1x16xf32>,
      %swap3A_102 = vector.shape_cast %swap3A_101 : vector<1x16xf32> to vector<16xf32>
      %swap3A_103 = vector.shape_cast %get3A_69 : vector<16xf32> to vector<1x16xf32>
      tpu.vector_store %arg7[%swap3A_99, %swap3A_100], %swap3A_103 {strides = array<i32>} : memref<128x128xf32, #tpu.memory_space<vmem>>, vector<1x16xf32>,
      %swap3A_104 = arith.index_cast %scan3A_64 : i32 to index
      %swap3A_105 = arith.constant 112 : index
      %swap3A_106 = tpu.vector_load %arg7[%swap3A_104, %swap3A_105] {strides = array<i32>} : memref<128x128xf32, #tpu.memory_space<vmem>>, vector<1x16xf32>,
      %swap3A_107 = vector.shape_cast %swap3A_106 : vector<1x16xf32> to vector<16xf32>
      %swap3A_108 = vector.shape_cast %get3A_69 : vector<16xf32> to vector<1x16xf32>
      tpu.vector_store %arg7[%swap3A_104, %swap3A_105], %swap3A_108 {strides = array<i32>} : memref<128x128xf32, #tpu.memory_space<vmem>>, vector<1x16xf32>,
    }
    %scan3A_37 = arith.constant 128 : i32
    %add3A_38 = arith.constant 128 : i32
    %add3A_39 = arith.addi %add3A, %add3A_38 : i32
    "tpu.region"() ({
      %run_scoped3A = tpu.sem_alloc : memref<!tpu.dma_semaphore, #tpu.memory_space<semaphore_mem>>
      %dma_start3A = arith.constant 0 : i32
      %dma_start3A_64 = tpu.memref_slice %arg3[%add3A_39, %dma_start3A] : memref<20480x128xf32, #tpu.memory_space<hbm>> -> memref<128x128xf32, #tpu.memory_space<hbm>>
      %dma_start3A_65 = arith.constant 0 : i32
      %dma_start3A_66 = tpu.memref_slice %arg3[%add3A_39, %dma_start3A_65] : memref<20480x128xf32, #tpu.memory_space<hbm>> -> memref<128x128xf32, #tpu.memory_space<hbm>>
      tpu.enqueue_dma source(%arg7 : memref<128x128xf32, #tpu.memory_space<vmem>>) target(%dma_start3A_66 : memref<128x128xf32, #tpu.memory_space<hbm>>) target_semaphore(%run_scoped3A : memref<!tpu.dma_semaphore, #tpu.memory_space<semaphore_mem>>)
      %dma_wait3A = arith.constant 0 : i32
      %dma_wait3A_67 = tpu.memref_slice %arg3[%add3A_39, %dma_wait3A] : memref<20480x128xf32, #tpu.memory_space<hbm>> -> memref<128x128xf32, #tpu.memory_space<hbm>>
      %dma_wait3A_68 = arith.constant 0 : i32
      %dma_wait3A_69 = tpu.memref_slice %arg3[%add3A_39, %dma_wait3A_68] : memref<20480x128xf32, #tpu.memory_space<hbm>> -> memref<128x128xf32, #tpu.memory_space<hbm>>
      tpu.wait_dma2 semaphore(%run_scoped3A : memref<!tpu.dma_semaphore, #tpu.memory_space<semaphore_mem>>) src(%arg7 : memref<128x128xf32, #tpu.memory_space<vmem>>) dst(%dma_wait3A_69 : memref<128x128xf32, #tpu.memory_space<hbm>>)
      tpu.yield
    }) : () -> ()
    %scan3A_40 = arith.constant 0 : i32
    %scan3A_41 = arith.constant 0 : i32
    %scan3A_42 = arith.constant 128 : i32
    %scan3A_43 = arith.addi %scan3A_41, %scan3A_42 : i32
    %scan3A_44 = arith.constant 1 : i32
    scf.for %scan3A_64 = %scan3A_41 to %scan3A_43 step %scan3A_44  : i32 {
      %add3A_65 = arith.constant 256 : i32
      %add3A_66 = arith.addi %add3A_65, %scan3A_64 : i32
      %get3A = arith.index_cast %add3A_66 : i32 to index
      %get3A_67 = arith.constant 0 : index
      %get3A_68 = tpu.vector_load %arg6[%get3A, %get3A_67] {strides = array<i32>} : memref<640x16xf32, #tpu.memory_space<vmem>>, vector<1x16xf32>,
      %get3A_69 = vector.shape_cast %get3A_68 : vector<1x16xf32> to vector<16xf32>
      %swap3A = arith.index_cast %scan3A_64 : i32 to index
      %swap3A_70 = arith.constant 0 : index
      %swap3A_71 = tpu.vector_load %arg7[%swap3A, %swap3A_70] {strides = array<i32>} : memref<128x128xf32, #tpu.memory_space<vmem>>, vector<1x16xf32>,
      %swap3A_72 = vector.shape_cast %swap3A_71 : vector<1x16xf32> to vector<16xf32>
      %swap3A_73 = vector.shape_cast %get3A_69 : vector<16xf32> to vector<1x16xf32>
      tpu.vector_store %arg7[%swap3A, %swap3A_70], %swap3A_73 {strides = array<i32>} : memref<128x128xf32, #tpu.memory_space<vmem>>, vector<1x16xf32>,
      %swap3A_74 = arith.index_cast %scan3A_64 : i32 to index
      %swap3A_75 = arith.constant 16 : index
      %swap3A_76 = tpu.vector_load %arg7[%swap3A_74, %swap3A_75] {strides = array<i32>} : memref<128x128xf32, #tpu.memory_space<vmem>>, vector<1x16xf32>,
      %swap3A_77 = vector.shape_cast %swap3A_76 : vector<1x16xf32> to vector<16xf32>
      %swap3A_78 = vector.shape_cast %get3A_69 : vector<16xf32> to vector<1x16xf32>
      tpu.vector_store %arg7[%swap3A_74, %swap3A_75], %swap3A_78 {strides = array<i32>} : memref<128x128xf32, #tpu.memory_space<vmem>>, vector<1x16xf32>,
      %swap3A_79 = arith.index_cast %scan3A_64 : i32 to index
      %swap3A_80 = arith.constant 32 : index
      %swap3A_81 = tpu.vector_load %arg7[%swap3A_79, %swap3A_80] {strides = array<i32>} : memref<128x128xf32, #tpu.memory_space<vmem>>, vector<1x16xf32>,
      %swap3A_82 = vector.shape_cast %swap3A_81 : vector<1x16xf32> to vector<16xf32>
      %swap3A_83 = vector.shape_cast %get3A_69 : vector<16xf32> to vector<1x16xf32>
      tpu.vector_store %arg7[%swap3A_79, %swap3A_80], %swap3A_83 {strides = array<i32>} : memref<128x128xf32, #tpu.memory_space<vmem>>, vector<1x16xf32>,
      %swap3A_84 = arith.index_cast %scan3A_64 : i32 to index
      %swap3A_85 = arith.constant 48 : index
      %swap3A_86 = tpu.vector_load %arg7[%swap3A_84, %swap3A_85] {strides = array<i32>} : memref<128x128xf32, #tpu.memory_space<vmem>>, vector<1x16xf32>,
      %swap3A_87 = vector.shape_cast %swap3A_86 : vector<1x16xf32> to vector<16xf32>
      %swap3A_88 = vector.shape_cast %get3A_69 : vector<16xf32> to vector<1x16xf32>
      tpu.vector_store %arg7[%swap3A_84, %swap3A_85], %swap3A_88 {strides = array<i32>} : memref<128x128xf32, #tpu.memory_space<vmem>>, vector<1x16xf32>,
      %swap3A_89 = arith.index_cast %scan3A_64 : i32 to index
      %swap3A_90 = arith.constant 64 : index
      %swap3A_91 = tpu.vector_load %arg7[%swap3A_89, %swap3A_90] {strides = array<i32>} : memref<128x128xf32, #tpu.memory_space<vmem>>, vector<1x16xf32>,
      %swap3A_92 = vector.shape_cast %swap3A_91 : vector<1x16xf32> to vector<16xf32>
      %swap3A_93 = vector.shape_cast %get3A_69 : vector<16xf32> to vector<1x16xf32>
      tpu.vector_store %arg7[%swap3A_89, %swap3A_90], %swap3A_93 {strides = array<i32>} : memref<128x128xf32, #tpu.memory_space<vmem>>, vector<1x16xf32>,
      %swap3A_94 = arith.index_cast %scan3A_64 : i32 to index
      %swap3A_95 = arith.constant 80 : index
      %swap3A_96 = tpu.vector_load %arg7[%swap3A_94, %swap3A_95] {strides = array<i32>} : memref<128x128xf32, #tpu.memory_space<vmem>>, vector<1x16xf32>,
      %swap3A_97 = vector.shape_cast %swap3A_96 : vector<1x16xf32> to vector<16xf32>
      %swap3A_98 = vector.shape_cast %get3A_69 : vector<16xf32> to vector<1x16xf32>
      tpu.vector_store %arg7[%swap3A_94, %swap3A_95], %swap3A_98 {strides = array<i32>} : memref<128x128xf32, #tpu.memory_space<vmem>>, vector<1x16xf32>,
      %swap3A_99 = arith.index_cast %scan3A_64 : i32 to index
      %swap3A_100 = arith.constant 96 : index
      %swap3A_101 = tpu.vector_load %arg7[%swap3A_99, %swap3A_100] {strides = array<i32>} : memref<128x128xf32, #tpu.memory_space<vmem>>, vector<1x16xf32>,
      %swap3A_102 = vector.shape_cast %swap3A_101 : vector<1x16xf32> to vector<16xf32>
      %swap3A_103 = vector.shape_cast %get3A_69 : vector<16xf32> to vector<1x16xf32>
      tpu.vector_store %arg7[%swap3A_99, %swap3A_100], %swap3A_103 {strides = array<i32>} : memref<128x128xf32, #tpu.memory_space<vmem>>, vector<1x16xf32>,
      %swap3A_104 = arith.index_cast %scan3A_64 : i32 to index
      %swap3A_105 = arith.constant 112 : index
      %swap3A_106 = tpu.vector_load %arg7[%swap3A_104, %swap3A_105] {strides = array<i32>} : memref<128x128xf32, #tpu.memory_space<vmem>>, vector<1x16xf32>,
      %swap3A_107 = vector.shape_cast %swap3A_106 : vector<1x16xf32> to vector<16xf32>
      %swap3A_108 = vector.shape_cast %get3A_69 : vector<16xf32> to vector<1x16xf32>
      tpu.vector_store %arg7[%swap3A_104, %swap3A_105], %swap3A_108 {strides = array<i32>} : memref<128x128xf32, #tpu.memory_space<vmem>>, vector<1x16xf32>,
    }
    %scan3A_45 = arith.constant 128 : i32
    %add3A_46 = arith.constant 256 : i32
    %add3A_47 = arith.addi %add3A, %add3A_46 : i32
    "tpu.region"() ({
      %run_scoped3A = tpu.sem_alloc : memref<!tpu.dma_semaphore, #tpu.memory_space<semaphore_mem>>
      %dma_start3A = arith.constant 0 : i32
      %dma_start3A_64 = tpu.memref_slice %arg3[%add3A_47, %dma_start3A] : memref<20480x128xf32, #tpu.memory_space<hbm>> -> memref<128x128xf32, #tpu.memory_space<hbm>>
      %dma_start3A_65 = arith.constant 0 : i32
      %dma_start3A_66 = tpu.memref_slice %arg3[%add3A_47, %dma_start3A_65] : memref<20480x128xf32, #tpu.memory_space<hbm>> -> memref<128x128xf32, #tpu.memory_space<hbm>>
      tpu.enqueue_dma source(%arg7 : memref<128x128xf32, #tpu.memory_space<vmem>>) target(%dma_start3A_66 : memref<128x128xf32, #tpu.memory_space<hbm>>) target_semaphore(%run_scoped3A : memref<!tpu.dma_semaphore, #tpu.memory_space<semaphore_mem>>)
      %dma_wait3A = arith.constant 0 : i32
      %dma_wait3A_67 = tpu.memref_slice %arg3[%add3A_47, %dma_wait3A] : memref<20480x128xf32, #tpu.memory_space<hbm>> -> memref<128x128xf32, #tpu.memory_space<hbm>>
      %dma_wait3A_68 = arith.constant 0 : i32
      %dma_wait3A_69 = tpu.memref_slice %arg3[%add3A_47, %dma_wait3A_68] : memref<20480x128xf32, #tpu.memory_space<hbm>> -> memref<128x128xf32, #tpu.memory_space<hbm>>
      tpu.wait_dma2 semaphore(%run_scoped3A : memref<!tpu.dma_semaphore, #tpu.memory_space<semaphore_mem>>) src(%arg7 : memref<128x128xf32, #tpu.memory_space<vmem>>) dst(%dma_wait3A_69 : memref<128x128xf32, #tpu.memory_space<hbm>>)
      tpu.yield
    }) : () -> ()
    %scan3A_48 = arith.constant 0 : i32
    %scan3A_49 = arith.constant 0 : i32
    %scan3A_50 = arith.constant 128 : i32
    %scan3A_51 = arith.addi %scan3A_49, %scan3A_50 : i32
    %scan3A_52 = arith.constant 1 : i32
    scf.for %scan3A_64 = %scan3A_49 to %scan3A_51 step %scan3A_52  : i32 {
      %add3A_65 = arith.constant 384 : i32
      %add3A_66 = arith.addi %add3A_65, %scan3A_64 : i32
      %get3A = arith.index_cast %add3A_66 : i32 to index
      %get3A_67 = arith.constant 0 : index
      %get3A_68 = tpu.vector_load %arg6[%get3A, %get3A_67] {strides = array<i32>} : memref<640x16xf32, #tpu.memory_space<vmem>>, vector<1x16xf32>,
      %get3A_69 = vector.shape_cast %get3A_68 : vector<1x16xf32> to vector<16xf32>
      %swap3A = arith.index_cast %scan3A_64 : i32 to index
      %swap3A_70 = arith.constant 0 : index
      %swap3A_71 = tpu.vector_load %arg7[%swap3A, %swap3A_70] {strides = array<i32>} : memref<128x128xf32, #tpu.memory_space<vmem>>, vector<1x16xf32>,
      %swap3A_72 = vector.shape_cast %swap3A_71 : vector<1x16xf32> to vector<16xf32>
      %swap3A_73 = vector.shape_cast %get3A_69 : vector<16xf32> to vector<1x16xf32>
      tpu.vector_store %arg7[%swap3A, %swap3A_70], %swap3A_73 {strides = array<i32>} : memref<128x128xf32, #tpu.memory_space<vmem>>, vector<1x16xf32>,
      %swap3A_74 = arith.index_cast %scan3A_64 : i32 to index
      %swap3A_75 = arith.constant 16 : index
      %swap3A_76 = tpu.vector_load %arg7[%swap3A_74, %swap3A_75] {strides = array<i32>} : memref<128x128xf32, #tpu.memory_space<vmem>>, vector<1x16xf32>,
      %swap3A_77 = vector.shape_cast %swap3A_76 : vector<1x16xf32> to vector<16xf32>
      %swap3A_78 = vector.shape_cast %get3A_69 : vector<16xf32> to vector<1x16xf32>
      tpu.vector_store %arg7[%swap3A_74, %swap3A_75], %swap3A_78 {strides = array<i32>} : memref<128x128xf32, #tpu.memory_space<vmem>>, vector<1x16xf32>,
      %swap3A_79 = arith.index_cast %scan3A_64 : i32 to index
      %swap3A_80 = arith.constant 32 : index
      %swap3A_81 = tpu.vector_load %arg7[%swap3A_79, %swap3A_80] {strides = array<i32>} : memref<128x128xf32, #tpu.memory_space<vmem>>, vector<1x16xf32>,
      %swap3A_82 = vector.shape_cast %swap3A_81 : vector<1x16xf32> to vector<16xf32>
      %swap3A_83 = vector.shape_cast %get3A_69 : vector<16xf32> to vector<1x16xf32>
      tpu.vector_store %arg7[%swap3A_79, %swap3A_80], %swap3A_83 {strides = array<i32>} : memref<128x128xf32, #tpu.memory_space<vmem>>, vector<1x16xf32>,
      %swap3A_84 = arith.index_cast %scan3A_64 : i32 to index
      %swap3A_85 = arith.constant 48 : index
      %swap3A_86 = tpu.vector_load %arg7[%swap3A_84, %swap3A_85] {strides = array<i32>} : memref<128x128xf32, #tpu.memory_space<vmem>>, vector<1x16xf32>,
      %swap3A_87 = vector.shape_cast %swap3A_86 : vector<1x16xf32> to vector<16xf32>
      %swap3A_88 = vector.shape_cast %get3A_69 : vector<16xf32> to vector<1x16xf32>
      tpu.vector_store %arg7[%swap3A_84, %swap3A_85], %swap3A_88 {strides = array<i32>} : memref<128x128xf32, #tpu.memory_space<vmem>>, vector<1x16xf32>,
      %swap3A_89 = arith.index_cast %scan3A_64 : i32 to index
      %swap3A_90 = arith.constant 64 : index
      %swap3A_91 = tpu.vector_load %arg7[%swap3A_89, %swap3A_90] {strides = array<i32>} : memref<128x128xf32, #tpu.memory_space<vmem>>, vector<1x16xf32>,
      %swap3A_92 = vector.shape_cast %swap3A_91 : vector<1x16xf32> to vector<16xf32>
      %swap3A_93 = vector.shape_cast %get3A_69 : vector<16xf32> to vector<1x16xf32>
      tpu.vector_store %arg7[%swap3A_89, %swap3A_90], %swap3A_93 {strides = array<i32>} : memref<128x128xf32, #tpu.memory_space<vmem>>, vector<1x16xf32>,
      %swap3A_94 = arith.index_cast %scan3A_64 : i32 to index
      %swap3A_95 = arith.constant 80 : index
      %swap3A_96 = tpu.vector_load %arg7[%swap3A_94, %swap3A_95] {strides = array<i32>} : memref<128x128xf32, #tpu.memory_space<vmem>>, vector<1x16xf32>,
      %swap3A_97 = vector.shape_cast %swap3A_96 : vector<1x16xf32> to vector<16xf32>
      %swap3A_98 = vector.shape_cast %get3A_69 : vector<16xf32> to vector<1x16xf32>
      tpu.vector_store %arg7[%swap3A_94, %swap3A_95], %swap3A_98 {strides = array<i32>} : memref<128x128xf32, #tpu.memory_space<vmem>>, vector<1x16xf32>,
      %swap3A_99 = arith.index_cast %scan3A_64 : i32 to index
      %swap3A_100 = arith.constant 96 : index
      %swap3A_101 = tpu.vector_load %arg7[%swap3A_99, %swap3A_100] {strides = array<i32>} : memref<128x128xf32, #tpu.memory_space<vmem>>, vector<1x16xf32>,
      %swap3A_102 = vector.shape_cast %swap3A_101 : vector<1x16xf32> to vector<16xf32>
      %swap3A_103 = vector.shape_cast %get3A_69 : vector<16xf32> to vector<1x16xf32>
      tpu.vector_store %arg7[%swap3A_99, %swap3A_100], %swap3A_103 {strides = array<i32>} : memref<128x128xf32, #tpu.memory_space<vmem>>, vector<1x16xf32>,
      %swap3A_104 = arith.index_cast %scan3A_64 : i32 to index
      %swap3A_105 = arith.constant 112 : index
      %swap3A_106 = tpu.vector_load %arg7[%swap3A_104, %swap3A_105] {strides = array<i32>} : memref<128x128xf32, #tpu.memory_space<vmem>>, vector<1x16xf32>,
      %swap3A_107 = vector.shape_cast %swap3A_106 : vector<1x16xf32> to vector<16xf32>
      %swap3A_108 = vector.shape_cast %get3A_69 : vector<16xf32> to vector<1x16xf32>
      tpu.vector_store %arg7[%swap3A_104, %swap3A_105], %swap3A_108 {strides = array<i32>} : memref<128x128xf32, #tpu.memory_space<vmem>>, vector<1x16xf32>,
    }
    %scan3A_53 = arith.constant 128 : i32
    %add3A_54 = arith.constant 384 : i32
    %add3A_55 = arith.addi %add3A, %add3A_54 : i32
    "tpu.region"() ({
      %run_scoped3A = tpu.sem_alloc : memref<!tpu.dma_semaphore, #tpu.memory_space<semaphore_mem>>
      %dma_start3A = arith.constant 0 : i32
      %dma_start3A_64 = tpu.memref_slice %arg3[%add3A_55, %dma_start3A] : memref<20480x128xf32, #tpu.memory_space<hbm>> -> memref<128x128xf32, #tpu.memory_space<hbm>>
      %dma_start3A_65 = arith.constant 0 : i32
      %dma_start3A_66 = tpu.memref_slice %arg3[%add3A_55, %dma_start3A_65] : memref<20480x128xf32, #tpu.memory_space<hbm>> -> memref<128x128xf32, #tpu.memory_space<hbm>>
      tpu.enqueue_dma source(%arg7 : memref<128x128xf32, #tpu.memory_space<vmem>>) target(%dma_start3A_66 : memref<128x128xf32, #tpu.memory_space<hbm>>) target_semaphore(%run_scoped3A : memref<!tpu.dma_semaphore, #tpu.memory_space<semaphore_mem>>)
      %dma_wait3A = arith.constant 0 : i32
      %dma_wait3A_67 = tpu.memref_slice %arg3[%add3A_55, %dma_wait3A] : memref<20480x128xf32, #tpu.memory_space<hbm>> -> memref<128x128xf32, #tpu.memory_space<hbm>>
      %dma_wait3A_68 = arith.constant 0 : i32
      %dma_wait3A_69 = tpu.memref_slice %arg3[%add3A_55, %dma_wait3A_68] : memref<20480x128xf32, #tpu.memory_space<hbm>> -> memref<128x128xf32, #tpu.memory_space<hbm>>
      tpu.wait_dma2 semaphore(%run_scoped3A : memref<!tpu.dma_semaphore, #tpu.memory_space<semaphore_mem>>) src(%arg7 : memref<128x128xf32, #tpu.memory_space<vmem>>) dst(%dma_wait3A_69 : memref<128x128xf32, #tpu.memory_space<hbm>>)
      tpu.yield
    }) : () -> ()
    %scan3A_56 = arith.constant 0 : i32
    %scan3A_57 = arith.constant 0 : i32
    %scan3A_58 = arith.constant 128 : i32
    %scan3A_59 = arith.addi %scan3A_57, %scan3A_58 : i32
    %scan3A_60 = arith.constant 1 : i32
    scf.for %scan3A_64 = %scan3A_57 to %scan3A_59 step %scan3A_60  : i32 {
      %add3A_65 = arith.constant 512 : i32
      %add3A_66 = arith.addi %add3A_65, %scan3A_64 : i32
      %get3A = arith.index_cast %add3A_66 : i32 to index
      %get3A_67 = arith.constant 0 : index
      %get3A_68 = tpu.vector_load %arg6[%get3A, %get3A_67] {strides = array<i32>} : memref<640x16xf32, #tpu.memory_space<vmem>>, vector<1x16xf32>,
      %get3A_69 = vector.shape_cast %get3A_68 : vector<1x16xf32> to vector<16xf32>
      %swap3A = arith.index_cast %scan3A_64 : i32 to index
      %swap3A_70 = arith.constant 0 : index
      %swap3A_71 = tpu.vector_load %arg7[%swap3A, %swap3A_70] {strides = array<i32>} : memref<128x128xf32, #tpu.memory_space<vmem>>, vector<1x16xf32>,
      %swap3A_72 = vector.shape_cast %swap3A_71 : vector<1x16xf32> to vector<16xf32>
      %swap3A_73 = vector.shape_cast %get3A_69 : vector<16xf32> to vector<1x16xf32>
      tpu.vector_store %arg7[%swap3A, %swap3A_70], %swap3A_73 {strides = array<i32>} : memref<128x128xf32, #tpu.memory_space<vmem>>, vector<1x16xf32>,
      %swap3A_74 = arith.index_cast %scan3A_64 : i32 to index
      %swap3A_75 = arith.constant 16 : index
      %swap3A_76 = tpu.vector_load %arg7[%swap3A_74, %swap3A_75] {strides = array<i32>} : memref<128x128xf32, #tpu.memory_space<vmem>>, vector<1x16xf32>,
      %swap3A_77 = vector.shape_cast %swap3A_76 : vector<1x16xf32> to vector<16xf32>
      %swap3A_78 = vector.shape_cast %get3A_69 : vector<16xf32> to vector<1x16xf32>
      tpu.vector_store %arg7[%swap3A_74, %swap3A_75], %swap3A_78 {strides = array<i32>} : memref<128x128xf32, #tpu.memory_space<vmem>>, vector<1x16xf32>,
      %swap3A_79 = arith.index_cast %scan3A_64 : i32 to index
      %swap3A_80 = arith.constant 32 : index
      %swap3A_81 = tpu.vector_load %arg7[%swap3A_79, %swap3A_80] {strides = array<i32>} : memref<128x128xf32, #tpu.memory_space<vmem>>, vector<1x16xf32>,
      %swap3A_82 = vector.shape_cast %swap3A_81 : vector<1x16xf32> to vector<16xf32>
      %swap3A_83 = vector.shape_cast %get3A_69 : vector<16xf32> to vector<1x16xf32>
      tpu.vector_store %arg7[%swap3A_79, %swap3A_80], %swap3A_83 {strides = array<i32>} : memref<128x128xf32, #tpu.memory_space<vmem>>, vector<1x16xf32>,
      %swap3A_84 = arith.index_cast %scan3A_64 : i32 to index
      %swap3A_85 = arith.constant 48 : index
      %swap3A_86 = tpu.vector_load %arg7[%swap3A_84, %swap3A_85] {strides = array<i32>} : memref<128x128xf32, #tpu.memory_space<vmem>>, vector<1x16xf32>,
      %swap3A_87 = vector.shape_cast %swap3A_86 : vector<1x16xf32> to vector<16xf32>
      %swap3A_88 = vector.shape_cast %get3A_69 : vector<16xf32> to vector<1x16xf32>
      tpu.vector_store %arg7[%swap3A_84, %swap3A_85], %swap3A_88 {strides = array<i32>} : memref<128x128xf32, #tpu.memory_space<vmem>>, vector<1x16xf32>,
      %swap3A_89 = arith.index_cast %scan3A_64 : i32 to index
      %swap3A_90 = arith.constant 64 : index
      %swap3A_91 = tpu.vector_load %arg7[%swap3A_89, %swap3A_90] {strides = array<i32>} : memref<128x128xf32, #tpu.memory_space<vmem>>, vector<1x16xf32>,
      %swap3A_92 = vector.shape_cast %swap3A_91 : vector<1x16xf32> to vector<16xf32>
      %swap3A_93 = vector.shape_cast %get3A_69 : vector<16xf32> to vector<1x16xf32>
      tpu.vector_store %arg7[%swap3A_89, %swap3A_90], %swap3A_93 {strides = array<i32>} : memref<128x128xf32, #tpu.memory_space<vmem>>, vector<1x16xf32>,
      %swap3A_94 = arith.index_cast %scan3A_64 : i32 to index
      %swap3A_95 = arith.constant 80 : index
      %swap3A_96 = tpu.vector_load %arg7[%swap3A_94, %swap3A_95] {strides = array<i32>} : memref<128x128xf32, #tpu.memory_space<vmem>>, vector<1x16xf32>,
      %swap3A_97 = vector.shape_cast %swap3A_96 : vector<1x16xf32> to vector<16xf32>
      %swap3A_98 = vector.shape_cast %get3A_69 : vector<16xf32> to vector<1x16xf32>
      tpu.vector_store %arg7[%swap3A_94, %swap3A_95], %swap3A_98 {strides = array<i32>} : memref<128x128xf32, #tpu.memory_space<vmem>>, vector<1x16xf32>,
      %swap3A_99 = arith.index_cast %scan3A_64 : i32 to index
      %swap3A_100 = arith.constant 96 : index
      %swap3A_101 = tpu.vector_load %arg7[%swap3A_99, %swap3A_100] {strides = array<i32>} : memref<128x128xf32, #tpu.memory_space<vmem>>, vector<1x16xf32>,
      %swap3A_102 = vector.shape_cast %swap3A_101 : vector<1x16xf32> to vector<16xf32>
      %swap3A_103 = vector.shape_cast %get3A_69 : vector<16xf32> to vector<1x16xf32>
      tpu.vector_store %arg7[%swap3A_99, %swap3A_100], %swap3A_103 {strides = array<i32>} : memref<128x128xf32, #tpu.memory_space<vmem>>, vector<1x16xf32>,
      %swap3A_104 = arith.index_cast %scan3A_64 : i32 to index
      %swap3A_105 = arith.constant 112 : index
      %swap3A_106 = tpu.vector_load %arg7[%swap3A_104, %swap3A_105] {strides = array<i32>} : memref<128x128xf32, #tpu.memory_space<vmem>>, vector<1x16xf32>,
      %swap3A_107 = vector.shape_cast %swap3A_106 : vector<1x16xf32> to vector<16xf32>
      %swap3A_108 = vector.shape_cast %get3A_69 : vector<16xf32> to vector<1x16xf32>
      tpu.vector_store %arg7[%swap3A_104, %swap3A_105], %swap3A_108 {strides = array<i32>} : memref<128x128xf32, #tpu.memory_space<vmem>>, vector<1x16xf32>,
    }
    %scan3A_61 = arith.constant 128 : i32
    %add3A_62 = arith.constant 512 : i32
    %add3A_63 = arith.addi %add3A, %add3A_62 : i32
    "tpu.region"() ({
      %run_scoped3A = tpu.sem_alloc : memref<!tpu.dma_semaphore, #tpu.memory_space<semaphore_mem>>
      %dma_start3A = arith.constant 0 : i32
      %dma_start3A_64 = tpu.memref_slice %arg3[%add3A_63, %dma_start3A] : memref<20480x128xf32, #tpu.memory_space<hbm>> -> memref<128x128xf32, #tpu.memory_space<hbm>>
      %dma_start3A_65 = arith.constant 0 : i32
      %dma_start3A_66 = tpu.memref_slice %arg3[%add3A_63, %dma_start3A_65] : memref<20480x128xf32, #tpu.memory_space<hbm>> -> memref<128x128xf32, #tpu.memory_space<hbm>>
      tpu.enqueue_dma source(%arg7 : memref<128x128xf32, #tpu.memory_space<vmem>>) target(%dma_start3A_66 : memref<128x128xf32, #tpu.memory_space<hbm>>) target_semaphore(%run_scoped3A : memref<!tpu.dma_semaphore, #tpu.memory_space<semaphore_mem>>)
      %dma_wait3A = arith.constant 0 : i32
      %dma_wait3A_67 = tpu.memref_slice %arg3[%add3A_63, %dma_wait3A] : memref<20480x128xf32, #tpu.memory_space<hbm>> -> memref<128x128xf32, #tpu.memory_space<hbm>>
      %dma_wait3A_68 = arith.constant 0 : i32
      %dma_wait3A_69 = tpu.memref_slice %arg3[%add3A_63, %dma_wait3A_68] : memref<20480x128xf32, #tpu.memory_space<hbm>> -> memref<128x128xf32, #tpu.memory_space<hbm>>
      tpu.wait_dma2 semaphore(%run_scoped3A : memref<!tpu.dma_semaphore, #tpu.memory_space<semaphore_mem>>) src(%arg7 : memref<128x128xf32, #tpu.memory_space<vmem>>) dst(%dma_wait3A_69 : memref<128x128xf32, #tpu.memory_space<hbm>>)
      tpu.yield
    }) : () -> ()
    return
  }
}

#map = affine_map<(d0, d1) -> (0, 0, 0)>
#map1 = affine_map<(d0, d1) -> (0, 0)>
module attributes {stable_mosaic.version = 14 : i64} {
  func.func @edge(%arg0: i32, %arg1: i32, %arg2: memref<16x158x128xi32, #tpu.memory_space<hbm>>, %arg3: memref<16x158x128xi32, #tpu.memory_space<hbm>>, %arg4: memref<20480x64xf32, #tpu.memory_space<hbm>>, %arg5: memref<20480x64xf32, #tpu.memory_space<hbm>>, %arg6: memref<158x128xi32, #tpu.memory_space<vmem>>, %arg7: memref<158x128xi32, #tpu.memory_space<vmem>>, %arg8: memref<2x128x64xf32, #tpu.memory_space<vmem>>, %arg9: memref<10240x64xf32, #tpu.memory_space<vmem_shared>>, %arg10: memref<!tpu.dma_semaphore, #tpu.memory_space<semaphore_mem>>, %arg11: memref<!tpu.dma_semaphore, #tpu.memory_space<semaphore_mem>>) attributes {dimension_semantics = [#tpu.dimension_semantics<core_parallel>, #tpu.dimension_semantics<subcore_parallel>], iteration_bounds = array<i64: 2, 16>, scalar_prefetch = 0 : i64, scratch_operands = 6 : i64, tpu.core_type = #tpu.core_type<sc_vector_subcore>, window_params = [{transform_indices = #map}, {transform_indices = #map}, {transform_indices = #map1}, {transform_indices = #map1}]} {
    %mul3A = arith.constant 640 : i32
    %mul3A_0 = arith.muli %arg1, %mul3A : i32
    %mul3A_1 = arith.constant 10240 : i32
    %mul3A_2 = arith.muli %arg0, %mul3A_1 : i32
    %add3A = arith.addi %mul3A_2, %mul3A_0 : i32
    %broadcast_in_dim3A = arith.constant 0.000000e+00 : f32
    %broadcast_in_dim3A_3 = vector.broadcast %broadcast_in_dim3A : f32 to vector<16xf32>
    %scan3A = arith.constant 0 : i32
    %scan3A_4 = arith.constant 0 : i32
    %scan3A_5 = arith.constant 128 : i32
    %scan3A_6 = arith.addi %scan3A_4, %scan3A_5 : i32
    %scan3A_7 = arith.constant 1 : i32
    scf.for %scan3A_67 = %scan3A_4 to %scan3A_6 step %scan3A_7  : i32 {
      %swap3A = arith.constant 0 : i32
      %swap3A_68 = arith.index_cast %swap3A : i32 to index
      %swap3A_69 = arith.index_cast %scan3A_67 : i32 to index
      %swap3A_70 = arith.constant 0 : index
      %swap3A_71 = tpu.vector_load %arg8[%swap3A_68, %swap3A_69, %swap3A_70] {strides = array<i32>} : memref<2x128x64xf32, #tpu.memory_space<vmem>>, vector<1x1x16xf32>,
      %swap3A_72 = vector.shape_cast %swap3A_71 : vector<1x1x16xf32> to vector<16xf32>
      %swap3A_73 = vector.shape_cast %broadcast_in_dim3A_3 : vector<16xf32> to vector<1x1x16xf32>
      tpu.vector_store %arg8[%swap3A_68, %swap3A_69, %swap3A_70], %swap3A_73 {strides = array<i32>} : memref<2x128x64xf32, #tpu.memory_space<vmem>>, vector<1x1x16xf32>,
      %swap3A_74 = arith.constant 0 : i32
      %swap3A_75 = arith.index_cast %swap3A_74 : i32 to index
      %swap3A_76 = arith.index_cast %scan3A_67 : i32 to index
      %swap3A_77 = arith.constant 16 : index
      %swap3A_78 = tpu.vector_load %arg8[%swap3A_75, %swap3A_76, %swap3A_77] {strides = array<i32>} : memref<2x128x64xf32, #tpu.memory_space<vmem>>, vector<1x1x16xf32>,
      %swap3A_79 = vector.shape_cast %swap3A_78 : vector<1x1x16xf32> to vector<16xf32>
      %swap3A_80 = vector.shape_cast %broadcast_in_dim3A_3 : vector<16xf32> to vector<1x1x16xf32>
      tpu.vector_store %arg8[%swap3A_75, %swap3A_76, %swap3A_77], %swap3A_80 {strides = array<i32>} : memref<2x128x64xf32, #tpu.memory_space<vmem>>, vector<1x1x16xf32>,
      %swap3A_81 = arith.constant 0 : i32
      %swap3A_82 = arith.index_cast %swap3A_81 : i32 to index
      %swap3A_83 = arith.index_cast %scan3A_67 : i32 to index
      %swap3A_84 = arith.constant 32 : index
      %swap3A_85 = tpu.vector_load %arg8[%swap3A_82, %swap3A_83, %swap3A_84] {strides = array<i32>} : memref<2x128x64xf32, #tpu.memory_space<vmem>>, vector<1x1x16xf32>,
      %swap3A_86 = vector.shape_cast %swap3A_85 : vector<1x1x16xf32> to vector<16xf32>
      %swap3A_87 = vector.shape_cast %broadcast_in_dim3A_3 : vector<16xf32> to vector<1x1x16xf32>
      tpu.vector_store %arg8[%swap3A_82, %swap3A_83, %swap3A_84], %swap3A_87 {strides = array<i32>} : memref<2x128x64xf32, #tpu.memory_space<vmem>>, vector<1x1x16xf32>,
      %swap3A_88 = arith.constant 0 : i32
      %swap3A_89 = arith.index_cast %swap3A_88 : i32 to index
      %swap3A_90 = arith.index_cast %scan3A_67 : i32 to index
      %swap3A_91 = arith.constant 48 : index
      %swap3A_92 = tpu.vector_load %arg8[%swap3A_89, %swap3A_90, %swap3A_91] {strides = array<i32>} : memref<2x128x64xf32, #tpu.memory_space<vmem>>, vector<1x1x16xf32>,
      %swap3A_93 = vector.shape_cast %swap3A_92 : vector<1x1x16xf32> to vector<16xf32>
      %swap3A_94 = vector.shape_cast %broadcast_in_dim3A_3 : vector<16xf32> to vector<1x1x16xf32>
      tpu.vector_store %arg8[%swap3A_89, %swap3A_90, %swap3A_91], %swap3A_94 {strides = array<i32>} : memref<2x128x64xf32, #tpu.memory_space<vmem>>, vector<1x1x16xf32>,
    }
    %scan3A_8 = arith.constant 128 : i32
    %add3A_9 = arith.constant 0 : i32
    %add3A_10 = arith.addi %mul3A_0, %add3A_9 : i32
    %run_scoped3A = arith.constant 0 : i32
    "tpu.region"() ({
      %run_scoped3A_67 = tpu.sem_alloc : memref<!tpu.dma_semaphore, #tpu.memory_space<semaphore_mem>>
      %dma_start3A_68 = arith.constant 0 : i32
      %dma_start3A_69 = arith.constant 0 : i32
      %dma_start3A_70 = tpu.memref_slice %arg8[%run_scoped3A, %dma_start3A_68, %dma_start3A_69] : memref<2x128x64xf32, #tpu.memory_space<vmem>> -> memref<1x128x64xf32, #tpu.memory_space<vmem>>
      %dma_start3A_71 = tpu.memref_squeeze %dma_start3A_70 : memref<1x128x64xf32, #tpu.memory_space<vmem>> -> memref<128x64xf32, #tpu.memory_space<vmem>>
      %dma_start3A_72 = arith.constant 0 : i32
      %dma_start3A_73 = tpu.memref_slice %arg9[%add3A_10, %dma_start3A_72] : memref<10240x64xf32, #tpu.memory_space<vmem_shared>> -> memref<128x64xf32, #tpu.memory_space<vmem_shared>>
      %dma_start3A_74 = arith.constant 0 : i32
      %dma_start3A_75 = tpu.memref_slice %arg9[%add3A_10, %dma_start3A_74] : memref<10240x64xf32, #tpu.memory_space<vmem_shared>> -> memref<128x64xf32, #tpu.memory_space<vmem_shared>>
      %dma_start3A_76 = arith.constant 0 : i32
      %dma_start3A_77 = arith.constant 0 : i32
      %dma_start3A_78 = tpu.memref_slice %arg8[%run_scoped3A, %dma_start3A_76, %dma_start3A_77] : memref<2x128x64xf32, #tpu.memory_space<vmem>> -> memref<1x128x64xf32, #tpu.memory_space<vmem>>
      %dma_start3A_79 = tpu.memref_squeeze %dma_start3A_78 : memref<1x128x64xf32, #tpu.memory_space<vmem>> -> memref<128x64xf32, #tpu.memory_space<vmem>>
      tpu.enqueue_dma source(%dma_start3A_79 : memref<128x64xf32, #tpu.memory_space<vmem>>) target(%dma_start3A_75 : memref<128x64xf32, #tpu.memory_space<vmem_shared>>) target_semaphore(%run_scoped3A_67 : memref<!tpu.dma_semaphore, #tpu.memory_space<semaphore_mem>>)
      %dma_wait3A = arith.constant 0 : i32
      %dma_wait3A_80 = arith.constant 0 : i32
      %dma_wait3A_81 = tpu.memref_slice %arg8[%run_scoped3A, %dma_wait3A, %dma_wait3A_80] : memref<2x128x64xf32, #tpu.memory_space<vmem>> -> memref<1x128x64xf32, #tpu.memory_space<vmem>>
      %dma_wait3A_82 = tpu.memref_squeeze %dma_wait3A_81 : memref<1x128x64xf32, #tpu.memory_space<vmem>> -> memref<128x64xf32, #tpu.memory_space<vmem>>
      %dma_wait3A_83 = arith.constant 0 : i32
      %dma_wait3A_84 = tpu.memref_slice %arg9[%add3A_10, %dma_wait3A_83] : memref<10240x64xf32, #tpu.memory_space<vmem_shared>> -> memref<128x64xf32, #tpu.memory_space<vmem_shared>>
      %dma_wait3A_85 = arith.constant 0 : i32
      %dma_wait3A_86 = tpu.memref_slice %arg9[%add3A_10, %dma_wait3A_85] : memref<10240x64xf32, #tpu.memory_space<vmem_shared>> -> memref<128x64xf32, #tpu.memory_space<vmem_shared>>
      %dma_wait3A_87 = arith.constant 0 : i32
      %dma_wait3A_88 = arith.constant 0 : i32
      %dma_wait3A_89 = tpu.memref_slice %arg8[%run_scoped3A, %dma_wait3A_87, %dma_wait3A_88] : memref<2x128x64xf32, #tpu.memory_space<vmem>> -> memref<1x128x64xf32, #tpu.memory_space<vmem>>
      %dma_wait3A_90 = tpu.memref_squeeze %dma_wait3A_89 : memref<1x128x64xf32, #tpu.memory_space<vmem>> -> memref<128x64xf32, #tpu.memory_space<vmem>>
      tpu.wait_dma2 semaphore(%run_scoped3A_67 : memref<!tpu.dma_semaphore, #tpu.memory_space<semaphore_mem>>) src(%dma_wait3A_90 : memref<128x64xf32, #tpu.memory_space<vmem>>) dst(%dma_wait3A_86 : memref<128x64xf32, #tpu.memory_space<vmem_shared>>)
      tpu.yield
    }) : () -> ()
    %add3A_11 = arith.constant 128 : i32
    %add3A_12 = arith.addi %mul3A_0, %add3A_11 : i32
    %run_scoped3A_13 = arith.constant 0 : i32
    "tpu.region"() ({
      %run_scoped3A_67 = tpu.sem_alloc : memref<!tpu.dma_semaphore, #tpu.memory_space<semaphore_mem>>
      %dma_start3A_68 = arith.constant 0 : i32
      %dma_start3A_69 = arith.constant 0 : i32
      %dma_start3A_70 = tpu.memref_slice %arg8[%run_scoped3A_13, %dma_start3A_68, %dma_start3A_69] : memref<2x128x64xf32, #tpu.memory_space<vmem>> -> memref<1x128x64xf32, #tpu.memory_space<vmem>>
      %dma_start3A_71 = tpu.memref_squeeze %dma_start3A_70 : memref<1x128x64xf32, #tpu.memory_space<vmem>> -> memref<128x64xf32, #tpu.memory_space<vmem>>
      %dma_start3A_72 = arith.constant 0 : i32
      %dma_start3A_73 = tpu.memref_slice %arg9[%add3A_12, %dma_start3A_72] : memref<10240x64xf32, #tpu.memory_space<vmem_shared>> -> memref<128x64xf32, #tpu.memory_space<vmem_shared>>
      %dma_start3A_74 = arith.constant 0 : i32
      %dma_start3A_75 = tpu.memref_slice %arg9[%add3A_12, %dma_start3A_74] : memref<10240x64xf32, #tpu.memory_space<vmem_shared>> -> memref<128x64xf32, #tpu.memory_space<vmem_shared>>
      %dma_start3A_76 = arith.constant 0 : i32
      %dma_start3A_77 = arith.constant 0 : i32
      %dma_start3A_78 = tpu.memref_slice %arg8[%run_scoped3A_13, %dma_start3A_76, %dma_start3A_77] : memref<2x128x64xf32, #tpu.memory_space<vmem>> -> memref<1x128x64xf32, #tpu.memory_space<vmem>>
      %dma_start3A_79 = tpu.memref_squeeze %dma_start3A_78 : memref<1x128x64xf32, #tpu.memory_space<vmem>> -> memref<128x64xf32, #tpu.memory_space<vmem>>
      tpu.enqueue_dma source(%dma_start3A_79 : memref<128x64xf32, #tpu.memory_space<vmem>>) target(%dma_start3A_75 : memref<128x64xf32, #tpu.memory_space<vmem_shared>>) target_semaphore(%run_scoped3A_67 : memref<!tpu.dma_semaphore, #tpu.memory_space<semaphore_mem>>)
      %dma_wait3A = arith.constant 0 : i32
      %dma_wait3A_80 = arith.constant 0 : i32
      %dma_wait3A_81 = tpu.memref_slice %arg8[%run_scoped3A_13, %dma_wait3A, %dma_wait3A_80] : memref<2x128x64xf32, #tpu.memory_space<vmem>> -> memref<1x128x64xf32, #tpu.memory_space<vmem>>
      %dma_wait3A_82 = tpu.memref_squeeze %dma_wait3A_81 : memref<1x128x64xf32, #tpu.memory_space<vmem>> -> memref<128x64xf32, #tpu.memory_space<vmem>>
      %dma_wait3A_83 = arith.constant 0 : i32
      %dma_wait3A_84 = tpu.memref_slice %arg9[%add3A_12, %dma_wait3A_83] : memref<10240x64xf32, #tpu.memory_space<vmem_shared>> -> memref<128x64xf32, #tpu.memory_space<vmem_shared>>
      %dma_wait3A_85 = arith.constant 0 : i32
      %dma_wait3A_86 = tpu.memref_slice %arg9[%add3A_12, %dma_wait3A_85] : memref<10240x64xf32, #tpu.memory_space<vmem_shared>> -> memref<128x64xf32, #tpu.memory_space<vmem_shared>>
      %dma_wait3A_87 = arith.constant 0 : i32
      %dma_wait3A_88 = arith.constant 0 : i32
      %dma_wait3A_89 = tpu.memref_slice %arg8[%run_scoped3A_13, %dma_wait3A_87, %dma_wait3A_88] : memref<2x128x64xf32, #tpu.memory_space<vmem>> -> memref<1x128x64xf32, #tpu.memory_space<vmem>>
      %dma_wait3A_90 = tpu.memref_squeeze %dma_wait3A_89 : memref<1x128x64xf32, #tpu.memory_space<vmem>> -> memref<128x64xf32, #tpu.memory_space<vmem>>
      tpu.wait_dma2 semaphore(%run_scoped3A_67 : memref<!tpu.dma_semaphore, #tpu.memory_space<semaphore_mem>>) src(%dma_wait3A_90 : memref<128x64xf32, #tpu.memory_space<vmem>>) dst(%dma_wait3A_86 : memref<128x64xf32, #tpu.memory_space<vmem_shared>>)
      tpu.yield
    }) : () -> ()
    %add3A_14 = arith.constant 256 : i32
    %add3A_15 = arith.addi %mul3A_0, %add3A_14 : i32
    %run_scoped3A_16 = arith.constant 0 : i32
    "tpu.region"() ({
      %run_scoped3A_67 = tpu.sem_alloc : memref<!tpu.dma_semaphore, #tpu.memory_space<semaphore_mem>>
      %dma_start3A_68 = arith.constant 0 : i32
      %dma_start3A_69 = arith.constant 0 : i32
      %dma_start3A_70 = tpu.memref_slice %arg8[%run_scoped3A_16, %dma_start3A_68, %dma_start3A_69] : memref<2x128x64xf32, #tpu.memory_space<vmem>> -> memref<1x128x64xf32, #tpu.memory_space<vmem>>
      %dma_start3A_71 = tpu.memref_squeeze %dma_start3A_70 : memref<1x128x64xf32, #tpu.memory_space<vmem>> -> memref<128x64xf32, #tpu.memory_space<vmem>>
      %dma_start3A_72 = arith.constant 0 : i32
      %dma_start3A_73 = tpu.memref_slice %arg9[%add3A_15, %dma_start3A_72] : memref<10240x64xf32, #tpu.memory_space<vmem_shared>> -> memref<128x64xf32, #tpu.memory_space<vmem_shared>>
      %dma_start3A_74 = arith.constant 0 : i32
      %dma_start3A_75 = tpu.memref_slice %arg9[%add3A_15, %dma_start3A_74] : memref<10240x64xf32, #tpu.memory_space<vmem_shared>> -> memref<128x64xf32, #tpu.memory_space<vmem_shared>>
      %dma_start3A_76 = arith.constant 0 : i32
      %dma_start3A_77 = arith.constant 0 : i32
      %dma_start3A_78 = tpu.memref_slice %arg8[%run_scoped3A_16, %dma_start3A_76, %dma_start3A_77] : memref<2x128x64xf32, #tpu.memory_space<vmem>> -> memref<1x128x64xf32, #tpu.memory_space<vmem>>
      %dma_start3A_79 = tpu.memref_squeeze %dma_start3A_78 : memref<1x128x64xf32, #tpu.memory_space<vmem>> -> memref<128x64xf32, #tpu.memory_space<vmem>>
      tpu.enqueue_dma source(%dma_start3A_79 : memref<128x64xf32, #tpu.memory_space<vmem>>) target(%dma_start3A_75 : memref<128x64xf32, #tpu.memory_space<vmem_shared>>) target_semaphore(%run_scoped3A_67 : memref<!tpu.dma_semaphore, #tpu.memory_space<semaphore_mem>>)
      %dma_wait3A = arith.constant 0 : i32
      %dma_wait3A_80 = arith.constant 0 : i32
      %dma_wait3A_81 = tpu.memref_slice %arg8[%run_scoped3A_16, %dma_wait3A, %dma_wait3A_80] : memref<2x128x64xf32, #tpu.memory_space<vmem>> -> memref<1x128x64xf32, #tpu.memory_space<vmem>>
      %dma_wait3A_82 = tpu.memref_squeeze %dma_wait3A_81 : memref<1x128x64xf32, #tpu.memory_space<vmem>> -> memref<128x64xf32, #tpu.memory_space<vmem>>
      %dma_wait3A_83 = arith.constant 0 : i32
      %dma_wait3A_84 = tpu.memref_slice %arg9[%add3A_15, %dma_wait3A_83] : memref<10240x64xf32, #tpu.memory_space<vmem_shared>> -> memref<128x64xf32, #tpu.memory_space<vmem_shared>>
      %dma_wait3A_85 = arith.constant 0 : i32
      %dma_wait3A_86 = tpu.memref_slice %arg9[%add3A_15, %dma_wait3A_85] : memref<10240x64xf32, #tpu.memory_space<vmem_shared>> -> memref<128x64xf32, #tpu.memory_space<vmem_shared>>
      %dma_wait3A_87 = arith.constant 0 : i32
      %dma_wait3A_88 = arith.constant 0 : i32
      %dma_wait3A_89 = tpu.memref_slice %arg8[%run_scoped3A_16, %dma_wait3A_87, %dma_wait3A_88] : memref<2x128x64xf32, #tpu.memory_space<vmem>> -> memref<1x128x64xf32, #tpu.memory_space<vmem>>
      %dma_wait3A_90 = tpu.memref_squeeze %dma_wait3A_89 : memref<1x128x64xf32, #tpu.memory_space<vmem>> -> memref<128x64xf32, #tpu.memory_space<vmem>>
      tpu.wait_dma2 semaphore(%run_scoped3A_67 : memref<!tpu.dma_semaphore, #tpu.memory_space<semaphore_mem>>) src(%dma_wait3A_90 : memref<128x64xf32, #tpu.memory_space<vmem>>) dst(%dma_wait3A_86 : memref<128x64xf32, #tpu.memory_space<vmem_shared>>)
      tpu.yield
    }) : () -> ()
    %add3A_17 = arith.constant 384 : i32
    %add3A_18 = arith.addi %mul3A_0, %add3A_17 : i32
    %run_scoped3A_19 = arith.constant 0 : i32
    "tpu.region"() ({
      %run_scoped3A_67 = tpu.sem_alloc : memref<!tpu.dma_semaphore, #tpu.memory_space<semaphore_mem>>
      %dma_start3A_68 = arith.constant 0 : i32
      %dma_start3A_69 = arith.constant 0 : i32
      %dma_start3A_70 = tpu.memref_slice %arg8[%run_scoped3A_19, %dma_start3A_68, %dma_start3A_69] : memref<2x128x64xf32, #tpu.memory_space<vmem>> -> memref<1x128x64xf32, #tpu.memory_space<vmem>>
      %dma_start3A_71 = tpu.memref_squeeze %dma_start3A_70 : memref<1x128x64xf32, #tpu.memory_space<vmem>> -> memref<128x64xf32, #tpu.memory_space<vmem>>
      %dma_start3A_72 = arith.constant 0 : i32
      %dma_start3A_73 = tpu.memref_slice %arg9[%add3A_18, %dma_start3A_72] : memref<10240x64xf32, #tpu.memory_space<vmem_shared>> -> memref<128x64xf32, #tpu.memory_space<vmem_shared>>
      %dma_start3A_74 = arith.constant 0 : i32
      %dma_start3A_75 = tpu.memref_slice %arg9[%add3A_18, %dma_start3A_74] : memref<10240x64xf32, #tpu.memory_space<vmem_shared>> -> memref<128x64xf32, #tpu.memory_space<vmem_shared>>
      %dma_start3A_76 = arith.constant 0 : i32
      %dma_start3A_77 = arith.constant 0 : i32
      %dma_start3A_78 = tpu.memref_slice %arg8[%run_scoped3A_19, %dma_start3A_76, %dma_start3A_77] : memref<2x128x64xf32, #tpu.memory_space<vmem>> -> memref<1x128x64xf32, #tpu.memory_space<vmem>>
      %dma_start3A_79 = tpu.memref_squeeze %dma_start3A_78 : memref<1x128x64xf32, #tpu.memory_space<vmem>> -> memref<128x64xf32, #tpu.memory_space<vmem>>
      tpu.enqueue_dma source(%dma_start3A_79 : memref<128x64xf32, #tpu.memory_space<vmem>>) target(%dma_start3A_75 : memref<128x64xf32, #tpu.memory_space<vmem_shared>>) target_semaphore(%run_scoped3A_67 : memref<!tpu.dma_semaphore, #tpu.memory_space<semaphore_mem>>)
      %dma_wait3A = arith.constant 0 : i32
      %dma_wait3A_80 = arith.constant 0 : i32
      %dma_wait3A_81 = tpu.memref_slice %arg8[%run_scoped3A_19, %dma_wait3A, %dma_wait3A_80] : memref<2x128x64xf32, #tpu.memory_space<vmem>> -> memref<1x128x64xf32, #tpu.memory_space<vmem>>
      %dma_wait3A_82 = tpu.memref_squeeze %dma_wait3A_81 : memref<1x128x64xf32, #tpu.memory_space<vmem>> -> memref<128x64xf32, #tpu.memory_space<vmem>>
      %dma_wait3A_83 = arith.constant 0 : i32
      %dma_wait3A_84 = tpu.memref_slice %arg9[%add3A_18, %dma_wait3A_83] : memref<10240x64xf32, #tpu.memory_space<vmem_shared>> -> memref<128x64xf32, #tpu.memory_space<vmem_shared>>
      %dma_wait3A_85 = arith.constant 0 : i32
      %dma_wait3A_86 = tpu.memref_slice %arg9[%add3A_18, %dma_wait3A_85] : memref<10240x64xf32, #tpu.memory_space<vmem_shared>> -> memref<128x64xf32, #tpu.memory_space<vmem_shared>>
      %dma_wait3A_87 = arith.constant 0 : i32
      %dma_wait3A_88 = arith.constant 0 : i32
      %dma_wait3A_89 = tpu.memref_slice %arg8[%run_scoped3A_19, %dma_wait3A_87, %dma_wait3A_88] : memref<2x128x64xf32, #tpu.memory_space<vmem>> -> memref<1x128x64xf32, #tpu.memory_space<vmem>>
      %dma_wait3A_90 = tpu.memref_squeeze %dma_wait3A_89 : memref<1x128x64xf32, #tpu.memory_space<vmem>> -> memref<128x64xf32, #tpu.memory_space<vmem>>
      tpu.wait_dma2 semaphore(%run_scoped3A_67 : memref<!tpu.dma_semaphore, #tpu.memory_space<semaphore_mem>>) src(%dma_wait3A_90 : memref<128x64xf32, #tpu.memory_space<vmem>>) dst(%dma_wait3A_86 : memref<128x64xf32, #tpu.memory_space<vmem_shared>>)
      tpu.yield
    }) : () -> ()
    %add3A_20 = arith.constant 512 : i32
    %add3A_21 = arith.addi %mul3A_0, %add3A_20 : i32
    %run_scoped3A_22 = arith.constant 0 : i32
    "tpu.region"() ({
      %run_scoped3A_67 = tpu.sem_alloc : memref<!tpu.dma_semaphore, #tpu.memory_space<semaphore_mem>>
      %dma_start3A_68 = arith.constant 0 : i32
      %dma_start3A_69 = arith.constant 0 : i32
      %dma_start3A_70 = tpu.memref_slice %arg8[%run_scoped3A_22, %dma_start3A_68, %dma_start3A_69] : memref<2x128x64xf32, #tpu.memory_space<vmem>> -> memref<1x128x64xf32, #tpu.memory_space<vmem>>
      %dma_start3A_71 = tpu.memref_squeeze %dma_start3A_70 : memref<1x128x64xf32, #tpu.memory_space<vmem>> -> memref<128x64xf32, #tpu.memory_space<vmem>>
      %dma_start3A_72 = arith.constant 0 : i32
      %dma_start3A_73 = tpu.memref_slice %arg9[%add3A_21, %dma_start3A_72] : memref<10240x64xf32, #tpu.memory_space<vmem_shared>> -> memref<128x64xf32, #tpu.memory_space<vmem_shared>>
      %dma_start3A_74 = arith.constant 0 : i32
      %dma_start3A_75 = tpu.memref_slice %arg9[%add3A_21, %dma_start3A_74] : memref<10240x64xf32, #tpu.memory_space<vmem_shared>> -> memref<128x64xf32, #tpu.memory_space<vmem_shared>>
      %dma_start3A_76 = arith.constant 0 : i32
      %dma_start3A_77 = arith.constant 0 : i32
      %dma_start3A_78 = tpu.memref_slice %arg8[%run_scoped3A_22, %dma_start3A_76, %dma_start3A_77] : memref<2x128x64xf32, #tpu.memory_space<vmem>> -> memref<1x128x64xf32, #tpu.memory_space<vmem>>
      %dma_start3A_79 = tpu.memref_squeeze %dma_start3A_78 : memref<1x128x64xf32, #tpu.memory_space<vmem>> -> memref<128x64xf32, #tpu.memory_space<vmem>>
      tpu.enqueue_dma source(%dma_start3A_79 : memref<128x64xf32, #tpu.memory_space<vmem>>) target(%dma_start3A_75 : memref<128x64xf32, #tpu.memory_space<vmem_shared>>) target_semaphore(%run_scoped3A_67 : memref<!tpu.dma_semaphore, #tpu.memory_space<semaphore_mem>>)
      %dma_wait3A = arith.constant 0 : i32
      %dma_wait3A_80 = arith.constant 0 : i32
      %dma_wait3A_81 = tpu.memref_slice %arg8[%run_scoped3A_22, %dma_wait3A, %dma_wait3A_80] : memref<2x128x64xf32, #tpu.memory_space<vmem>> -> memref<1x128x64xf32, #tpu.memory_space<vmem>>
      %dma_wait3A_82 = tpu.memref_squeeze %dma_wait3A_81 : memref<1x128x64xf32, #tpu.memory_space<vmem>> -> memref<128x64xf32, #tpu.memory_space<vmem>>
      %dma_wait3A_83 = arith.constant 0 : i32
      %dma_wait3A_84 = tpu.memref_slice %arg9[%add3A_21, %dma_wait3A_83] : memref<10240x64xf32, #tpu.memory_space<vmem_shared>> -> memref<128x64xf32, #tpu.memory_space<vmem_shared>>
      %dma_wait3A_85 = arith.constant 0 : i32
      %dma_wait3A_86 = tpu.memref_slice %arg9[%add3A_21, %dma_wait3A_85] : memref<10240x64xf32, #tpu.memory_space<vmem_shared>> -> memref<128x64xf32, #tpu.memory_space<vmem_shared>>
      %dma_wait3A_87 = arith.constant 0 : i32
      %dma_wait3A_88 = arith.constant 0 : i32
      %dma_wait3A_89 = tpu.memref_slice %arg8[%run_scoped3A_22, %dma_wait3A_87, %dma_wait3A_88] : memref<2x128x64xf32, #tpu.memory_space<vmem>> -> memref<1x128x64xf32, #tpu.memory_space<vmem>>
      %dma_wait3A_90 = tpu.memref_squeeze %dma_wait3A_89 : memref<1x128x64xf32, #tpu.memory_space<vmem>> -> memref<128x64xf32, #tpu.memory_space<vmem>>
      tpu.wait_dma2 semaphore(%run_scoped3A_67 : memref<!tpu.dma_semaphore, #tpu.memory_space<semaphore_mem>>) src(%dma_wait3A_90 : memref<128x64xf32, #tpu.memory_space<vmem>>) dst(%dma_wait3A_86 : memref<128x64xf32, #tpu.memory_space<vmem_shared>>)
      tpu.yield
    }) : () -> ()
    %barrier3A = arith.constant 0 : index
    tpu.barrier barrier_id(%barrier3A)
    "tpu.region"() ({
      %run_scoped3A_67 = tpu.sem_alloc : memref<!tpu.dma_semaphore, #tpu.memory_space<semaphore_mem>>
      %dma_start3A_68 = arith.constant 0 : i32
      %dma_start3A_69 = arith.constant 0 : i32
      %dma_start3A_70 = tpu.memref_slice %arg2[%arg1, %dma_start3A_68, %dma_start3A_69] : memref<16x158x128xi32, #tpu.memory_space<hbm>> -> memref<1x158x128xi32, #tpu.memory_space<hbm>>
      %dma_start3A_71 = tpu.memref_squeeze %dma_start3A_70 : memref<1x158x128xi32, #tpu.memory_space<hbm>> -> memref<158x128xi32, #tpu.memory_space<hbm>>
      %dma_start3A_72 = arith.constant 0 : i32
      %dma_start3A_73 = arith.constant 0 : i32
      %dma_start3A_74 = tpu.memref_slice %arg2[%arg1, %dma_start3A_72, %dma_start3A_73] : memref<16x158x128xi32, #tpu.memory_space<hbm>> -> memref<1x158x128xi32, #tpu.memory_space<hbm>>
      %dma_start3A_75 = tpu.memref_squeeze %dma_start3A_74 : memref<1x158x128xi32, #tpu.memory_space<hbm>> -> memref<158x128xi32, #tpu.memory_space<hbm>>
      tpu.enqueue_dma source(%dma_start3A_75 : memref<158x128xi32, #tpu.memory_space<hbm>>) target(%arg6 : memref<158x128xi32, #tpu.memory_space<vmem>>) target_semaphore(%run_scoped3A_67 : memref<!tpu.dma_semaphore, #tpu.memory_space<semaphore_mem>>)
      %dma_wait3A = arith.constant 0 : i32
      %dma_wait3A_76 = arith.constant 0 : i32
      %dma_wait3A_77 = tpu.memref_slice %arg2[%arg1, %dma_wait3A, %dma_wait3A_76] : memref<16x158x128xi32, #tpu.memory_space<hbm>> -> memref<1x158x128xi32, #tpu.memory_space<hbm>>
      %dma_wait3A_78 = tpu.memref_squeeze %dma_wait3A_77 : memref<1x158x128xi32, #tpu.memory_space<hbm>> -> memref<158x128xi32, #tpu.memory_space<hbm>>
      %dma_wait3A_79 = arith.constant 0 : i32
      %dma_wait3A_80 = arith.constant 0 : i32
      %dma_wait3A_81 = tpu.memref_slice %arg2[%arg1, %dma_wait3A_79, %dma_wait3A_80] : memref<16x158x128xi32, #tpu.memory_space<hbm>> -> memref<1x158x128xi32, #tpu.memory_space<hbm>>
      %dma_wait3A_82 = tpu.memref_squeeze %dma_wait3A_81 : memref<1x158x128xi32, #tpu.memory_space<hbm>> -> memref<158x128xi32, #tpu.memory_space<hbm>>
      tpu.wait_dma2 semaphore(%run_scoped3A_67 : memref<!tpu.dma_semaphore, #tpu.memory_space<semaphore_mem>>) src(%dma_wait3A_82 : memref<158x128xi32, #tpu.memory_space<hbm>>) dst(%arg6 : memref<158x128xi32, #tpu.memory_space<vmem>>)
      tpu.yield
    }) : () -> ()
    "tpu.region"() ({
      %run_scoped3A_67 = tpu.sem_alloc : memref<!tpu.dma_semaphore, #tpu.memory_space<semaphore_mem>>
      %dma_start3A_68 = arith.constant 0 : i32
      %dma_start3A_69 = arith.constant 0 : i32
      %dma_start3A_70 = tpu.memref_slice %arg3[%arg1, %dma_start3A_68, %dma_start3A_69] : memref<16x158x128xi32, #tpu.memory_space<hbm>> -> memref<1x158x128xi32, #tpu.memory_space<hbm>>
      %dma_start3A_71 = tpu.memref_squeeze %dma_start3A_70 : memref<1x158x128xi32, #tpu.memory_space<hbm>> -> memref<158x128xi32, #tpu.memory_space<hbm>>
      %dma_start3A_72 = arith.constant 0 : i32
      %dma_start3A_73 = arith.constant 0 : i32
      %dma_start3A_74 = tpu.memref_slice %arg3[%arg1, %dma_start3A_72, %dma_start3A_73] : memref<16x158x128xi32, #tpu.memory_space<hbm>> -> memref<1x158x128xi32, #tpu.memory_space<hbm>>
      %dma_start3A_75 = tpu.memref_squeeze %dma_start3A_74 : memref<1x158x128xi32, #tpu.memory_space<hbm>> -> memref<158x128xi32, #tpu.memory_space<hbm>>
      tpu.enqueue_dma source(%dma_start3A_75 : memref<158x128xi32, #tpu.memory_space<hbm>>) target(%arg7 : memref<158x128xi32, #tpu.memory_space<vmem>>) target_semaphore(%run_scoped3A_67 : memref<!tpu.dma_semaphore, #tpu.memory_space<semaphore_mem>>)
      %dma_wait3A = arith.constant 0 : i32
      %dma_wait3A_76 = arith.constant 0 : i32
      %dma_wait3A_77 = tpu.memref_slice %arg3[%arg1, %dma_wait3A, %dma_wait3A_76] : memref<16x158x128xi32, #tpu.memory_space<hbm>> -> memref<1x158x128xi32, #tpu.memory_space<hbm>>
      %dma_wait3A_78 = tpu.memref_squeeze %dma_wait3A_77 : memref<1x158x128xi32, #tpu.memory_space<hbm>> -> memref<158x128xi32, #tpu.memory_space<hbm>>
      %dma_wait3A_79 = arith.constant 0 : i32
      %dma_wait3A_80 = arith.constant 0 : i32
      %dma_wait3A_81 = tpu.memref_slice %arg3[%arg1, %dma_wait3A_79, %dma_wait3A_80] : memref<16x158x128xi32, #tpu.memory_space<hbm>> -> memref<1x158x128xi32, #tpu.memory_space<hbm>>
      %dma_wait3A_82 = tpu.memref_squeeze %dma_wait3A_81 : memref<1x158x128xi32, #tpu.memory_space<hbm>> -> memref<158x128xi32, #tpu.memory_space<hbm>>
      tpu.wait_dma2 semaphore(%run_scoped3A_67 : memref<!tpu.dma_semaphore, #tpu.memory_space<semaphore_mem>>) src(%dma_wait3A_82 : memref<158x128xi32, #tpu.memory_space<hbm>>) dst(%arg7 : memref<158x128xi32, #tpu.memory_space<vmem>>)
      tpu.yield
    }) : () -> ()
    %scan3A_23 = arith.constant 0 : i32
    %scan3A_24 = arith.constant 0 : i32
    %scan3A_25 = arith.constant 158 : i32
    %scan3A_26 = arith.addi %scan3A_24, %scan3A_25 : i32
    %scan3A_27 = arith.constant 1 : i32
    scf.for %scan3A_67 = %scan3A_24 to %scan3A_26 step %scan3A_27  : i32 {
      %get3A = arith.index_cast %scan3A_67 : i32 to index
      %get3A_68 = arith.constant 0 : index
      %get3A_69 = tpu.vector_load %arg6[%get3A, %get3A_68] {strides = array<i32>} : memref<158x128xi32, #tpu.memory_space<vmem>>, vector<1x16xi32>,
      %get3A_70 = vector.shape_cast %get3A_69 : vector<1x16xi32> to vector<16xi32>
      %mul3A_71 = arith.constant 2 : i32
      %mul3A_72 = vector.broadcast %mul3A_71 : i32 to vector<16xi32>
      %mul3A_73 = arith.muli %get3A_70, %mul3A_72 : vector<16xi32>
      %add3A_74 = vector.broadcast %arg0 : i32 to vector<16xi32>
      %add3A_75 = arith.addi %mul3A_73, %add3A_74 : vector<16xi32>
      %swap3A = arith.index_cast %scan3A_67 : i32 to index
      %swap3A_76 = arith.constant 0 : index
      %swap3A_77 = tpu.vector_load %arg6[%swap3A, %swap3A_76] {strides = array<i32>} : memref<158x128xi32, #tpu.memory_space<vmem>>, vector<1x16xi32>,
      %swap3A_78 = vector.shape_cast %swap3A_77 : vector<1x16xi32> to vector<16xi32>
      %swap3A_79 = vector.shape_cast %add3A_75 : vector<16xi32> to vector<1x16xi32>
      tpu.vector_store %arg6[%swap3A, %swap3A_76], %swap3A_79 {strides = array<i32>} : memref<158x128xi32, #tpu.memory_space<vmem>>, vector<1x16xi32>,
      %get3A_80 = arith.index_cast %scan3A_67 : i32 to index
      %get3A_81 = arith.constant 16 : index
      %get3A_82 = tpu.vector_load %arg6[%get3A_80, %get3A_81] {strides = array<i32>} : memref<158x128xi32, #tpu.memory_space<vmem>>, vector<1x16xi32>,
      %get3A_83 = vector.shape_cast %get3A_82 : vector<1x16xi32> to vector<16xi32>
      %mul3A_84 = arith.constant 2 : i32
      %mul3A_85 = vector.broadcast %mul3A_84 : i32 to vector<16xi32>
      %mul3A_86 = arith.muli %get3A_83, %mul3A_85 : vector<16xi32>
      %add3A_87 = vector.broadcast %arg0 : i32 to vector<16xi32>
      %add3A_88 = arith.addi %mul3A_86, %add3A_87 : vector<16xi32>
      %swap3A_89 = arith.index_cast %scan3A_67 : i32 to index
      %swap3A_90 = arith.constant 16 : index
      %swap3A_91 = tpu.vector_load %arg6[%swap3A_89, %swap3A_90] {strides = array<i32>} : memref<158x128xi32, #tpu.memory_space<vmem>>, vector<1x16xi32>,
      %swap3A_92 = vector.shape_cast %swap3A_91 : vector<1x16xi32> to vector<16xi32>
      %swap3A_93 = vector.shape_cast %add3A_88 : vector<16xi32> to vector<1x16xi32>
      tpu.vector_store %arg6[%swap3A_89, %swap3A_90], %swap3A_93 {strides = array<i32>} : memref<158x128xi32, #tpu.memory_space<vmem>>, vector<1x16xi32>,
      %get3A_94 = arith.index_cast %scan3A_67 : i32 to index
      %get3A_95 = arith.constant 32 : index
      %get3A_96 = tpu.vector_load %arg6[%get3A_94, %get3A_95] {strides = array<i32>} : memref<158x128xi32, #tpu.memory_space<vmem>>, vector<1x16xi32>,
      %get3A_97 = vector.shape_cast %get3A_96 : vector<1x16xi32> to vector<16xi32>
      %mul3A_98 = arith.constant 2 : i32
      %mul3A_99 = vector.broadcast %mul3A_98 : i32 to vector<16xi32>
      %mul3A_100 = arith.muli %get3A_97, %mul3A_99 : vector<16xi32>
      %add3A_101 = vector.broadcast %arg0 : i32 to vector<16xi32>
      %add3A_102 = arith.addi %mul3A_100, %add3A_101 : vector<16xi32>
      %swap3A_103 = arith.index_cast %scan3A_67 : i32 to index
      %swap3A_104 = arith.constant 32 : index
      %swap3A_105 = tpu.vector_load %arg6[%swap3A_103, %swap3A_104] {strides = array<i32>} : memref<158x128xi32, #tpu.memory_space<vmem>>, vector<1x16xi32>,
      %swap3A_106 = vector.shape_cast %swap3A_105 : vector<1x16xi32> to vector<16xi32>
      %swap3A_107 = vector.shape_cast %add3A_102 : vector<16xi32> to vector<1x16xi32>
      tpu.vector_store %arg6[%swap3A_103, %swap3A_104], %swap3A_107 {strides = array<i32>} : memref<158x128xi32, #tpu.memory_space<vmem>>, vector<1x16xi32>,
      %get3A_108 = arith.index_cast %scan3A_67 : i32 to index
      %get3A_109 = arith.constant 48 : index
      %get3A_110 = tpu.vector_load %arg6[%get3A_108, %get3A_109] {strides = array<i32>} : memref<158x128xi32, #tpu.memory_space<vmem>>, vector<1x16xi32>,
      %get3A_111 = vector.shape_cast %get3A_110 : vector<1x16xi32> to vector<16xi32>
      %mul3A_112 = arith.constant 2 : i32
      %mul3A_113 = vector.broadcast %mul3A_112 : i32 to vector<16xi32>
      %mul3A_114 = arith.muli %get3A_111, %mul3A_113 : vector<16xi32>
      %add3A_115 = vector.broadcast %arg0 : i32 to vector<16xi32>
      %add3A_116 = arith.addi %mul3A_114, %add3A_115 : vector<16xi32>
      %swap3A_117 = arith.index_cast %scan3A_67 : i32 to index
      %swap3A_118 = arith.constant 48 : index
      %swap3A_119 = tpu.vector_load %arg6[%swap3A_117, %swap3A_118] {strides = array<i32>} : memref<158x128xi32, #tpu.memory_space<vmem>>, vector<1x16xi32>,
      %swap3A_120 = vector.shape_cast %swap3A_119 : vector<1x16xi32> to vector<16xi32>
      %swap3A_121 = vector.shape_cast %add3A_116 : vector<16xi32> to vector<1x16xi32>
      tpu.vector_store %arg6[%swap3A_117, %swap3A_118], %swap3A_121 {strides = array<i32>} : memref<158x128xi32, #tpu.memory_space<vmem>>, vector<1x16xi32>,
      %get3A_122 = arith.index_cast %scan3A_67 : i32 to index
      %get3A_123 = arith.constant 64 : index
      %get3A_124 = tpu.vector_load %arg6[%get3A_122, %get3A_123] {strides = array<i32>} : memref<158x128xi32, #tpu.memory_space<vmem>>, vector<1x16xi32>,
      %get3A_125 = vector.shape_cast %get3A_124 : vector<1x16xi32> to vector<16xi32>
      %mul3A_126 = arith.constant 2 : i32
      %mul3A_127 = vector.broadcast %mul3A_126 : i32 to vector<16xi32>
      %mul3A_128 = arith.muli %get3A_125, %mul3A_127 : vector<16xi32>
      %add3A_129 = vector.broadcast %arg0 : i32 to vector<16xi32>
      %add3A_130 = arith.addi %mul3A_128, %add3A_129 : vector<16xi32>
      %swap3A_131 = arith.index_cast %scan3A_67 : i32 to index
      %swap3A_132 = arith.constant 64 : index
      %swap3A_133 = tpu.vector_load %arg6[%swap3A_131, %swap3A_132] {strides = array<i32>} : memref<158x128xi32, #tpu.memory_space<vmem>>, vector<1x16xi32>,
      %swap3A_134 = vector.shape_cast %swap3A_133 : vector<1x16xi32> to vector<16xi32>
      %swap3A_135 = vector.shape_cast %add3A_130 : vector<16xi32> to vector<1x16xi32>
      tpu.vector_store %arg6[%swap3A_131, %swap3A_132], %swap3A_135 {strides = array<i32>} : memref<158x128xi32, #tpu.memory_space<vmem>>, vector<1x16xi32>,
      %get3A_136 = arith.index_cast %scan3A_67 : i32 to index
      %get3A_137 = arith.constant 80 : index
      %get3A_138 = tpu.vector_load %arg6[%get3A_136, %get3A_137] {strides = array<i32>} : memref<158x128xi32, #tpu.memory_space<vmem>>, vector<1x16xi32>,
      %get3A_139 = vector.shape_cast %get3A_138 : vector<1x16xi32> to vector<16xi32>
      %mul3A_140 = arith.constant 2 : i32
      %mul3A_141 = vector.broadcast %mul3A_140 : i32 to vector<16xi32>
      %mul3A_142 = arith.muli %get3A_139, %mul3A_141 : vector<16xi32>
      %add3A_143 = vector.broadcast %arg0 : i32 to vector<16xi32>
      %add3A_144 = arith.addi %mul3A_142, %add3A_143 : vector<16xi32>
      %swap3A_145 = arith.index_cast %scan3A_67 : i32 to index
      %swap3A_146 = arith.constant 80 : index
      %swap3A_147 = tpu.vector_load %arg6[%swap3A_145, %swap3A_146] {strides = array<i32>} : memref<158x128xi32, #tpu.memory_space<vmem>>, vector<1x16xi32>,
      %swap3A_148 = vector.shape_cast %swap3A_147 : vector<1x16xi32> to vector<16xi32>
      %swap3A_149 = vector.shape_cast %add3A_144 : vector<16xi32> to vector<1x16xi32>
      tpu.vector_store %arg6[%swap3A_145, %swap3A_146], %swap3A_149 {strides = array<i32>} : memref<158x128xi32, #tpu.memory_space<vmem>>, vector<1x16xi32>,
      %get3A_150 = arith.index_cast %scan3A_67 : i32 to index
      %get3A_151 = arith.constant 96 : index
      %get3A_152 = tpu.vector_load %arg6[%get3A_150, %get3A_151] {strides = array<i32>} : memref<158x128xi32, #tpu.memory_space<vmem>>, vector<1x16xi32>,
      %get3A_153 = vector.shape_cast %get3A_152 : vector<1x16xi32> to vector<16xi32>
      %mul3A_154 = arith.constant 2 : i32
      %mul3A_155 = vector.broadcast %mul3A_154 : i32 to vector<16xi32>
      %mul3A_156 = arith.muli %get3A_153, %mul3A_155 : vector<16xi32>
      %add3A_157 = vector.broadcast %arg0 : i32 to vector<16xi32>
      %add3A_158 = arith.addi %mul3A_156, %add3A_157 : vector<16xi32>
      %swap3A_159 = arith.index_cast %scan3A_67 : i32 to index
      %swap3A_160 = arith.constant 96 : index
      %swap3A_161 = tpu.vector_load %arg6[%swap3A_159, %swap3A_160] {strides = array<i32>} : memref<158x128xi32, #tpu.memory_space<vmem>>, vector<1x16xi32>,
      %swap3A_162 = vector.shape_cast %swap3A_161 : vector<1x16xi32> to vector<16xi32>
      %swap3A_163 = vector.shape_cast %add3A_158 : vector<16xi32> to vector<1x16xi32>
      tpu.vector_store %arg6[%swap3A_159, %swap3A_160], %swap3A_163 {strides = array<i32>} : memref<158x128xi32, #tpu.memory_space<vmem>>, vector<1x16xi32>,
      %get3A_164 = arith.index_cast %scan3A_67 : i32 to index
      %get3A_165 = arith.constant 112 : index
      %get3A_166 = tpu.vector_load %arg6[%get3A_164, %get3A_165] {strides = array<i32>} : memref<158x128xi32, #tpu.memory_space<vmem>>, vector<1x16xi32>,
      %get3A_167 = vector.shape_cast %get3A_166 : vector<1x16xi32> to vector<16xi32>
      %mul3A_168 = arith.constant 2 : i32
      %mul3A_169 = vector.broadcast %mul3A_168 : i32 to vector<16xi32>
      %mul3A_170 = arith.muli %get3A_167, %mul3A_169 : vector<16xi32>
      %add3A_171 = vector.broadcast %arg0 : i32 to vector<16xi32>
      %add3A_172 = arith.addi %mul3A_170, %add3A_171 : vector<16xi32>
      %swap3A_173 = arith.index_cast %scan3A_67 : i32 to index
      %swap3A_174 = arith.constant 112 : index
      %swap3A_175 = tpu.vector_load %arg6[%swap3A_173, %swap3A_174] {strides = array<i32>} : memref<158x128xi32, #tpu.memory_space<vmem>>, vector<1x16xi32>,
      %swap3A_176 = vector.shape_cast %swap3A_175 : vector<1x16xi32> to vector<16xi32>
      %swap3A_177 = vector.shape_cast %add3A_172 : vector<16xi32> to vector<1x16xi32>
      tpu.vector_store %arg6[%swap3A_173, %swap3A_174], %swap3A_177 {strides = array<i32>} : memref<158x128xi32, #tpu.memory_space<vmem>>, vector<1x16xi32>,
    }
    %scan3A_28 = arith.constant 158 : i32
    %dma_start3A = arith.constant 0 : i32
    %dma_start3A_29 = arith.constant 0 : i32
    %dma_start3A_30 = arith.constant 0 : i32
    %dma_start3A_31 = arith.constant 0 : i32
    %dma_start3A_32 = tpu.memref_slice %arg8[%dma_start3A_29, %dma_start3A_30, %dma_start3A_31] : memref<2x128x64xf32, #tpu.memory_space<vmem>> -> memref<1x128x64xf32, #tpu.memory_space<vmem>>
    %dma_start3A_33 = tpu.memref_squeeze %dma_start3A_32 : memref<1x128x64xf32, #tpu.memory_space<vmem>> -> memref<128x64xf32, #tpu.memory_space<vmem>>
    %dma_start3A_34 = arith.constant 0 : i32
    %dma_start3A_35 = tpu.memref_slice %arg6[%dma_start3A, %dma_start3A_34] : memref<158x128xi32, #tpu.memory_space<vmem>> -> memref<1x128xi32, #tpu.memory_space<vmem>>
    %dma_start3A_36 = tpu.memref_squeeze %dma_start3A_35 : memref<1x128xi32, #tpu.memory_space<vmem>> -> memref<128xi32, #tpu.memory_space<vmem>>
    %dma_start3A_37 = arith.constant 0 : i32
    %dma_start3A_38 = arith.constant 0 : i32
    %dma_start3A_39 = tpu.memref_slice %arg4[%dma_start3A_37, %dma_start3A_38] : memref<20480x64xf32, #tpu.memory_space<hbm>> -> memref<20480x64xf32, #tpu.memory_space<hbm>>
    tpu.enqueue_indirect_dma source(%dma_start3A_39 : memref<20480x64xf32, #tpu.memory_space<hbm>>) target(%dma_start3A_33 : memref<128x64xf32, #tpu.memory_space<vmem>>) offsets(%dma_start3A_36 : memref<128xi32, #tpu.memory_space<vmem>>) semaphore(%arg10 : memref<!tpu.dma_semaphore, #tpu.memory_space<semaphore_mem>>)
    %scan3A_40 = arith.constant 0 : i32
    %scan3A_41 = arith.constant 0 : i32
    %scan3A_42 = arith.constant 79 : i32
    %scan3A_43 = arith.addi %scan3A_41, %scan3A_42 : i32
    %scan3A_44 = arith.constant 1 : i32
    scf.for %scan3A_67 = %scan3A_41 to %scan3A_43 step %scan3A_44  : i32 {
      %mul3A_68 = arith.constant 2 : i32
      %mul3A_69 = arith.muli %scan3A_67, %mul3A_68 : i32
      %add3A_70 = arith.constant 0 : i32
      %add3A_71 = arith.addi %mul3A_69, %add3A_70 : i32
      %add3A_72 = arith.constant 1 : i32
      %add3A_73 = arith.addi %add3A_71, %add3A_72 : i32
      %lt3A = arith.constant 158 : i32
      %lt3A_74 = arith.cmpi slt, %add3A_73, %lt3A : i32
      %convert_element_type3A = arith.extui %lt3A_74 : i1 to i32
      %cond3A = arith.constant 0 : i32
      %cond3A_75 = arith.cmpi ne, %convert_element_type3A, %cond3A : i32
      scf.if %cond3A_75 {
        %add3A_110 = arith.constant 1 : i32
        %add3A_111 = arith.addi %add3A_71, %add3A_110 : i32
        %dma_start3A_112 = arith.constant 1 : i32
        %dma_start3A_113 = arith.constant 0 : i32
        %dma_start3A_114 = arith.constant 0 : i32
        %dma_start3A_115 = tpu.memref_slice %arg8[%dma_start3A_112, %dma_start3A_113, %dma_start3A_114] : memref<2x128x64xf32, #tpu.memory_space<vmem>> -> memref<1x128x64xf32, #tpu.memory_space<vmem>>
        %dma_start3A_116 = tpu.memref_squeeze %dma_start3A_115 : memref<1x128x64xf32, #tpu.memory_space<vmem>> -> memref<128x64xf32, #tpu.memory_space<vmem>>
        %dma_start3A_117 = arith.constant 0 : i32
        %dma_start3A_118 = tpu.memref_slice %arg6[%add3A_111, %dma_start3A_117] : memref<158x128xi32, #tpu.memory_space<vmem>> -> memref<1x128xi32, #tpu.memory_space<vmem>>
        %dma_start3A_119 = tpu.memref_squeeze %dma_start3A_118 : memref<1x128xi32, #tpu.memory_space<vmem>> -> memref<128xi32, #tpu.memory_space<vmem>>
        %dma_start3A_120 = arith.constant 0 : i32
        %dma_start3A_121 = arith.constant 0 : i32
        %dma_start3A_122 = tpu.memref_slice %arg4[%dma_start3A_120, %dma_start3A_121] : memref<20480x64xf32, #tpu.memory_space<hbm>> -> memref<20480x64xf32, #tpu.memory_space<hbm>>
        tpu.enqueue_indirect_dma source(%dma_start3A_122 : memref<20480x64xf32, #tpu.memory_space<hbm>>) target(%dma_start3A_116 : memref<128x64xf32, #tpu.memory_space<vmem>>) offsets(%dma_start3A_119 : memref<128xi32, #tpu.memory_space<vmem>>) semaphore(%arg11 : memref<!tpu.dma_semaphore, #tpu.memory_space<semaphore_mem>>)
      } else {
      }
      %dma_wait3A = arith.constant 0 : i32
      %dma_wait3A_76 = arith.constant 0 : i32
      %dma_wait3A_77 = arith.constant 0 : i32
      %dma_wait3A_78 = tpu.memref_slice %arg8[%dma_wait3A, %dma_wait3A_76, %dma_wait3A_77] : memref<2x128x64xf32, #tpu.memory_space<vmem>> -> memref<1x128x64xf32, #tpu.memory_space<vmem>>
      %dma_wait3A_79 = tpu.memref_squeeze %dma_wait3A_78 : memref<1x128x64xf32, #tpu.memory_space<vmem>> -> memref<128x64xf32, #tpu.memory_space<vmem>>
      %dma_wait3A_80 = arith.constant 0 : i32
      %dma_wait3A_81 = tpu.memref_slice %arg6[%add3A_71, %dma_wait3A_80] : memref<158x128xi32, #tpu.memory_space<vmem>> -> memref<1x128xi32, #tpu.memory_space<vmem>>
      %dma_wait3A_82 = tpu.memref_squeeze %dma_wait3A_81 : memref<1x128xi32, #tpu.memory_space<vmem>> -> memref<128xi32, #tpu.memory_space<vmem>>
      %dma_wait3A_83 = arith.constant 0 : i32
      %dma_wait3A_84 = arith.constant 0 : i32
      %dma_wait3A_85 = tpu.memref_slice %arg4[%dma_wait3A_83, %dma_wait3A_84] : memref<20480x64xf32, #tpu.memory_space<hbm>> -> memref<20480x64xf32, #tpu.memory_space<hbm>>
      tpu.wait_indirect_dma semaphore(%arg10 : memref<!tpu.dma_semaphore, #tpu.memory_space<semaphore_mem>>) src(%dma_wait3A_85 : memref<20480x64xf32, #tpu.memory_space<hbm>>) dst(%dma_wait3A_79 : memref<128x64xf32, #tpu.memory_space<vmem>>)
      %run_scoped3A_86 = arith.constant 0 : i32
      "tpu.region"() ({
        %run_scoped3A_110 = tpu.sem_alloc : memref<!tpu.dma_semaphore, #tpu.memory_space<semaphore_mem>>
        %dma_start3A_111 = arith.constant 0 : i32
        %dma_start3A_112 = arith.constant 0 : i32
        %dma_start3A_113 = tpu.memref_slice %arg8[%run_scoped3A_86, %dma_start3A_111, %dma_start3A_112] : memref<2x128x64xf32, #tpu.memory_space<vmem>> -> memref<1x128x64xf32, #tpu.memory_space<vmem>>
        %dma_start3A_114 = tpu.memref_squeeze %dma_start3A_113 : memref<1x128x64xf32, #tpu.memory_space<vmem>> -> memref<128x64xf32, #tpu.memory_space<vmem>>
        %dma_start3A_115 = arith.constant 0 : i32
        %dma_start3A_116 = tpu.memref_slice %arg7[%add3A_71, %dma_start3A_115] : memref<158x128xi32, #tpu.memory_space<vmem>> -> memref<1x128xi32, #tpu.memory_space<vmem>>
        %dma_start3A_117 = tpu.memref_squeeze %dma_start3A_116 : memref<1x128xi32, #tpu.memory_space<vmem>> -> memref<128xi32, #tpu.memory_space<vmem>>
        %dma_start3A_118 = arith.constant 0 : i32
        %dma_start3A_119 = arith.constant 0 : i32
        %dma_start3A_120 = tpu.memref_slice %arg9[%dma_start3A_118, %dma_start3A_119] : memref<10240x64xf32, #tpu.memory_space<vmem_shared>> -> memref<10240x64xf32, #tpu.memory_space<vmem_shared>>
        tpu.enqueue_indirect_dma source(%dma_start3A_114 : memref<128x64xf32, #tpu.memory_space<vmem>>) target(%dma_start3A_120 : memref<10240x64xf32, #tpu.memory_space<vmem_shared>>) offsets(%dma_start3A_117 : memref<128xi32, #tpu.memory_space<vmem>>) semaphore(%run_scoped3A_110 : memref<!tpu.dma_semaphore, #tpu.memory_space<semaphore_mem>>) {add = true}
        %dma_wait3A_121 = arith.constant 0 : i32
        %dma_wait3A_122 = arith.constant 0 : i32
        %dma_wait3A_123 = tpu.memref_slice %arg8[%run_scoped3A_86, %dma_wait3A_121, %dma_wait3A_122] : memref<2x128x64xf32, #tpu.memory_space<vmem>> -> memref<1x128x64xf32, #tpu.memory_space<vmem>>
        %dma_wait3A_124 = tpu.memref_squeeze %dma_wait3A_123 : memref<1x128x64xf32, #tpu.memory_space<vmem>> -> memref<128x64xf32, #tpu.memory_space<vmem>>
        %dma_wait3A_125 = arith.constant 0 : i32
        %dma_wait3A_126 = tpu.memref_slice %arg7[%add3A_71, %dma_wait3A_125] : memref<158x128xi32, #tpu.memory_space<vmem>> -> memref<1x128xi32, #tpu.memory_space<vmem>>
        %dma_wait3A_127 = tpu.memref_squeeze %dma_wait3A_126 : memref<1x128xi32, #tpu.memory_space<vmem>> -> memref<128xi32, #tpu.memory_space<vmem>>
        %dma_wait3A_128 = arith.constant 0 : i32
        %dma_wait3A_129 = arith.constant 0 : i32
        %dma_wait3A_130 = tpu.memref_slice %arg9[%dma_wait3A_128, %dma_wait3A_129] : memref<10240x64xf32, #tpu.memory_space<vmem_shared>> -> memref<10240x64xf32, #tpu.memory_space<vmem_shared>>
        tpu.wait_indirect_dma semaphore(%run_scoped3A_110 : memref<!tpu.dma_semaphore, #tpu.memory_space<semaphore_mem>>) src(%dma_wait3A_124 : memref<128x64xf32, #tpu.memory_space<vmem>>) dst(%dma_wait3A_130 : memref<10240x64xf32, #tpu.memory_space<vmem_shared>>)
        tpu.yield
      }) : () -> ()
      %mul3A_87 = arith.constant 2 : i32
      %mul3A_88 = arith.muli %scan3A_67, %mul3A_87 : i32
      %add3A_89 = arith.constant 1 : i32
      %add3A_90 = arith.addi %mul3A_88, %add3A_89 : i32
      %add3A_91 = arith.constant 1 : i32
      %add3A_92 = arith.addi %add3A_90, %add3A_91 : i32
      %lt3A_93 = arith.constant 158 : i32
      %lt3A_94 = arith.cmpi slt, %add3A_92, %lt3A_93 : i32
      %convert_element_type3A_95 = arith.extui %lt3A_94 : i1 to i32
      %cond3A_96 = arith.constant 0 : i32
      %cond3A_97 = arith.cmpi ne, %convert_element_type3A_95, %cond3A_96 : i32
      scf.if %cond3A_97 {
        %add3A_110 = arith.constant 1 : i32
        %add3A_111 = arith.addi %add3A_90, %add3A_110 : i32
        %dma_start3A_112 = arith.constant 0 : i32
        %dma_start3A_113 = arith.constant 0 : i32
        %dma_start3A_114 = arith.constant 0 : i32
        %dma_start3A_115 = tpu.memref_slice %arg8[%dma_start3A_112, %dma_start3A_113, %dma_start3A_114] : memref<2x128x64xf32, #tpu.memory_space<vmem>> -> memref<1x128x64xf32, #tpu.memory_space<vmem>>
        %dma_start3A_116 = tpu.memref_squeeze %dma_start3A_115 : memref<1x128x64xf32, #tpu.memory_space<vmem>> -> memref<128x64xf32, #tpu.memory_space<vmem>>
        %dma_start3A_117 = arith.constant 0 : i32
        %dma_start3A_118 = tpu.memref_slice %arg6[%add3A_111, %dma_start3A_117] : memref<158x128xi32, #tpu.memory_space<vmem>> -> memref<1x128xi32, #tpu.memory_space<vmem>>
        %dma_start3A_119 = tpu.memref_squeeze %dma_start3A_118 : memref<1x128xi32, #tpu.memory_space<vmem>> -> memref<128xi32, #tpu.memory_space<vmem>>
        %dma_start3A_120 = arith.constant 0 : i32
        %dma_start3A_121 = arith.constant 0 : i32
        %dma_start3A_122 = tpu.memref_slice %arg4[%dma_start3A_120, %dma_start3A_121] : memref<20480x64xf32, #tpu.memory_space<hbm>> -> memref<20480x64xf32, #tpu.memory_space<hbm>>
        tpu.enqueue_indirect_dma source(%dma_start3A_122 : memref<20480x64xf32, #tpu.memory_space<hbm>>) target(%dma_start3A_116 : memref<128x64xf32, #tpu.memory_space<vmem>>) offsets(%dma_start3A_119 : memref<128xi32, #tpu.memory_space<vmem>>) semaphore(%arg10 : memref<!tpu.dma_semaphore, #tpu.memory_space<semaphore_mem>>)
      } else {
      }
      %dma_wait3A_98 = arith.constant 1 : i32
      %dma_wait3A_99 = arith.constant 0 : i32
      %dma_wait3A_100 = arith.constant 0 : i32
      %dma_wait3A_101 = tpu.memref_slice %arg8[%dma_wait3A_98, %dma_wait3A_99, %dma_wait3A_100] : memref<2x128x64xf32, #tpu.memory_space<vmem>> -> memref<1x128x64xf32, #tpu.memory_space<vmem>>
      %dma_wait3A_102 = tpu.memref_squeeze %dma_wait3A_101 : memref<1x128x64xf32, #tpu.memory_space<vmem>> -> memref<128x64xf32, #tpu.memory_space<vmem>>
      %dma_wait3A_103 = arith.constant 0 : i32
      %dma_wait3A_104 = tpu.memref_slice %arg6[%add3A_90, %dma_wait3A_103] : memref<158x128xi32, #tpu.memory_space<vmem>> -> memref<1x128xi32, #tpu.memory_space<vmem>>
      %dma_wait3A_105 = tpu.memref_squeeze %dma_wait3A_104 : memref<1x128xi32, #tpu.memory_space<vmem>> -> memref<128xi32, #tpu.memory_space<vmem>>
      %dma_wait3A_106 = arith.constant 0 : i32
      %dma_wait3A_107 = arith.constant 0 : i32
      %dma_wait3A_108 = tpu.memref_slice %arg4[%dma_wait3A_106, %dma_wait3A_107] : memref<20480x64xf32, #tpu.memory_space<hbm>> -> memref<20480x64xf32, #tpu.memory_space<hbm>>
      tpu.wait_indirect_dma semaphore(%arg11 : memref<!tpu.dma_semaphore, #tpu.memory_space<semaphore_mem>>) src(%dma_wait3A_108 : memref<20480x64xf32, #tpu.memory_space<hbm>>) dst(%dma_wait3A_102 : memref<128x64xf32, #tpu.memory_space<vmem>>)
      %run_scoped3A_109 = arith.constant 1 : i32
      "tpu.region"() ({
        %run_scoped3A_110 = tpu.sem_alloc : memref<!tpu.dma_semaphore, #tpu.memory_space<semaphore_mem>>
        %dma_start3A_111 = arith.constant 0 : i32
        %dma_start3A_112 = arith.constant 0 : i32
        %dma_start3A_113 = tpu.memref_slice %arg8[%run_scoped3A_109, %dma_start3A_111, %dma_start3A_112] : memref<2x128x64xf32, #tpu.memory_space<vmem>> -> memref<1x128x64xf32, #tpu.memory_space<vmem>>
        %dma_start3A_114 = tpu.memref_squeeze %dma_start3A_113 : memref<1x128x64xf32, #tpu.memory_space<vmem>> -> memref<128x64xf32, #tpu.memory_space<vmem>>
        %dma_start3A_115 = arith.constant 0 : i32
        %dma_start3A_116 = tpu.memref_slice %arg7[%add3A_90, %dma_start3A_115] : memref<158x128xi32, #tpu.memory_space<vmem>> -> memref<1x128xi32, #tpu.memory_space<vmem>>
        %dma_start3A_117 = tpu.memref_squeeze %dma_start3A_116 : memref<1x128xi32, #tpu.memory_space<vmem>> -> memref<128xi32, #tpu.memory_space<vmem>>
        %dma_start3A_118 = arith.constant 0 : i32
        %dma_start3A_119 = arith.constant 0 : i32
        %dma_start3A_120 = tpu.memref_slice %arg9[%dma_start3A_118, %dma_start3A_119] : memref<10240x64xf32, #tpu.memory_space<vmem_shared>> -> memref<10240x64xf32, #tpu.memory_space<vmem_shared>>
        tpu.enqueue_indirect_dma source(%dma_start3A_114 : memref<128x64xf32, #tpu.memory_space<vmem>>) target(%dma_start3A_120 : memref<10240x64xf32, #tpu.memory_space<vmem_shared>>) offsets(%dma_start3A_117 : memref<128xi32, #tpu.memory_space<vmem>>) semaphore(%run_scoped3A_110 : memref<!tpu.dma_semaphore, #tpu.memory_space<semaphore_mem>>) {add = true}
        %dma_wait3A_121 = arith.constant 0 : i32
        %dma_wait3A_122 = arith.constant 0 : i32
        %dma_wait3A_123 = tpu.memref_slice %arg8[%run_scoped3A_109, %dma_wait3A_121, %dma_wait3A_122] : memref<2x128x64xf32, #tpu.memory_space<vmem>> -> memref<1x128x64xf32, #tpu.memory_space<vmem>>
        %dma_wait3A_124 = tpu.memref_squeeze %dma_wait3A_123 : memref<1x128x64xf32, #tpu.memory_space<vmem>> -> memref<128x64xf32, #tpu.memory_space<vmem>>
        %dma_wait3A_125 = arith.constant 0 : i32
        %dma_wait3A_126 = tpu.memref_slice %arg7[%add3A_90, %dma_wait3A_125] : memref<158x128xi32, #tpu.memory_space<vmem>> -> memref<1x128xi32, #tpu.memory_space<vmem>>
        %dma_wait3A_127 = tpu.memref_squeeze %dma_wait3A_126 : memref<1x128xi32, #tpu.memory_space<vmem>> -> memref<128xi32, #tpu.memory_space<vmem>>
        %dma_wait3A_128 = arith.constant 0 : i32
        %dma_wait3A_129 = arith.constant 0 : i32
        %dma_wait3A_130 = tpu.memref_slice %arg9[%dma_wait3A_128, %dma_wait3A_129] : memref<10240x64xf32, #tpu.memory_space<vmem_shared>> -> memref<10240x64xf32, #tpu.memory_space<vmem_shared>>
        tpu.wait_indirect_dma semaphore(%run_scoped3A_110 : memref<!tpu.dma_semaphore, #tpu.memory_space<semaphore_mem>>) src(%dma_wait3A_124 : memref<128x64xf32, #tpu.memory_space<vmem>>) dst(%dma_wait3A_130 : memref<10240x64xf32, #tpu.memory_space<vmem_shared>>)
        tpu.yield
      }) : () -> ()
    }
    %scan3A_45 = arith.constant 79 : i32
    %barrier3A_46 = arith.constant 0 : index
    tpu.barrier barrier_id(%barrier3A_46)
    %add3A_47 = arith.constant 0 : i32
    %add3A_48 = arith.addi %mul3A_0, %add3A_47 : i32
    %add3A_49 = arith.constant 0 : i32
    %add3A_50 = arith.addi %add3A, %add3A_49 : i32
    "tpu.region"() ({
      %run_scoped3A_67 = tpu.sem_alloc : memref<!tpu.dma_semaphore, #tpu.memory_space<semaphore_mem>>
      %dma_start3A_68 = arith.constant 0 : i32
      %dma_start3A_69 = tpu.memref_slice %arg5[%add3A_50, %dma_start3A_68] : memref<20480x64xf32, #tpu.memory_space<hbm>> -> memref<128x64xf32, #tpu.memory_space<hbm>>
      %dma_start3A_70 = arith.constant 0 : i32
      %dma_start3A_71 = tpu.memref_slice %arg9[%add3A_48, %dma_start3A_70] : memref<10240x64xf32, #tpu.memory_space<vmem_shared>> -> memref<128x64xf32, #tpu.memory_space<vmem_shared>>
      tpu.enqueue_dma source(%dma_start3A_71 : memref<128x64xf32, #tpu.memory_space<vmem_shared>>) target(%dma_start3A_69 : memref<128x64xf32, #tpu.memory_space<hbm>>) target_semaphore(%run_scoped3A_67 : memref<!tpu.dma_semaphore, #tpu.memory_space<semaphore_mem>>)
      %dma_wait3A = arith.constant 0 : i32
      %dma_wait3A_72 = tpu.memref_slice %arg5[%add3A_50, %dma_wait3A] : memref<20480x64xf32, #tpu.memory_space<hbm>> -> memref<128x64xf32, #tpu.memory_space<hbm>>
      %dma_wait3A_73 = arith.constant 0 : i32
      %dma_wait3A_74 = tpu.memref_slice %arg9[%add3A_48, %dma_wait3A_73] : memref<10240x64xf32, #tpu.memory_space<vmem_shared>> -> memref<128x64xf32, #tpu.memory_space<vmem_shared>>
      tpu.wait_dma2 semaphore(%run_scoped3A_67 : memref<!tpu.dma_semaphore, #tpu.memory_space<semaphore_mem>>) src(%dma_wait3A_74 : memref<128x64xf32, #tpu.memory_space<vmem_shared>>) dst(%dma_wait3A_72 : memref<128x64xf32, #tpu.memory_space<hbm>>)
      tpu.yield
    }) : () -> ()
    %add3A_51 = arith.constant 128 : i32
    %add3A_52 = arith.addi %mul3A_0, %add3A_51 : i32
    %add3A_53 = arith.constant 128 : i32
    %add3A_54 = arith.addi %add3A, %add3A_53 : i32
    "tpu.region"() ({
      %run_scoped3A_67 = tpu.sem_alloc : memref<!tpu.dma_semaphore, #tpu.memory_space<semaphore_mem>>
      %dma_start3A_68 = arith.constant 0 : i32
      %dma_start3A_69 = tpu.memref_slice %arg5[%add3A_54, %dma_start3A_68] : memref<20480x64xf32, #tpu.memory_space<hbm>> -> memref<128x64xf32, #tpu.memory_space<hbm>>
      %dma_start3A_70 = arith.constant 0 : i32
      %dma_start3A_71 = tpu.memref_slice %arg9[%add3A_52, %dma_start3A_70] : memref<10240x64xf32, #tpu.memory_space<vmem_shared>> -> memref<128x64xf32, #tpu.memory_space<vmem_shared>>
      tpu.enqueue_dma source(%dma_start3A_71 : memref<128x64xf32, #tpu.memory_space<vmem_shared>>) target(%dma_start3A_69 : memref<128x64xf32, #tpu.memory_space<hbm>>) target_semaphore(%run_scoped3A_67 : memref<!tpu.dma_semaphore, #tpu.memory_space<semaphore_mem>>)
      %dma_wait3A = arith.constant 0 : i32
      %dma_wait3A_72 = tpu.memref_slice %arg5[%add3A_54, %dma_wait3A] : memref<20480x64xf32, #tpu.memory_space<hbm>> -> memref<128x64xf32, #tpu.memory_space<hbm>>
      %dma_wait3A_73 = arith.constant 0 : i32
      %dma_wait3A_74 = tpu.memref_slice %arg9[%add3A_52, %dma_wait3A_73] : memref<10240x64xf32, #tpu.memory_space<vmem_shared>> -> memref<128x64xf32, #tpu.memory_space<vmem_shared>>
      tpu.wait_dma2 semaphore(%run_scoped3A_67 : memref<!tpu.dma_semaphore, #tpu.memory_space<semaphore_mem>>) src(%dma_wait3A_74 : memref<128x64xf32, #tpu.memory_space<vmem_shared>>) dst(%dma_wait3A_72 : memref<128x64xf32, #tpu.memory_space<hbm>>)
      tpu.yield
    }) : () -> ()
    %add3A_55 = arith.constant 256 : i32
    %add3A_56 = arith.addi %mul3A_0, %add3A_55 : i32
    %add3A_57 = arith.constant 256 : i32
    %add3A_58 = arith.addi %add3A, %add3A_57 : i32
    "tpu.region"() ({
      %run_scoped3A_67 = tpu.sem_alloc : memref<!tpu.dma_semaphore, #tpu.memory_space<semaphore_mem>>
      %dma_start3A_68 = arith.constant 0 : i32
      %dma_start3A_69 = tpu.memref_slice %arg5[%add3A_58, %dma_start3A_68] : memref<20480x64xf32, #tpu.memory_space<hbm>> -> memref<128x64xf32, #tpu.memory_space<hbm>>
      %dma_start3A_70 = arith.constant 0 : i32
      %dma_start3A_71 = tpu.memref_slice %arg9[%add3A_56, %dma_start3A_70] : memref<10240x64xf32, #tpu.memory_space<vmem_shared>> -> memref<128x64xf32, #tpu.memory_space<vmem_shared>>
      tpu.enqueue_dma source(%dma_start3A_71 : memref<128x64xf32, #tpu.memory_space<vmem_shared>>) target(%dma_start3A_69 : memref<128x64xf32, #tpu.memory_space<hbm>>) target_semaphore(%run_scoped3A_67 : memref<!tpu.dma_semaphore, #tpu.memory_space<semaphore_mem>>)
      %dma_wait3A = arith.constant 0 : i32
      %dma_wait3A_72 = tpu.memref_slice %arg5[%add3A_58, %dma_wait3A] : memref<20480x64xf32, #tpu.memory_space<hbm>> -> memref<128x64xf32, #tpu.memory_space<hbm>>
      %dma_wait3A_73 = arith.constant 0 : i32
      %dma_wait3A_74 = tpu.memref_slice %arg9[%add3A_56, %dma_wait3A_73] : memref<10240x64xf32, #tpu.memory_space<vmem_shared>> -> memref<128x64xf32, #tpu.memory_space<vmem_shared>>
      tpu.wait_dma2 semaphore(%run_scoped3A_67 : memref<!tpu.dma_semaphore, #tpu.memory_space<semaphore_mem>>) src(%dma_wait3A_74 : memref<128x64xf32, #tpu.memory_space<vmem_shared>>) dst(%dma_wait3A_72 : memref<128x64xf32, #tpu.memory_space<hbm>>)
      tpu.yield
    }) : () -> ()
    %add3A_59 = arith.constant 384 : i32
    %add3A_60 = arith.addi %mul3A_0, %add3A_59 : i32
    %add3A_61 = arith.constant 384 : i32
    %add3A_62 = arith.addi %add3A, %add3A_61 : i32
    "tpu.region"() ({
      %run_scoped3A_67 = tpu.sem_alloc : memref<!tpu.dma_semaphore, #tpu.memory_space<semaphore_mem>>
      %dma_start3A_68 = arith.constant 0 : i32
      %dma_start3A_69 = tpu.memref_slice %arg5[%add3A_62, %dma_start3A_68] : memref<20480x64xf32, #tpu.memory_space<hbm>> -> memref<128x64xf32, #tpu.memory_space<hbm>>
      %dma_start3A_70 = arith.constant 0 : i32
      %dma_start3A_71 = tpu.memref_slice %arg9[%add3A_60, %dma_start3A_70] : memref<10240x64xf32, #tpu.memory_space<vmem_shared>> -> memref<128x64xf32, #tpu.memory_space<vmem_shared>>
      tpu.enqueue_dma source(%dma_start3A_71 : memref<128x64xf32, #tpu.memory_space<vmem_shared>>) target(%dma_start3A_69 : memref<128x64xf32, #tpu.memory_space<hbm>>) target_semaphore(%run_scoped3A_67 : memref<!tpu.dma_semaphore, #tpu.memory_space<semaphore_mem>>)
      %dma_wait3A = arith.constant 0 : i32
      %dma_wait3A_72 = tpu.memref_slice %arg5[%add3A_62, %dma_wait3A] : memref<20480x64xf32, #tpu.memory_space<hbm>> -> memref<128x64xf32, #tpu.memory_space<hbm>>
      %dma_wait3A_73 = arith.constant 0 : i32
      %dma_wait3A_74 = tpu.memref_slice %arg9[%add3A_60, %dma_wait3A_73] : memref<10240x64xf32, #tpu.memory_space<vmem_shared>> -> memref<128x64xf32, #tpu.memory_space<vmem_shared>>
      tpu.wait_dma2 semaphore(%run_scoped3A_67 : memref<!tpu.dma_semaphore, #tpu.memory_space<semaphore_mem>>) src(%dma_wait3A_74 : memref<128x64xf32, #tpu.memory_space<vmem_shared>>) dst(%dma_wait3A_72 : memref<128x64xf32, #tpu.memory_space<hbm>>)
      tpu.yield
    }) : () -> ()
    %add3A_63 = arith.constant 512 : i32
    %add3A_64 = arith.addi %mul3A_0, %add3A_63 : i32
    %add3A_65 = arith.constant 512 : i32
    %add3A_66 = arith.addi %add3A, %add3A_65 : i32
    "tpu.region"() ({
      %run_scoped3A_67 = tpu.sem_alloc : memref<!tpu.dma_semaphore, #tpu.memory_space<semaphore_mem>>
      %dma_start3A_68 = arith.constant 0 : i32
      %dma_start3A_69 = tpu.memref_slice %arg5[%add3A_66, %dma_start3A_68] : memref<20480x64xf32, #tpu.memory_space<hbm>> -> memref<128x64xf32, #tpu.memory_space<hbm>>
      %dma_start3A_70 = arith.constant 0 : i32
      %dma_start3A_71 = tpu.memref_slice %arg9[%add3A_64, %dma_start3A_70] : memref<10240x64xf32, #tpu.memory_space<vmem_shared>> -> memref<128x64xf32, #tpu.memory_space<vmem_shared>>
      tpu.enqueue_dma source(%dma_start3A_71 : memref<128x64xf32, #tpu.memory_space<vmem_shared>>) target(%dma_start3A_69 : memref<128x64xf32, #tpu.memory_space<hbm>>) target_semaphore(%run_scoped3A_67 : memref<!tpu.dma_semaphore, #tpu.memory_space<semaphore_mem>>)
      %dma_wait3A = arith.constant 0 : i32
      %dma_wait3A_72 = tpu.memref_slice %arg5[%add3A_66, %dma_wait3A] : memref<20480x64xf32, #tpu.memory_space<hbm>> -> memref<128x64xf32, #tpu.memory_space<hbm>>
      %dma_wait3A_73 = arith.constant 0 : i32
      %dma_wait3A_74 = tpu.memref_slice %arg9[%add3A_64, %dma_wait3A_73] : memref<10240x64xf32, #tpu.memory_space<vmem_shared>> -> memref<128x64xf32, #tpu.memory_space<vmem_shared>>
      tpu.wait_dma2 semaphore(%run_scoped3A_67 : memref<!tpu.dma_semaphore, #tpu.memory_space<semaphore_mem>>) src(%dma_wait3A_74 : memref<128x64xf32, #tpu.memory_space<vmem_shared>>) dst(%dma_wait3A_72 : memref<128x64xf32, #tpu.memory_space<hbm>>)
      tpu.yield
    }) : () -> ()
    return
  }
}

module attributes {stable_mosaic.version = 14 : i64} {
  func.func @_mm1_body(%arg0: i32, %arg1: memref<2048x128xf32, #tpu.memory_space<vmem>>, %arg2: memref<128x128xf32, #tpu.memory_space<vmem>>, %arg3: memref<2048x128xf32, #tpu.memory_space<vmem>>, %arg4: memref<2048x128xf32, #tpu.memory_space<vmem>>, %arg5: memref<2048x128xf32, #tpu.memory_space<vmem>>, %arg6: memref<2048x128xf32, #tpu.memory_space<vmem>>) attributes {dimension_semantics = [#tpu.dimension_semantics<arbitrary>], iteration_bounds = array<i64: 5>, scalar_prefetch = 0 : i64, scratch_operands = 0 : i64, tpu.core_type = #tpu.core_type<tc>, window_params = [{transform_indices = @transform_0, window_bounds = array<i64: 2048, 128>}, {pipeline_mode = #tpu.pipeline_mode<synchronous>, transform_indices = @transform_1, window_bounds = array<i64: 128, 128>}, {transform_indices = @transform_2, window_bounds = array<i64: 2048, 128>}, {transform_indices = @transform_3, window_bounds = array<i64: 2048, 128>}, {transform_indices = @transform_4, window_bounds = array<i64: 2048, 128>}, {transform_indices = @transform_5, window_bounds = array<i64: 2048, 128>}]} {
    %get3A = arith.constant 0 : index
    %get3A_0 = arith.constant 0 : index
    %get3A_1 = vector.load %arg3[%get3A, %get3A_0] : memref<2048x128xf32, #tpu.memory_space<vmem>>, vector<2048x128xf32>
    %get3A_2 = arith.constant 0 : index
    %get3A_3 = arith.constant 0 : index
    %get3A_4 = vector.load %arg4[%get3A_2, %get3A_3] : memref<2048x128xf32, #tpu.memory_space<vmem>>, vector<2048x128xf32>
    %add3A = arith.addf %get3A_1, %get3A_4 : vector<2048x128xf32>
    %add3A_5 = arith.constant 1.000000e+00 : f32
    %add3A_6 = vector.broadcast %add3A_5 : f32 to vector<2048x128xf32>
    %add3A_7 = arith.addf %add3A, %add3A_6 : vector<2048x128xf32>
    %rsqrt3A = math.rsqrt %add3A_7 : vector<2048x128xf32>
    %get3A_8 = arith.constant 0 : index
    %get3A_9 = arith.constant 0 : index
    %get3A_10 = vector.load %arg1[%get3A_8, %get3A_9] : memref<2048x128xf32, #tpu.memory_space<vmem>>, vector<2048x128xf32>
    %get3A_11 = arith.constant 0 : index
    %get3A_12 = arith.constant 0 : index
    %get3A_13 = vector.load %arg2[%get3A_11, %get3A_12] : memref<128x128xf32, #tpu.memory_space<vmem>>, vector<128x128xf32>
    %dot_general3A = arith.constant dense<0.000000e+00> : vector<2048x128xf32>
    %dot_general3A_14 = tpu.matmul %get3A_10, %get3A_13, %dot_general3A {dimension_numbers = #tpu.dot_dimension_numbers<[1], [0], [0], [1], [0, 0, 1, 1], [], []>, transpose_lhs_hint = false} : vector<2048x128xf32>, vector<128x128xf32>, vector<2048x128xf32> -> vector<2048x128xf32>
    %mul3A = arith.mulf %rsqrt3A, %dot_general3A_14 : vector<2048x128xf32>
    %swap3A = arith.constant 0 : index
    %swap3A_15 = arith.constant 0 : index
    %swap3A_16 = vector.load %arg5[%swap3A, %swap3A_15] : memref<2048x128xf32, #tpu.memory_space<vmem>>, vector<2048x128xf32>
    tpu.vector_store %arg5[%swap3A, %swap3A_15], %mul3A {strides = array<i32>} : memref<2048x128xf32, #tpu.memory_space<vmem>>, vector<2048x128xf32>,
    %swap3A_17 = arith.constant 0 : index
    %swap3A_18 = arith.constant 0 : index
    %swap3A_19 = vector.load %arg6[%swap3A_17, %swap3A_18] : memref<2048x128xf32, #tpu.memory_space<vmem>>, vector<2048x128xf32>
    tpu.vector_store %arg6[%swap3A_17, %swap3A_18], %rsqrt3A {strides = array<i32>} : memref<2048x128xf32, #tpu.memory_space<vmem>>, vector<2048x128xf32>,
    return
  }
  func.func @transform_0(%arg0: i32) -> (i32, i32) {
    %c0_i32 = arith.constant 0 : i32
    %c0_i32_0 = arith.constant 0 : i32
    return %arg0, %c0_i32 : i32, i32
  }
  func.func @transform_1(%arg0: i32) -> (i32, i32) {
    %c0_i32 = arith.constant 0 : i32
    %c0_i32_0 = arith.constant 0 : i32
    %c0_i32_1 = arith.constant 0 : i32
    return %c0_i32, %c0_i32_0 : i32, i32
  }
  func.func @transform_2(%arg0: i32) -> (i32, i32) {
    %c0_i32 = arith.constant 0 : i32
    %c0_i32_0 = arith.constant 0 : i32
    return %arg0, %c0_i32 : i32, i32
  }
  func.func @transform_3(%arg0: i32) -> (i32, i32) {
    %add3A = arith.constant 5 : i32
    %add3A_0 = arith.addi %add3A, %arg0 : i32
    %c0_i32 = arith.constant 0 : i32
    %c0_i32_1 = arith.constant 0 : i32
    return %add3A_0, %c0_i32 : i32, i32
  }
  func.func @transform_4(%arg0: i32) -> (i32, i32) {
    %c0_i32 = arith.constant 0 : i32
    %c0_i32_0 = arith.constant 0 : i32
    return %arg0, %c0_i32 : i32, i32
  }
  func.func @transform_5(%arg0: i32) -> (i32, i32) {
    %c0_i32 = arith.constant 0 : i32
    %c0_i32_0 = arith.constant 0 : i32
    return %arg0, %c0_i32 : i32, i32
  }
}

module attributes {stable_mosaic.version = 14 : i64} {
  func.func @_postmm_body(%arg0: i32, %arg1: memref<2048x64xf32, #tpu.memory_space<vmem>>, %arg2: memref<2048x64xf32, #tpu.memory_space<vmem>>, %arg3: memref<2048x128xf32, #tpu.memory_space<vmem>>, %arg4: memref<2048x128xf32, #tpu.memory_space<vmem>>, %arg5: memref<1x128xf32, #tpu.memory_space<vmem>>, %arg6: memref<1x128xf32, #tpu.memory_space<vmem>>, %arg7: memref<1x128xf32, #tpu.memory_space<vmem>>, %arg8: memref<128x128xf32, #tpu.memory_space<vmem>>, %arg9: memref<2048x128xf32, #tpu.memory_space<vmem>>) attributes {dimension_semantics = [#tpu.dimension_semantics<arbitrary>], iteration_bounds = array<i64: 5>, scalar_prefetch = 0 : i64, scratch_operands = 0 : i64, tpu.core_type = #tpu.core_type<tc>, window_params = [{transform_indices = @transform_0, window_bounds = array<i64: 2048, 64>}, {transform_indices = @transform_1, window_bounds = array<i64: 2048, 64>}, {transform_indices = @transform_2, window_bounds = array<i64: 2048, 128>}, {transform_indices = @transform_3, window_bounds = array<i64: 2048, 128>}, {pipeline_mode = #tpu.pipeline_mode<synchronous>, transform_indices = @transform_4, window_bounds = array<i64: 1, 128>}, {pipeline_mode = #tpu.pipeline_mode<synchronous>, transform_indices = @transform_5, window_bounds = array<i64: 1, 128>}, {pipeline_mode = #tpu.pipeline_mode<synchronous>, transform_indices = @transform_6, window_bounds = array<i64: 1, 128>}, {pipeline_mode = #tpu.pipeline_mode<synchronous>, transform_indices = @transform_7, window_bounds = array<i64: 128, 128>}, {transform_indices = @transform_8, window_bounds = array<i64: 2048, 128>}]} {
    %get3A = arith.constant 0 : index
    %get3A_0 = arith.constant 0 : index
    %get3A_1 = vector.load %arg4[%get3A, %get3A_0] : memref<2048x128xf32, #tpu.memory_space<vmem>>, vector<2048x128xf32>
    %get3A_2 = arith.constant 0 : index
    %get3A_3 = arith.constant 0 : index
    %get3A_4 = vector.load %arg3[%get3A_2, %get3A_3] : memref<2048x128xf32, #tpu.memory_space<vmem>>, vector<2048x128xf32>
    %get3A_5 = arith.constant 0 : index
    %get3A_6 = arith.constant 0 : index
    %get3A_7 = vector.load %arg5[%get3A_5, %get3A_6] : memref<1x128xf32, #tpu.memory_space<vmem>>, vector<1x128xf32>
    %slice3A = vector.extract_strided_slice %get3A_1 {offsets = [0, 0], sizes = [2048, 64], strides = [1, 1]} : vector<2048x128xf32> to vector<2048x64xf32>
    %get3A_8 = arith.constant 0 : index
    %get3A_9 = arith.constant 0 : index
    %get3A_10 = vector.load %arg1[%get3A_8, %get3A_9] : memref<2048x64xf32, #tpu.memory_space<vmem>>, vector<2048x64xf32>
    %slice3A_11 = vector.extract_strided_slice %get3A_4 {offsets = [0, 0], sizes = [2048, 64], strides = [1, 1]} : vector<2048x128xf32> to vector<2048x64xf32>
    %add3A = arith.addf %get3A_10, %slice3A_11 : vector<2048x64xf32>
    %mul3A = arith.mulf %slice3A, %add3A : vector<2048x64xf32>
    %slice3A_12 = vector.extract_strided_slice %get3A_7 {offsets = [0, 0], sizes = [1, 64], strides = [1, 1]} : vector<1x128xf32> to vector<1x64xf32>
    %add3A_13 = vector.broadcast %slice3A_12 : vector<1x64xf32> to vector<2048x64xf32>
    %add3A_14 = arith.addf %mul3A, %add3A_13 : vector<2048x64xf32>
    %slice3A_15 = vector.extract_strided_slice %get3A_1 {offsets = [0, 64], sizes = [2048, 64], strides = [1, 1]} : vector<2048x128xf32> to vector<2048x64xf32>
    %get3A_16 = arith.constant 0 : index
    %get3A_17 = arith.constant 0 : index
    %get3A_18 = vector.load %arg2[%get3A_16, %get3A_17] : memref<2048x64xf32, #tpu.memory_space<vmem>>, vector<2048x64xf32>
    %slice3A_19 = vector.extract_strided_slice %get3A_4 {offsets = [0, 64], sizes = [2048, 64], strides = [1, 1]} : vector<2048x128xf32> to vector<2048x64xf32>
    %add3A_20 = arith.addf %get3A_18, %slice3A_19 : vector<2048x64xf32>
    %mul3A_21 = arith.mulf %slice3A_15, %add3A_20 : vector<2048x64xf32>
    %slice3A_22 = vector.extract_strided_slice %get3A_7 {offsets = [0, 64], sizes = [1, 64], strides = [1, 1]} : vector<1x128xf32> to vector<1x64xf32>
    %add3A_23 = vector.broadcast %slice3A_22 : vector<1x64xf32> to vector<2048x64xf32>
    %add3A_24 = arith.addf %mul3A_21, %add3A_23 : vector<2048x64xf32>
    %reduce_sum3A = arith.constant dense<0.000000e+00> : vector<2048xf32>
    %reduce_sum3A_25 = vector.multi_reduction <add>, %add3A_14, %reduce_sum3A [1] : vector<2048x64xf32> to vector<2048xf32>
    %broadcast_in_dim3A = vector.shape_cast %reduce_sum3A_25 : vector<2048xf32> to vector<2048x1xf32>
    %reduce_sum3A_26 = arith.constant dense<0.000000e+00> : vector<2048xf32>
    %reduce_sum3A_27 = vector.multi_reduction <add>, %add3A_24, %reduce_sum3A_26 [1] : vector<2048x64xf32> to vector<2048xf32>
    %broadcast_in_dim3A_28 = vector.shape_cast %reduce_sum3A_27 : vector<2048xf32> to vector<2048x1xf32>
    %add3A_29 = arith.addf %broadcast_in_dim3A, %broadcast_in_dim3A_28 : vector<2048x1xf32>
    %mul3A_30 = arith.constant 7.812500e-03 : f32
    %mul3A_31 = vector.broadcast %mul3A_30 : f32 to vector<2048x1xf32>
    %mul3A_32 = arith.mulf %add3A_29, %mul3A_31 : vector<2048x1xf32>
    %sub3A = vector.broadcast %mul3A_32 : vector<2048x1xf32> to vector<2048x64xf32>
    %sub3A_33 = arith.subf %add3A_14, %sub3A : vector<2048x64xf32>
    %sub3A_34 = vector.broadcast %mul3A_32 : vector<2048x1xf32> to vector<2048x64xf32>
    %sub3A_35 = arith.subf %add3A_24, %sub3A_34 : vector<2048x64xf32>
    %mul3A_36 = arith.mulf %sub3A_33, %sub3A_33 : vector<2048x64xf32>
    %reduce_sum3A_37 = arith.constant dense<0.000000e+00> : vector<2048xf32>
    %reduce_sum3A_38 = vector.multi_reduction <add>, %mul3A_36, %reduce_sum3A_37 [1] : vector<2048x64xf32> to vector<2048xf32>
    %broadcast_in_dim3A_39 = vector.shape_cast %reduce_sum3A_38 : vector<2048xf32> to vector<2048x1xf32>
    %mul3A_40 = arith.mulf %sub3A_35, %sub3A_35 : vector<2048x64xf32>
    %reduce_sum3A_41 = arith.constant dense<0.000000e+00> : vector<2048xf32>
    %reduce_sum3A_42 = vector.multi_reduction <add>, %mul3A_40, %reduce_sum3A_41 [1] : vector<2048x64xf32> to vector<2048xf32>
    %broadcast_in_dim3A_43 = vector.shape_cast %reduce_sum3A_42 : vector<2048xf32> to vector<2048x1xf32>
    %add3A_44 = arith.addf %broadcast_in_dim3A_39, %broadcast_in_dim3A_43 : vector<2048x1xf32>
    %mul3A_45 = arith.constant 7.812500e-03 : f32
    %mul3A_46 = vector.broadcast %mul3A_45 : f32 to vector<2048x1xf32>
    %mul3A_47 = arith.mulf %add3A_44, %mul3A_46 : vector<2048x1xf32>
    %add3A_48 = arith.constant 9.99999974E-6 : f32
    %add3A_49 = vector.broadcast %add3A_48 : f32 to vector<2048x1xf32>
    %add3A_50 = arith.addf %mul3A_47, %add3A_49 : vector<2048x1xf32>
    %rsqrt3A = math.rsqrt %add3A_50 : vector<2048x1xf32>
    %get3A_51 = arith.constant 0 : index
    %get3A_52 = arith.constant 0 : index
    %get3A_53 = vector.load %arg6[%get3A_51, %get3A_52] : memref<1x128xf32, #tpu.memory_space<vmem>>, vector<1x128xf32>
    %get3A_54 = arith.constant 0 : index
    %get3A_55 = arith.constant 0 : index
    %get3A_56 = vector.load %arg7[%get3A_54, %get3A_55] : memref<1x128xf32, #tpu.memory_space<vmem>>, vector<1x128xf32>
    %mul3A_57 = vector.broadcast %rsqrt3A : vector<2048x1xf32> to vector<2048x64xf32>
    %mul3A_58 = arith.mulf %sub3A_33, %mul3A_57 : vector<2048x64xf32>
    %slice3A_59 = vector.extract_strided_slice %get3A_53 {offsets = [0, 0], sizes = [1, 64], strides = [1, 1]} : vector<1x128xf32> to vector<1x64xf32>
    %mul3A_60 = vector.broadcast %slice3A_59 : vector<1x64xf32> to vector<2048x64xf32>
    %mul3A_61 = arith.mulf %mul3A_58, %mul3A_60 : vector<2048x64xf32>
    %slice3A_62 = vector.extract_strided_slice %get3A_56 {offsets = [0, 0], sizes = [1, 64], strides = [1, 1]} : vector<1x128xf32> to vector<1x64xf32>
    %add3A_63 = vector.broadcast %slice3A_62 : vector<1x64xf32> to vector<2048x64xf32>
    %add3A_64 = arith.addf %mul3A_61, %add3A_63 : vector<2048x64xf32>
    %mul3A_65 = vector.broadcast %rsqrt3A : vector<2048x1xf32> to vector<2048x64xf32>
    %mul3A_66 = arith.mulf %sub3A_35, %mul3A_65 : vector<2048x64xf32>
    %slice3A_67 = vector.extract_strided_slice %get3A_53 {offsets = [0, 64], sizes = [1, 64], strides = [1, 1]} : vector<1x128xf32> to vector<1x64xf32>
    %mul3A_68 = vector.broadcast %slice3A_67 : vector<1x64xf32> to vector<2048x64xf32>
    %mul3A_69 = arith.mulf %mul3A_66, %mul3A_68 : vector<2048x64xf32>
    %slice3A_70 = vector.extract_strided_slice %get3A_56 {offsets = [0, 64], sizes = [1, 64], strides = [1, 1]} : vector<1x128xf32> to vector<1x64xf32>
    %add3A_71 = vector.broadcast %slice3A_70 : vector<1x64xf32> to vector<2048x64xf32>
    %add3A_72 = arith.addf %mul3A_69, %add3A_71 : vector<2048x64xf32>
    %gt3A = arith.constant 0.000000e+00 : f32
    %gt3A_73 = vector.broadcast %gt3A : f32 to vector<2048x64xf32>
    %gt3A_74 = arith.cmpf ogt, %add3A_64, %gt3A_73 : vector<2048x64xf32>
    %min3A = arith.constant 0.000000e+00 : f32
    %min3A_75 = vector.broadcast %min3A : f32 to vector<2048x64xf32>
    %min3A_76 = arith.minimumf %add3A_64, %min3A_75 : vector<2048x64xf32>
    %exp3A = math.exp %min3A_76 : vector<2048x64xf32>
    %sub3A_77 = arith.constant 1.000000e+00 : f32
    %sub3A_78 = vector.broadcast %sub3A_77 : f32 to vector<2048x64xf32>
    %sub3A_79 = arith.subf %exp3A, %sub3A_78 : vector<2048x64xf32>
    %select_n3A = arith.select %gt3A_74, %add3A_64, %sub3A_79 : vector<2048x64xi1>, vector<2048x64xf32>
    %gt3A_80 = arith.constant 0.000000e+00 : f32
    %gt3A_81 = vector.broadcast %gt3A_80 : f32 to vector<2048x64xf32>
    %gt3A_82 = arith.cmpf ogt, %add3A_72, %gt3A_81 : vector<2048x64xf32>
    %min3A_83 = arith.constant 0.000000e+00 : f32
    %min3A_84 = vector.broadcast %min3A_83 : f32 to vector<2048x64xf32>
    %min3A_85 = arith.minimumf %add3A_72, %min3A_84 : vector<2048x64xf32>
    %exp3A_86 = math.exp %min3A_85 : vector<2048x64xf32>
    %sub3A_87 = arith.constant 1.000000e+00 : f32
    %sub3A_88 = vector.broadcast %sub3A_87 : f32 to vector<2048x64xf32>
    %sub3A_89 = arith.subf %exp3A_86, %sub3A_88 : vector<2048x64xf32>
    %select_n3A_90 = arith.select %gt3A_82, %add3A_72, %sub3A_89 : vector<2048x64xi1>, vector<2048x64xf32>
    %concatenate3A = tpu.concatenate %select_n3A, %select_n3A_90 in 1 : vector<2048x64xf32>, vector<2048x64xf32> -> vector<2048x128xf32>
    %get3A_91 = arith.constant 0 : index
    %get3A_92 = arith.constant 0 : index
    %get3A_93 = vector.load %arg8[%get3A_91, %get3A_92] : memref<128x128xf32, #tpu.memory_space<vmem>>, vector<128x128xf32>
    %dot_general3A = arith.constant dense<0.000000e+00> : vector<2048x128xf32>
    %dot_general3A_94 = tpu.matmul %concatenate3A, %get3A_93, %dot_general3A {dimension_numbers = #tpu.dot_dimension_numbers<[1], [0], [0], [1], [0, 0, 1, 1], [], []>, transpose_lhs_hint = false} : vector<2048x128xf32>, vector<128x128xf32>, vector<2048x128xf32> -> vector<2048x128xf32>
    %mul3A_95 = arith.mulf %get3A_1, %dot_general3A_94 : vector<2048x128xf32>
    %swap3A = arith.constant 0 : index
    %swap3A_96 = arith.constant 0 : index
    %swap3A_97 = vector.load %arg9[%swap3A, %swap3A_96] : memref<2048x128xf32, #tpu.memory_space<vmem>>, vector<2048x128xf32>
    tpu.vector_store %arg9[%swap3A, %swap3A_96], %mul3A_95 {strides = array<i32>} : memref<2048x128xf32, #tpu.memory_space<vmem>>, vector<2048x128xf32>,
    return
  }
  func.func @transform_0(%arg0: i32) -> (i32, i32) {
    %c0_i32 = arith.constant 0 : i32
    %c0_i32_0 = arith.constant 0 : i32
    return %arg0, %c0_i32 : i32, i32
  }
  func.func @transform_1(%arg0: i32) -> (i32, i32) {
    %add3A = arith.constant 5 : i32
    %add3A_0 = arith.addi %add3A, %arg0 : i32
    %c0_i32 = arith.constant 0 : i32
    %c0_i32_1 = arith.constant 0 : i32
    return %add3A_0, %c0_i32 : i32, i32
  }
  func.func @transform_2(%arg0: i32) -> (i32, i32) {
    %c0_i32 = arith.constant 0 : i32
    %c0_i32_0 = arith.constant 0 : i32
    return %arg0, %c0_i32 : i32, i32
  }
  func.func @transform_3(%arg0: i32) -> (i32, i32) {
    %c0_i32 = arith.constant 0 : i32
    %c0_i32_0 = arith.constant 0 : i32
    return %arg0, %c0_i32 : i32, i32
  }
  func.func @transform_4(%arg0: i32) -> (i32, i32) {
    %c0_i32 = arith.constant 0 : i32
    %c0_i32_0 = arith.constant 0 : i32
    %c0_i32_1 = arith.constant 0 : i32
    return %c0_i32, %c0_i32_0 : i32, i32
  }
  func.func @transform_5(%arg0: i32) -> (i32, i32) {
    %c0_i32 = arith.constant 0 : i32
    %c0_i32_0 = arith.constant 0 : i32
    %c0_i32_1 = arith.constant 0 : i32
    return %c0_i32, %c0_i32_0 : i32, i32
  }
  func.func @transform_6(%arg0: i32) -> (i32, i32) {
    %c0_i32 = arith.constant 0 : i32
    %c0_i32_0 = arith.constant 0 : i32
    %c0_i32_1 = arith.constant 0 : i32
    return %c0_i32, %c0_i32_0 : i32, i32
  }
  func.func @transform_7(%arg0: i32) -> (i32, i32) {
    %c0_i32 = arith.constant 0 : i32
    %c0_i32_0 = arith.constant 0 : i32
    %c0_i32_1 = arith.constant 0 : i32
    return %c0_i32, %c0_i32_0 : i32, i32
  }
  func.func @transform_8(%arg0: i32) -> (i32, i32) {
    %c0_i32 = arith.constant 0 : i32
    %c0_i32_0 = arith.constant 0 : i32
    return %arg0, %c0_i32 : i32, i32
  }
}

module attributes {stable_mosaic.version = 14 : i64} {
  func.func @_post_body(%arg0: i32, %arg1: memref<2048x64xf32, #tpu.memory_space<vmem>>, %arg2: memref<2048x64xf32, #tpu.memory_space<vmem>>, %arg3: memref<2048x128xf32, #tpu.memory_space<vmem>>, %arg4: memref<2048x128xf32, #tpu.memory_space<vmem>>, %arg5: memref<1x128xf32, #tpu.memory_space<vmem>>, %arg6: memref<1x128xf32, #tpu.memory_space<vmem>>, %arg7: memref<1x128xf32, #tpu.memory_space<vmem>>, %arg8: memref<2048x128xf32, #tpu.memory_space<vmem>>) attributes {dimension_semantics = [#tpu.dimension_semantics<arbitrary>], iteration_bounds = array<i64: 5>, scalar_prefetch = 0 : i64, scratch_operands = 0 : i64, tpu.core_type = #tpu.core_type<tc>, window_params = [{transform_indices = @transform_0, window_bounds = array<i64: 2048, 64>}, {transform_indices = @transform_1, window_bounds = array<i64: 2048, 64>}, {transform_indices = @transform_2, window_bounds = array<i64: 2048, 128>}, {transform_indices = @transform_3, window_bounds = array<i64: 2048, 128>}, {pipeline_mode = #tpu.pipeline_mode<synchronous>, transform_indices = @transform_4, window_bounds = array<i64: 1, 128>}, {pipeline_mode = #tpu.pipeline_mode<synchronous>, transform_indices = @transform_5, window_bounds = array<i64: 1, 128>}, {pipeline_mode = #tpu.pipeline_mode<synchronous>, transform_indices = @transform_6, window_bounds = array<i64: 1, 128>}, {transform_indices = @transform_7, window_bounds = array<i64: 2048, 128>}]} {
    %get3A = arith.constant 0 : index
    %get3A_0 = arith.constant 0 : index
    %get3A_1 = vector.load %arg4[%get3A, %get3A_0] : memref<2048x128xf32, #tpu.memory_space<vmem>>, vector<2048x128xf32>
    %get3A_2 = arith.constant 0 : index
    %get3A_3 = arith.constant 0 : index
    %get3A_4 = vector.load %arg3[%get3A_2, %get3A_3] : memref<2048x128xf32, #tpu.memory_space<vmem>>, vector<2048x128xf32>
    %get3A_5 = arith.constant 0 : index
    %get3A_6 = arith.constant 0 : index
    %get3A_7 = vector.load %arg5[%get3A_5, %get3A_6] : memref<1x128xf32, #tpu.memory_space<vmem>>, vector<1x128xf32>
    %slice3A = vector.extract_strided_slice %get3A_1 {offsets = [0, 0], sizes = [2048, 64], strides = [1, 1]} : vector<2048x128xf32> to vector<2048x64xf32>
    %get3A_8 = arith.constant 0 : index
    %get3A_9 = arith.constant 0 : index
    %get3A_10 = vector.load %arg1[%get3A_8, %get3A_9] : memref<2048x64xf32, #tpu.memory_space<vmem>>, vector<2048x64xf32>
    %slice3A_11 = vector.extract_strided_slice %get3A_4 {offsets = [0, 0], sizes = [2048, 64], strides = [1, 1]} : vector<2048x128xf32> to vector<2048x64xf32>
    %add3A = arith.addf %get3A_10, %slice3A_11 : vector<2048x64xf32>
    %mul3A = arith.mulf %slice3A, %add3A : vector<2048x64xf32>
    %slice3A_12 = vector.extract_strided_slice %get3A_7 {offsets = [0, 0], sizes = [1, 64], strides = [1, 1]} : vector<1x128xf32> to vector<1x64xf32>
    %add3A_13 = vector.broadcast %slice3A_12 : vector<1x64xf32> to vector<2048x64xf32>
    %add3A_14 = arith.addf %mul3A, %add3A_13 : vector<2048x64xf32>
    %slice3A_15 = vector.extract_strided_slice %get3A_1 {offsets = [0, 64], sizes = [2048, 64], strides = [1, 1]} : vector<2048x128xf32> to vector<2048x64xf32>
    %get3A_16 = arith.constant 0 : index
    %get3A_17 = arith.constant 0 : index
    %get3A_18 = vector.load %arg2[%get3A_16, %get3A_17] : memref<2048x64xf32, #tpu.memory_space<vmem>>, vector<2048x64xf32>
    %slice3A_19 = vector.extract_strided_slice %get3A_4 {offsets = [0, 64], sizes = [2048, 64], strides = [1, 1]} : vector<2048x128xf32> to vector<2048x64xf32>
    %add3A_20 = arith.addf %get3A_18, %slice3A_19 : vector<2048x64xf32>
    %mul3A_21 = arith.mulf %slice3A_15, %add3A_20 : vector<2048x64xf32>
    %slice3A_22 = vector.extract_strided_slice %get3A_7 {offsets = [0, 64], sizes = [1, 64], strides = [1, 1]} : vector<1x128xf32> to vector<1x64xf32>
    %add3A_23 = vector.broadcast %slice3A_22 : vector<1x64xf32> to vector<2048x64xf32>
    %add3A_24 = arith.addf %mul3A_21, %add3A_23 : vector<2048x64xf32>
    %reduce_sum3A = arith.constant dense<0.000000e+00> : vector<2048xf32>
    %reduce_sum3A_25 = vector.multi_reduction <add>, %add3A_14, %reduce_sum3A [1] : vector<2048x64xf32> to vector<2048xf32>
    %broadcast_in_dim3A = vector.shape_cast %reduce_sum3A_25 : vector<2048xf32> to vector<2048x1xf32>
    %reduce_sum3A_26 = arith.constant dense<0.000000e+00> : vector<2048xf32>
    %reduce_sum3A_27 = vector.multi_reduction <add>, %add3A_24, %reduce_sum3A_26 [1] : vector<2048x64xf32> to vector<2048xf32>
    %broadcast_in_dim3A_28 = vector.shape_cast %reduce_sum3A_27 : vector<2048xf32> to vector<2048x1xf32>
    %add3A_29 = arith.addf %broadcast_in_dim3A, %broadcast_in_dim3A_28 : vector<2048x1xf32>
    %mul3A_30 = arith.constant 7.812500e-03 : f32
    %mul3A_31 = vector.broadcast %mul3A_30 : f32 to vector<2048x1xf32>
    %mul3A_32 = arith.mulf %add3A_29, %mul3A_31 : vector<2048x1xf32>
    %sub3A = vector.broadcast %mul3A_32 : vector<2048x1xf32> to vector<2048x64xf32>
    %sub3A_33 = arith.subf %add3A_14, %sub3A : vector<2048x64xf32>
    %sub3A_34 = vector.broadcast %mul3A_32 : vector<2048x1xf32> to vector<2048x64xf32>
    %sub3A_35 = arith.subf %add3A_24, %sub3A_34 : vector<2048x64xf32>
    %mul3A_36 = arith.mulf %sub3A_33, %sub3A_33 : vector<2048x64xf32>
    %reduce_sum3A_37 = arith.constant dense<0.000000e+00> : vector<2048xf32>
    %reduce_sum3A_38 = vector.multi_reduction <add>, %mul3A_36, %reduce_sum3A_37 [1] : vector<2048x64xf32> to vector<2048xf32>
    %broadcast_in_dim3A_39 = vector.shape_cast %reduce_sum3A_38 : vector<2048xf32> to vector<2048x1xf32>
    %mul3A_40 = arith.mulf %sub3A_35, %sub3A_35 : vector<2048x64xf32>
    %reduce_sum3A_41 = arith.constant dense<0.000000e+00> : vector<2048xf32>
    %reduce_sum3A_42 = vector.multi_reduction <add>, %mul3A_40, %reduce_sum3A_41 [1] : vector<2048x64xf32> to vector<2048xf32>
    %broadcast_in_dim3A_43 = vector.shape_cast %reduce_sum3A_42 : vector<2048xf32> to vector<2048x1xf32>
    %add3A_44 = arith.addf %broadcast_in_dim3A_39, %broadcast_in_dim3A_43 : vector<2048x1xf32>
    %mul3A_45 = arith.constant 7.812500e-03 : f32
    %mul3A_46 = vector.broadcast %mul3A_45 : f32 to vector<2048x1xf32>
    %mul3A_47 = arith.mulf %add3A_44, %mul3A_46 : vector<2048x1xf32>
    %add3A_48 = arith.constant 9.99999974E-6 : f32
    %add3A_49 = vector.broadcast %add3A_48 : f32 to vector<2048x1xf32>
    %add3A_50 = arith.addf %mul3A_47, %add3A_49 : vector<2048x1xf32>
    %rsqrt3A = math.rsqrt %add3A_50 : vector<2048x1xf32>
    %get3A_51 = arith.constant 0 : index
    %get3A_52 = arith.constant 0 : index
    %get3A_53 = vector.load %arg6[%get3A_51, %get3A_52] : memref<1x128xf32, #tpu.memory_space<vmem>>, vector<1x128xf32>
    %get3A_54 = arith.constant 0 : index
    %get3A_55 = arith.constant 0 : index
    %get3A_56 = vector.load %arg7[%get3A_54, %get3A_55] : memref<1x128xf32, #tpu.memory_space<vmem>>, vector<1x128xf32>
    %mul3A_57 = vector.broadcast %rsqrt3A : vector<2048x1xf32> to vector<2048x64xf32>
    %mul3A_58 = arith.mulf %sub3A_33, %mul3A_57 : vector<2048x64xf32>
    %slice3A_59 = vector.extract_strided_slice %get3A_53 {offsets = [0, 0], sizes = [1, 64], strides = [1, 1]} : vector<1x128xf32> to vector<1x64xf32>
    %mul3A_60 = vector.broadcast %slice3A_59 : vector<1x64xf32> to vector<2048x64xf32>
    %mul3A_61 = arith.mulf %mul3A_58, %mul3A_60 : vector<2048x64xf32>
    %slice3A_62 = vector.extract_strided_slice %get3A_56 {offsets = [0, 0], sizes = [1, 64], strides = [1, 1]} : vector<1x128xf32> to vector<1x64xf32>
    %add3A_63 = vector.broadcast %slice3A_62 : vector<1x64xf32> to vector<2048x64xf32>
    %add3A_64 = arith.addf %mul3A_61, %add3A_63 : vector<2048x64xf32>
    %mul3A_65 = vector.broadcast %rsqrt3A : vector<2048x1xf32> to vector<2048x64xf32>
    %mul3A_66 = arith.mulf %sub3A_35, %mul3A_65 : vector<2048x64xf32>
    %slice3A_67 = vector.extract_strided_slice %get3A_53 {offsets = [0, 64], sizes = [1, 64], strides = [1, 1]} : vector<1x128xf32> to vector<1x64xf32>
    %mul3A_68 = vector.broadcast %slice3A_67 : vector<1x64xf32> to vector<2048x64xf32>
    %mul3A_69 = arith.mulf %mul3A_66, %mul3A_68 : vector<2048x64xf32>
    %slice3A_70 = vector.extract_strided_slice %get3A_56 {offsets = [0, 64], sizes = [1, 64], strides = [1, 1]} : vector<1x128xf32> to vector<1x64xf32>
    %add3A_71 = vector.broadcast %slice3A_70 : vector<1x64xf32> to vector<2048x64xf32>
    %add3A_72 = arith.addf %mul3A_69, %add3A_71 : vector<2048x64xf32>
    %gt3A = arith.constant 0.000000e+00 : f32
    %gt3A_73 = vector.broadcast %gt3A : f32 to vector<2048x64xf32>
    %gt3A_74 = arith.cmpf ogt, %add3A_64, %gt3A_73 : vector<2048x64xf32>
    %min3A = arith.constant 0.000000e+00 : f32
    %min3A_75 = vector.broadcast %min3A : f32 to vector<2048x64xf32>
    %min3A_76 = arith.minimumf %add3A_64, %min3A_75 : vector<2048x64xf32>
    %exp3A = math.exp %min3A_76 : vector<2048x64xf32>
    %sub3A_77 = arith.constant 1.000000e+00 : f32
    %sub3A_78 = vector.broadcast %sub3A_77 : f32 to vector<2048x64xf32>
    %sub3A_79 = arith.subf %exp3A, %sub3A_78 : vector<2048x64xf32>
    %select_n3A = arith.select %gt3A_74, %add3A_64, %sub3A_79 : vector<2048x64xi1>, vector<2048x64xf32>
    %gt3A_80 = arith.constant 0.000000e+00 : f32
    %gt3A_81 = vector.broadcast %gt3A_80 : f32 to vector<2048x64xf32>
    %gt3A_82 = arith.cmpf ogt, %add3A_72, %gt3A_81 : vector<2048x64xf32>
    %min3A_83 = arith.constant 0.000000e+00 : f32
    %min3A_84 = vector.broadcast %min3A_83 : f32 to vector<2048x64xf32>
    %min3A_85 = arith.minimumf %add3A_72, %min3A_84 : vector<2048x64xf32>
    %exp3A_86 = math.exp %min3A_85 : vector<2048x64xf32>
    %sub3A_87 = arith.constant 1.000000e+00 : f32
    %sub3A_88 = vector.broadcast %sub3A_87 : f32 to vector<2048x64xf32>
    %sub3A_89 = arith.subf %exp3A_86, %sub3A_88 : vector<2048x64xf32>
    %select_n3A_90 = arith.select %gt3A_82, %add3A_72, %sub3A_89 : vector<2048x64xi1>, vector<2048x64xf32>
    %reduce_max3A = arith.constant dense<0xFF800000> : vector<2048xf32>
    %reduce_max3A_91 = vector.multi_reduction <maximumf>, %select_n3A, %reduce_max3A [1] : vector<2048x64xf32> to vector<2048xf32>
    %broadcast_in_dim3A_92 = vector.shape_cast %reduce_max3A_91 : vector<2048xf32> to vector<2048x1xf32>
    %reduce_max3A_93 = arith.constant dense<0xFF800000> : vector<2048xf32>
    %reduce_max3A_94 = vector.multi_reduction <maximumf>, %select_n3A_90, %reduce_max3A_93 [1] : vector<2048x64xf32> to vector<2048xf32>
    %broadcast_in_dim3A_95 = vector.shape_cast %reduce_max3A_94 : vector<2048xf32> to vector<2048x1xf32>
    %max3A = arith.maximumf %broadcast_in_dim3A_92, %broadcast_in_dim3A_95 : vector<2048x1xf32>
    %sub3A_96 = vector.broadcast %max3A : vector<2048x1xf32> to vector<2048x64xf32>
    %sub3A_97 = arith.subf %select_n3A, %sub3A_96 : vector<2048x64xf32>
    %exp3A_98 = math.exp %sub3A_97 : vector<2048x64xf32>
    %reduce_sum3A_99 = arith.constant dense<0.000000e+00> : vector<2048xf32>
    %reduce_sum3A_100 = vector.multi_reduction <add>, %exp3A_98, %reduce_sum3A_99 [1] : vector<2048x64xf32> to vector<2048xf32>
    %broadcast_in_dim3A_101 = vector.shape_cast %reduce_sum3A_100 : vector<2048xf32> to vector<2048x1xf32>
    %sub3A_102 = vector.broadcast %max3A : vector<2048x1xf32> to vector<2048x64xf32>
    %sub3A_103 = arith.subf %select_n3A_90, %sub3A_102 : vector<2048x64xf32>
    %exp3A_104 = math.exp %sub3A_103 : vector<2048x64xf32>
    %reduce_sum3A_105 = arith.constant dense<0.000000e+00> : vector<2048xf32>
    %reduce_sum3A_106 = vector.multi_reduction <add>, %exp3A_104, %reduce_sum3A_105 [1] : vector<2048x64xf32> to vector<2048xf32>
    %broadcast_in_dim3A_107 = vector.shape_cast %reduce_sum3A_106 : vector<2048xf32> to vector<2048x1xf32>
    %add3A_108 = arith.addf %broadcast_in_dim3A_101, %broadcast_in_dim3A_107 : vector<2048x1xf32>
    %log3A = math.log %add3A_108 : vector<2048x1xf32>
    %add3A_109 = arith.addf %log3A, %max3A : vector<2048x1xf32>
    %sub3A_110 = vector.broadcast %add3A_109 : vector<2048x1xf32> to vector<2048x64xf32>
    %sub3A_111 = arith.subf %select_n3A, %sub3A_110 : vector<2048x64xf32>
    %sub3A_112 = vector.broadcast %add3A_109 : vector<2048x1xf32> to vector<2048x64xf32>
    %sub3A_113 = arith.subf %select_n3A_90, %sub3A_112 : vector<2048x64xf32>
    %swap3A = arith.constant 0 : index
    %swap3A_114 = arith.constant 0 : index
    %swap3A_115 = vector.load %arg8[%swap3A, %swap3A_114] : memref<2048x128xf32, #tpu.memory_space<vmem>>, vector<2048x64xf32>
    tpu.vector_store %arg8[%swap3A, %swap3A_114], %sub3A_111 {strides = array<i32>} : memref<2048x128xf32, #tpu.memory_space<vmem>>, vector<2048x64xf32>,
    %swap3A_116 = arith.constant 0 : index
    %swap3A_117 = arith.constant 64 : index
    %swap3A_118 = vector.load %arg8[%swap3A_116, %swap3A_117] : memref<2048x128xf32, #tpu.memory_space<vmem>>, vector<2048x64xf32>
    tpu.vector_store %arg8[%swap3A_116, %swap3A_117], %sub3A_113 {strides = array<i32>} : memref<2048x128xf32, #tpu.memory_space<vmem>>, vector<2048x64xf32>,
    return
  }
  func.func @transform_0(%arg0: i32) -> (i32, i32) {
    %c0_i32 = arith.constant 0 : i32
    %c0_i32_0 = arith.constant 0 : i32
    return %arg0, %c0_i32 : i32, i32
  }
  func.func @transform_1(%arg0: i32) -> (i32, i32) {
    %add3A = arith.constant 5 : i32
    %add3A_0 = arith.addi %add3A, %arg0 : i32
    %c0_i32 = arith.constant 0 : i32
    %c0_i32_1 = arith.constant 0 : i32
    return %add3A_0, %c0_i32 : i32, i32
  }
  func.func @transform_2(%arg0: i32) -> (i32, i32) {
    %c0_i32 = arith.constant 0 : i32
    %c0_i32_0 = arith.constant 0 : i32
    return %arg0, %c0_i32 : i32, i32
  }
  func.func @transform_3(%arg0: i32) -> (i32, i32) {
    %c0_i32 = arith.constant 0 : i32
    %c0_i32_0 = arith.constant 0 : i32
    return %arg0, %c0_i32 : i32, i32
  }
  func.func @transform_4(%arg0: i32) -> (i32, i32) {
    %c0_i32 = arith.constant 0 : i32
    %c0_i32_0 = arith.constant 0 : i32
    %c0_i32_1 = arith.constant 0 : i32
    return %c0_i32, %c0_i32_0 : i32, i32
  }
  func.func @transform_5(%arg0: i32) -> (i32, i32) {
    %c0_i32 = arith.constant 0 : i32
    %c0_i32_0 = arith.constant 0 : i32
    %c0_i32_1 = arith.constant 0 : i32
    return %c0_i32, %c0_i32_0 : i32, i32
  }
  func.func @transform_6(%arg0: i32) -> (i32, i32) {
    %c0_i32 = arith.constant 0 : i32
    %c0_i32_0 = arith.constant 0 : i32
    %c0_i32_1 = arith.constant 0 : i32
    return %c0_i32, %c0_i32_0 : i32, i32
  }
  func.func @transform_7(%arg0: i32) -> (i32, i32) {
    %c0_i32 = arith.constant 0 : i32
    %c0_i32_0 = arith.constant 0 : i32
    return %arg0, %c0_i32 : i32, i32
  }
}

</mosaic_0001>

<sc_bundles>
// kernel: kernel.11.cloned.1.call-start
scs
__scs_entry_jumppad:
0x0: {  	(pc) =	sbr.rel $0x88, $3  }
0x1: {  	(tag) =	ssettag $0x0;
	lr =	simm.s32 $0x1  }
0x2: {  	[smem:$0x3F97] =	sst lr;
	_ =	strace $0xD0000000  }
0x3: {  	_ = 	snop  }
0x4: {  	_ = 	snop  }
0x5: {  	_ = 	snop  }
0x6: {  	_ = 	snop  }
0x7: {  	_ = 	snop  }
__scs_overlays_trampoline_lowered:
0x8: {  	[smem:$0x3FA6] =	sst s0  }
0x9: {  	[smem:$0x3FA7] =	sst s1  }
0xa: {  	[smem:$0x3FA8] =	sst s2  }
0xb: {  	[smem:$0x3FA9] =	sst s3  }
0xc: {  	[smem:$0x3FAA] =	sst s4  }
0xd: {  	[smem:$0x3FAB] =	sst s5  }
0xe: {  	[smem:$0x3FAC] =	sst s6  }
0xf: {  	[smem:$0x3FAD] =	sst s7  }
0x10: {  	[smem:$0x3FAE] =	sst s8  }
0x11: {  	[smem:$0x3FAF] =	sst s9;
	s0 =	simm.s32 @!p0 $0x0  }
0x12: {  	s1 =	sld [smem:$0x3F95];
	s0 =	simm.s32 @p0 $0x1  }
0x13: {  	[smem:$0x3FB0] =	sst s0;
	s0 =	simm.s32 @!p1 $0x0  }
0x14: {  	s2 =	sld [smem:$0x3F94];
	s0 =	simm.s32 @p1 $0x1  }
0x15: {  	[smem:$0x3FB1] =	sst s0;
	s0 =	simm.s32 @!p2 $0x0  }
0x16: {  	s3 =	sld [smem:$0x3FDB];
	s0 =	simm.s32 @p2 $0x1  }
0x17: {  	s4 =	simm.s32 $0x1BF5;
	[smem:$0x3FB3] =	sst s0  }
0x18: {  	s0 =	sld [smem:$0x3F96];
	_ =	swait.ge [sflag:s4], $0x0  }
0x19: {  	s7 =	sld [smem:$0x3F97]  }
0x1a: {  	s8 =	sadd.s32 $0xFFFFE003, lr  }
0x1b: {  	s9 =	sadd.s32 $0xFFFFFEF7, lr;
	s5 =	simm.s32 $0xFFFFFFFF;
	p2 =	slt.u32 s8, $0xFFFFF086  }
0x1c: {  	p1 =	slt.u32 s9, $0xF7A;
	s5 =	simm.s32 @!p2 $0x0  }
0x1d: {  	s5 =	simm.s32 @p1 $0x1;
	p0 =	seq.s32 s7, s2  }
0x1e: {  	s7 =	smul.u32 @!p0 $0xF7A, s2;
	p2 =	seq.s32 @!p0 s5, $0x0  }
0x1f: {  	s9 =	smul.u32 $0xF7A, s1;
	s8 =	simm.s32 @!p0 $0x1BF5;
	p2 =	por !p2, p0  }
0x20: {  	[sflag:s8] =	ssyncset.s32 @!p0 $0xFFFFF086;
	s6 =	sadd.s32 @!p0 s3, s7;
	s7 =	simm.s32 @!p0 $0x108  }
0x21: {  	s3 =	sadd.s32 s3, s9;
	s6 =	sadd.s32 @!p0 $0x88, s6;
	s7 =	simm.s32 @p2 $0x1082  }
0x22: {  	[simem:s7], [sflag:s8] =	dma.local @!p0 [hbm:s6], $0xF7A  }
0x23: {  	s9 =	sor.u32 $0xD0000000, s2;
	s6 =	simm.s32 $0x108;
	_ =	swait.ge @!p0 [sflag:s8], $0x0  }
0x24: {  	s3 =	sadd.s32 $0x88, s3;
	s6 =	simm.s32 @!p1 $0x1082;
	[sflag:s4] =	ssyncset.s32 $0xFFFFF086  }
0x25: {  	[simem:s6], [sflag:s4] =	dma.local [hbm:s3], $0xF7A  }
0x26: {  	[smem:$0x3F97] =	sst s1;
	(tag) =	ssettag s2;
	_ =	strace s9  }
0x27: {  	s1 =	sld [smem:$0x3FA7]  }
0x28: {  	s2 =	sld [smem:$0x3FA8]  }
0x29: {  	s4 =	sld [smem:$0x3FAA]  }
0x2a: {  	p0 =	seq.s32 s5, $0x0;
	s5 =	sld [smem:$0x3FAB]  }
0x2b: {  	s6 =	sld [smem:$0x3FAC]  }
0x2c: {  	s7 =	sld [smem:$0x3FAD]  }
0x2d: {  	s3 =	simm.s32 $0x108;
	s8 =	sld [smem:$0x3FAE]  }
0x2e: {  	s3 =	simm.s32 @!p0 $0x1082;
	s9 =	sld [smem:$0x3FAF]  }
0x2f: {  	lr =	sadd.s32 s0, s3;
	s0 =	sld [smem:$0x3FA6]  }
0x30: {  	s3 =	sld [smem:$0x3FA9]  }
0x31: {  	[smem:$0x3FB2] =	sst s10  }
0x32: {  	s10 =	sld [smem:$0x3FB0];
	_ =	sdelay $0x3  }
0x33: {  	p0 =	seq.s32 s10, $0x1;
	s10 =	sld [smem:$0x3FB2];
	_ =	sdelay $0x3  }
0x34: {  	[smem:$0x3FB2] =	sst s10  }
0x35: {  	s10 =	sld [smem:$0x3FB1];
	_ =	sdelay $0x3  }
0x36: {  	p1 =	seq.s32 s10, $0x1;
	s10 =	sld [smem:$0x3FB2];
	_ =	sdelay $0x3  }
0x37: {  	[smem:$0x3FB2] =	sst s10  }
0x38: {  	s10 =	sld [smem:$0x3FB3]  }
0x39: {  	_ = 	snop;
	(pc) =	sbr.ind lr, $3  }
0x3a: {  	_ = 	snop  }
0x3b: {  	_ = 	snop  }
0x3c: {  	p2 =	seq.s32 s10, $0x1;
	s10 =	sld [smem:$0x3FB2]  }
0x3d: {  	_ =	shalt  }
0x3e: {  	_ =	shalt  }
0x3f: {  	_ =	shalt  }
0x40: {  	_ =	shalt  }
0x41: {  	_ =	shalt  }
0x42: {  	_ =	shalt  }
0x43: {  	_ =	shalt  }
0x44: {  	_ =	shalt  }
0x45: {  	_ =	shalt  }
0x46: {  	_ =	shalt  }
0x47: {  	_ =	shalt  }
0x48: {  	_ =	shalt  }
0x49: {  	_ =	shalt  }
0x4a: {  	_ =	shalt  }
0x4b: {  	_ =	shalt  }
0x4c: {  	_ =	shalt  }
0x4d: {  	_ =	shalt  }
0x4e: {  	_ =	shalt  }
0x4f: {  	_ =	shalt  }
0x50: {  	_ =	shalt  }
0x51: {  	_ =	shalt  }
0x52: {  	_ =	shalt  }
0x53: {  	_ =	shalt  }
0x54: {  	_ =	shalt  }
0x55: {  	_ =	shalt  }
0x56: {  	_ =	shalt  }
0x57: {  	_ =	shalt  }
0x58: {  	_ =	shalt  }
0x59: {  	_ =	shalt  }
0x5a: {  	_ =	shalt  }
0x5b: {  	_ =	shalt  }
0x5c: {  	_ =	shalt  }
0x5d: {  	_ =	shalt  }
0x5e: {  	_ =	shalt  }
0x5f: {  	_ =	shalt  }
0x60: {  	_ =	shalt  }
0x61: {  	_ =	shalt  }
0x62: {  	_ =	shalt  }
0x63: {  	_ =	shalt  }
0x64: {  	_ =	shalt  }
0x65: {  	_ =	shalt  }
0x66: {  	_ =	shalt  }
0x67: {  	_ =	shalt  }
0x68: {  	_ =	shalt  }
0x69: {  	_ =	shalt  }
0x6a: {  	_ =	shalt  }
0x6b: {  	_ =	shalt  }
0x6c: {  	_ =	shalt  }
0x6d: {  	_ =	shalt  }
0x6e: {  	_ =	shalt  }
0x6f: {  	_ =	shalt  }
0x70: {  	_ =	shalt  }
0x71: {  	_ =	shalt  }
0x72: {  	_ =	shalt  }
0x73: {  	_ =	shalt  }
0x74: {  	_ =	shalt  }
0x75: {  	_ =	shalt  }
0x76: {  	_ =	shalt  }
0x77: {  	_ =	shalt  }
0x78: {  	_ =	shalt  }
0x79: {  	_ =	shalt  }
0x7a: {  	_ =	shalt  }
0x7b: {  	_ =	shalt  }
0x7c: {  	_ =	shalt  }
0x7d: {  	_ =	shalt  }
0x7e: {  	_ =	shalt  }
0x7f: {  	_ =	shalt  }
0x80: {  	_ =	shalt  }
0x81: {  	_ =	shalt  }
0x82: {  	_ =	shalt  }
0x83: {  	_ =	shalt  }
0x84: {  	_ =	shalt  }
0x85: {  	_ =	shalt  }
0x86: {  	_ =	shalt  }
0x87: {  	_ =	shalt  }
.Lfunc_end0:
.L_simem_size_0:
called_computation.1_lowered:
.L_overlay_start_0:
0x88: {  	s2 =	sld [smem:$0x3FD9]  }
0x89: {  	s3 =	sld [smem:$0x3FFE];
	_ =	sdelay $0x1  }
0x8a: {  	s1 =	srdreg.scid  }
0x8b: {  	s0 =	sand.u32 $0x1, s1  }
0x8c: {  	s17 =	sshll.u32 s0, $0xA;
	s2 =	sadd.s32 s3, s2  }
0x8d: {  	s2 =	sadd.s32 s2, s17  }
0x8e: {  	[smem:$0x3FBE] =	sst s2  }
0x8f: {  	_ = 	snop  }
0x90: {  	s2 =	sld [smem:$0x3FD0];
	(tm) =	ssettm $0x1  }
0x91: {  	s18 =	sld [smem:$0x3FFB];
	_ =	sdelay $0x3  }
0x92: {  	_ =	strace s18  }
0x93: {  	s3 =	sld [smem:$0x3FFC];
	_ =	sdelay $0x3  }
0x94: {  	_ =	strace s3  }
0x95: {  	s3 =	sld [smem:$0x3FFD];
	_ =	sdelay $0x3  }
0x96: {  	_ =	strace s3  }
0x97: {  	_ =	strace $0x8FFFFFFF  }
0x98: {  	s19 =	sld [smem:$0x3FDB];
	_ =	sdelay $0x1  }
0x99: {  	s4 =	simm.s32 $_scs_section_size  }
0x9a: {  	s5 =	simm.s32 $_size__tile_overlayer_lowered;
	s6 =	simm.s32 $_tile_overlayer_lowered  }
0x9b: {  	s22 =	simm.s32 $0x1BFF;
	s21 =	sshll.u32 s6, $0x1;
	s3 =	sadd.s32 s4, s19  }
0x9c: {  	s7 =	simm.s32 $0x0;
	s20 =	sshll.u32 s5, $0x1;
	s5 =	sadd.s32 s21, s3  }
0x9d: {  	[timem:s7], [sflag:s22] =	dma.local [hbm:s5], s20  }
0x9e: {  	_ =	swait.ge [sflag:s22], s20  }
0x9f: {  	s4 =	ssub.s32 $0x0, s20;
	[sflag:s22] =	ssyncset.done $0x0  }
0xa0: {  	[sflag:s22] =	ssyncadd.s32 s4;
	_ =	sdelay $0x1  }
0xa1: {  	s23 =	simm.s32 $0x1B8B  }
0xa2: {  	_ =	swait.ge [sflag:s23], $0x1  }
0xa3: {  	[sflag:s23] =	ssyncset.done $0x0  }
0xa4: {  	s25 =	simm.s32 $0x1B8E;
	s24 =	sld [smem:$0x3FFE];
	[sflag:s23] =	ssyncadd.s32 $0xFFFFFFFF  }
0xa5: {  	s26 =	simm.s32 $execute0_lowered;
	[smem:$0x3FD2] =	sst s25  }
0xa6: {  	s5 =	sshll.u32 s26, $0x1;
	_ =	strace $0x80000049;
	[dreg:$0x1] =	wrdreg $0xFFFFFFFF  }
0xa7: {  	s28 =	simm.s32 $_size_execute0_lowered;
	s3 =	sadd.s32 s3, s5;
	[dreg:$0x0] =	wrdreg $0x0  }
0xa8: {  	s5 =	sshll.u32 s28, $0x1;
	[dreg:$0x2] =	wrdreg s3  }
0xa9: {  	[dreg:$0x3] =	wrdreg s5  }
0xaa: {  	[dreg:$0x4] =	wrdreg $0xC0  }
0xab: {  	_ =	task [dreg:s7], $0x5FFFF  }
0xac: {  	[dreg:$0x1] =	wrdreg $0xFFFFFFFF  }
0xad: {  	[dreg:$0x0] =	wrdreg $0x60  }
0xae: {  	[dreg:$0x2] =	wrdreg s2  }
0xaf: {  	[dreg:$0x3] =	wrdreg s24  }
0xb0: {  	[dreg:$0x4] =	wrdreg $0xDE000  }
0xb1: {  	[dreg:$0x5] =	wrdreg $0x9  }
0xb2: {  	_ =	task.clear_ibuf [dreg:s7], $0x6FFFF;
	_ =	strace $0x90000049  }
0xb3: {  	s29 =	simm.s32 $0x9;
	_ =	strace $0x8000004B  }
0xb4: {  	_ =	swait.ge [sflag:s29], $0x1  }
0xb5: {  	[sflag:s29] =	ssyncadd.s32 $0xFFFFFFFF  }
0xb6: {  	_ =	strace $0x9000004B  }
0xb7: {  	_ =	sfence  }
0xb8: {  	s30 =	sld [smem:$0x0];
	_ =	sdelay $0x2  }
0xb9: {  	s31 =	sshll.u32 s1, $0xD;
	s1 =	sshrl.u32 s1, $0x2  }
0xba: {  	s3 =	sand.u32 $0x4000, s31;
	s1 =	sadd.s32 s1, s30  }
0xbb: {  	s0 =	sor.u32 s3, s0;
	s1 =	sshll.u32 s1, $0x11  }
0xbc: {  	s0 =	sor.u32 s1, s0  }
0xbd: {  	s0 =	sadd.s32 $0x8F2B, s0  }
0xbe: {  	[sflag:s0] =	ssyncadd.remote.s32 $0x1  }
0xbf: {  	_ =	sfence.sel $0xFFFF  }
0xc0: {  	[dreg:$0x0] =	wrdreg $0xFFFFFFFF;
	(pc) =	sbr.abs _section_cstart, $3  }
0xc1: {  	[dreg:$0x1] =	wrdreg $0xFFFFFFFF  }
0xc2: {  	_ =	task.clear_ibuf [dreg:s7], $0x2FFFF;
	_ =	strace $0x9FFFFFFF  }
0xc3: {  	(tm) =	ssettm $0x7FFFFFFF  }
tec
execute0_lowered:
.L_overlay_start_1:
0x0: {  	(tag) =	ssettag $0x1  }
0x1: {  	s10 =	rddreg [dreg:$0x0]  }
0x2: {  	s6 =	rddreg [dreg:$0x1];
	s0 =	stileid.u32  }
0x3: {  	s1 =	srdreg.scid;
	s2 =	rddreg [dreg:$0x2];
	s3 =	simm.s32 $0x0  }
0x4: {  	s18 =	simm.s32 $0x9E00;
	s19 =	simm.s32 $0x3;
	s20 =	simm.s32 $0x4F00  }
0x5: {  	s21 =	simm.s32 $0x80;
	s22 =	simm.s32 $0xBE00;
	s23 =	simm.s32 $0x1  }
0x6: {  	s24 =	simm.s32 $0x2;
	s26 =	simm.s32 $0x9D00;
	s11 =	smul.u32 $0x9E0, s0  }
0x7: {  	s28 =	simm.s32 $0x9D80;
	s25 =	sand.u32 $0x1, s1;
	s5 =	smul.u32 $0x280, s0  }
0x8: {  	[smem:$0x7FF] =	sst s3;
	s8 =	smul.u32 $0x28000, s0;
	s4 =	sadd.s32 $0xC400, s6  }
0x9: {  	s7 =	smul.u32 $0x2800, s25;
	_ =	strace $0x8000004A;
	s31 =	ssub.s32 $0x2, s25  }
0xa: {  	v0 =	vmov s25;
	s25 =	simm.s32 $0x4E80;
	s12 =	sadd.s32 s11, s6;
	s8 =	sshrl.u32 s8, $0x2  }
0xb: {  	s13 =	sshrl.u32 s31, $0x1;
	s10 =	sadd.s32 s10, s11;
	s5 =	sadd.s32 s5, s7  }
0xc: {  	s17 =	ssub.s32 s31, s13;
	s11 =	sadd.s32 $0x2600, s12;
	s9 =	sshll.u32 s5, $0x3  }
0xd: {  	s5 =	sadd.s32 s8, s2;
	s17 =	smax.u32 s17, $0x1;
	s16 =	sadd.s32 s9, s6  }
0xe: {  	s6 =	sadd.s32 $0x2000, s5;
	s7 =	sadd.s32 $0x4000, s5;
	s8 =	sadd.s32 $0x6000, s5  }
0xf: {  	s9 =	sadd.s32 $0x8000, s5;
	s12 =	sadd.s32 $0x34400, s16;
	s13 =	sadd.s32 $0x34800, s16  }
0x10: {  	v1 =	vimm.f32 $0.0e+00;
	s14 =	sadd.s32 $0x34C00, s16;
	s15 =	sadd.s32 $0x35000, s16;
	s16 =	sadd.s32 $0x35400, s16  }
.LBB2_1:
0x11: {  	s30 =	simm.s32 $0x100;
	s29 =	simm.s32 $0x0  }
.LBB2_2:
0x12: {  	p0 =	sne.s32 s30, $0x7F00;
	[tilespmem:s29+$0x9E30] =	vst v1;
	s31 =	smov.u32 s30;
	s30 =	sadd.s32 $0x100, s30  }
.Ltmp0:
0x13: {  	[tilespmem:s29+$0x9E20] =	vst v1;
	(pc) =	sbr.rel @p0 .LBB2_2-.Ltmp0, $3  }
0x14: {  	[tilespmem:s29+$0x9E00] =	vst v1  }
0x15: {  	[tilespmem:s29+$0x9E10] =	vst v1;
	_ =	sdelay $0x1  }
0x16: {  	s29 =	sshra.s32 s31, $0x2  }
0x17: {  	[tilespmem:s29+$0x9E30] =	vst v1  }
0x18: {  	[tilespmem:s29+$0x9E20] =	vst v1  }
0x19: {  	[tilespmem:s29+$0x9E00] =	vst v1  }
0x1a: {  	[tilespmem:s29+$0x9E10] =	vst v1  }
0x1b: {  	[spmem:s5] =	stream.linear.scatter [tilespmem:s18], [sflag:$0x3], $0x2000, $0x38;
	[tilespmem:$0x17E00] =	vst v63  }
0x1c: {  	_ =	swait.ge [sflag:s19], $0x2000  }
0x1d: {  	[sflag:s19] =	ssyncset.done $0x0  }
0x1e: {  	[sflag:s19] =	ssyncadd.s32 $0xFFFFE000  }
0x1f: {  	[spmem:s6] =	stream.linear.scatter [tilespmem:s18], [sflag:$0x3], $0x2000, $0x38;
	[tilespmem:$0x17E00] =	vst v63  }
0x20: {  	_ =	swait.ge [sflag:s19], $0x2000  }
0x21: {  	[sflag:s19] =	ssyncset.done $0x0  }
0x22: {  	[sflag:s19] =	ssyncadd.s32 $0xFFFFE000  }
0x23: {  	[spmem:s7] =	stream.linear.scatter [tilespmem:s18], [sflag:$0x3], $0x2000, $0x38;
	[tilespmem:$0x17E00] =	vst v63  }
0x24: {  	_ =	swait.ge [sflag:s19], $0x2000  }
0x25: {  	[sflag:s19] =	ssyncset.done $0x0  }
0x26: {  	[sflag:s19] =	ssyncadd.s32 $0xFFFFE000  }
0x27: {  	[spmem:s8] =	stream.linear.scatter [tilespmem:s18], [sflag:$0x3], $0x2000, $0x38;
	[tilespmem:$0x17E00] =	vst v63  }
0x28: {  	_ =	swait.ge [sflag:s19], $0x2000  }
0x29: {  	[sflag:s19] =	ssyncset.done $0x0  }
0x2a: {  	[sflag:s19] =	ssyncadd.s32 $0xFFFFE000  }
0x2b: {  	[spmem:s9] =	stream.linear.scatter [tilespmem:s18], [sflag:$0x3], $0x2000, $0x38;
	[tilespmem:$0x17E00] =	vst v63  }
0x2c: {  	_ =	swait.ge [sflag:s19], $0x2000  }
0x2d: {  	[sflag:s19] =	ssyncset.done $0x0  }
0x2e: {  	[sflag:s19] =	ssyncadd.s32 $0xFFFFE000  }
0x2f: {  	s29 =	simm.s32 $0x0;
	[bflag:$0x0] =	sbarrier.arrive $0xFFFF  }
0x30: {  	[tilespmem:s29], [sflag:$0x3] =	stream.linear.gather [hbm4b:s10+s29], $0x4F00, $0x38;
	[tilespmem:$0x17E00] =	vst v63  }
0x31: {  	_ =	swait.ge [sflag:s19], $0x4F00  }
0x32: {  	[sflag:s19] =	ssyncset.done $0x0  }
0x33: {  	[sflag:s19] =	ssyncadd.s32 $0xFFFFB100  }
0x34: {  	[tilespmem:s20], [sflag:$0x3] =	stream.linear.gather [hbm4b:s11+s29], $0x4F00, $0x38;
	[tilespmem:$0x17E00] =	vst v63  }
0x35: {  	_ =	swait.ge [sflag:s19], $0x4F00  }
0x36: {  	[sflag:s19] =	ssyncset.done $0x0  }
0x37: {  	s29 =	simm.s32 $0x0;
	[sflag:s19] =	ssyncadd.s32 $0xFFFFB100  }
0x38: {  	v3 =	vld [tilespmem:s29+$0x0]  }
0x39: {  	v4 =	vld [tilespmem:s29+$0x10]  }
0x3a: {  	v6 =	vld [tilespmem:s29+$0x20]  }
0x3b: {  	v5 =	vld [tilespmem:s29+$0x30]  }
0x3c: {  	v2 =	vld [tilespmem:s29+$0x40]  }
0x3d: {  	v7 =	vshll.u32 v3, $0x1;
	v3 =	vld [tilespmem:s29+$0x50]  }
0x3e: {  	s30 =	simm.s32 $0x200;
	v8 =	vshll.u32 v4, $0x1;
	v4 =	vld [tilespmem:s29+$0x60];
	v7 =	vor.u32 v0, v7  }
.LBB2_4:
0x3f: {  	s31 =	sshra.s32 s30, $0x2;
	p0 =	sne.s32 s30, $0x13A00;
	[tilespmem:s29+$0x0] =	vst v7;
	v7 =	vor.u32 v0, v8;
	v6 =	vshll.u32 v6, $0x1;
	v8 =	vld [tilespmem:s29+$0x70]  }
0x40: {  	v9 =	vld [tilespmem:s31+$0x0];
	[tilespmem:s29+$0x10] =	vst v7;
	v6 =	vor.u32 v0, v6;
	v5 =	vshll.u32 v5, $0x1  }
0x41: {  	v10 =	vld [tilespmem:s31+$0x10];
	[tilespmem:s29+$0x20] =	vst v6;
	v5 =	vor.u32 v0, v5;
	v2 =	vshll.u32 v2, $0x1  }
.Ltmp1:
0x42: {  	v6 =	vld [tilespmem:s31+$0x20];
	[tilespmem:s29+$0x30] =	vst v5;
	v2 =	vor.u32 v0, v2;
	v3 =	vshll.u32 v3, $0x1;
	(pc) =	sbr.rel @p0 .LBB2_4-.Ltmp1, $4  }
0x43: {  	v5 =	vld [tilespmem:s31+$0x30];
	[tilespmem:s29+$0x40] =	vst v2;
	v3 =	vor.u32 v0, v3;
	v4 =	vshll.u32 v4, $0x1  }
0x44: {  	v2 =	vld [tilespmem:s31+$0x40];
	[tilespmem:s29+$0x50] =	vst v3;
	v4 =	vor.u32 v0, v4;
	v7 =	vshll.u32 v8, $0x1  }
0x45: {  	v8 =	vshll.u32 v9, $0x1;
	v3 =	vld [tilespmem:s31+$0x50];
	[tilespmem:s29+$0x60] =	vst v4;
	v9 =	vor.u32 v0, v7  }
0x46: {  	s30 =	sadd.s32 $0x200, s30;
	v7 =	vor.u32 v0, v8;
	v8 =	vshll.u32 v10, $0x1;
	v4 =	vld [tilespmem:s31+$0x60];
	[tilespmem:s29+$0x70] =	vst v9;
	s29 =	smov.u32 s31  }
0x47: {  	[tilespmem:s29+$0x0] =	vst v7;
	v62 =	vor.u32 v0, v8;
	v6 =	vshll.u32 v6, $0x1;
	v63 =	vld [tilespmem:s29+$0x70]  }
0x48: {  	[tilespmem:s29+$0x10] =	vst v62;
	v6 =	vor.u32 v0, v6;
	v5 =	vshll.u32 v5, $0x1  }
0x49: {  	[tilespmem:s29+$0x20] =	vst v6;
	v5 =	vor.u32 v0, v5;
	v2 =	vshll.u32 v2, $0x1  }
0x4a: {  	[tilespmem:s29+$0x30] =	vst v5;
	v2 =	vor.u32 v0, v2;
	v3 =	vshll.u32 v3, $0x1  }
0x4b: {  	[tilespmem:s29+$0x40] =	vst v2;
	v2 =	vor.u32 v0, v3;
	v3 =	vshll.u32 v4, $0x1  }
0x4c: {  	[tilespmem:s29+$0x50] =	vst v2;
	v2 =	vor.u32 v0, v3;
	v3 =	vshll.u32 v63, $0x1  }
0x4d: {  	[tilespmem:s29+$0x60] =	vst v2;
	v2 =	vor.u32 v0, v3  }
0x4e: {  	[tilespmem:s29+$0x70] =	vst v2;
	s29 =	simm.s32 $0x0  }
0x4f: {  	[tilespmem:s18], [sflag:$0x1] =	stream.indirect.gather [hbm4b:s4+s21], $0x40, s29, s21, $0xb8;
	[tilespmem:$0x17E00] =	vst v63  }
0x50: {  	s29 =	simm.s32 $0x80  }
0x51: {  	[tilespmem:s22], [sflag:$0x2] =	stream.indirect.gather [hbm4b:s4+s21], $0x40, s29, s21, $0xb8;
	[tilespmem:$0x17E00] =	vst v63  }
0x52: {  	_ =	swait.ge [sflag:s23], $0x2000  }
0x53: {  	[sflag:s23] =	ssyncset.done $0x0  }
0x54: {  	s29 =	simm.s32 $0x4F00;
	[sflag:s23] =	ssyncadd.s32 $0xFFFFE000  }
0x55: {  	[spmem:s2] =	stream.indirect.scatter.add.f32 [tilespmem:s18], [sflag:$0x3], $0x40, s29, s21, $0xb8;
	[tilespmem:$0x17E00] =	vst v63  }
0x56: {  	_ =	swait.ge [sflag:s19], $0x2000  }
0x57: {  	[sflag:s19] =	ssyncset.done $0x0  }
0x58: {  	s29 =	simm.s32 $0x100;
	[sflag:s19] =	ssyncadd.s32 $0xFFFFE000  }
0x59: {  	[tilespmem:s18], [sflag:$0x1] =	stream.indirect.gather [hbm4b:s4+s21], $0x40, s29, s21, $0xb8;
	[tilespmem:$0x17E00] =	vst v63  }
0x5a: {  	_ =	swait.ge [sflag:s24], $0x2000  }
0x5b: {  	[sflag:s24] =	ssyncset.done $0x0  }
0x5c: {  	s29 =	simm.s32 $0x4F80;
	[sflag:s24] =	ssyncadd.s32 $0xFFFFE000  }
0x5d: {  	[spmem:s2] =	stream.indirect.scatter.add.f32 [tilespmem:s22], [sflag:$0x3], $0x40, s29, s21, $0xb8;
	[tilespmem:$0x17E00] =	vst v63  }
0x5e: {  	_ =	swait.ge [sflag:s19], $0x2000  }
0x5f: {  	s30 =	simm.s32 $0x800;
	s29 =	simm.s32 $0x100;
	[sflag:s19] =	ssyncset.done $0x0  }
.LBB2_6:
0x60: {  	s31 =	sadd.s32 $0x80, s29  }
0x61: {  	[sflag:s19] =	ssyncadd.s32 $0xFFFFE000;
	s1 =	smov.u32 s30;
	s0 =	sadd.s32 $0x400, s30  }
0x62: {  	[tilespmem:s22], [sflag:$0x2] =	stream.indirect.gather [hbm4b:s4+s21], $0x40, s31, s21, $0xb8;
	[tilespmem:$0x17E00] =	vst v63  }
0x63: {  	p0 =	sne.s32 s30, $0x13400;
	_ =	swait.ge [sflag:s23], $0x2000  }
0x64: {  	[sflag:s23] =	ssyncset.done $0x0  }
0x65: {  	s30 =	sadd.s32 $0x4F00, s29;
	[sflag:s23] =	ssyncadd.s32 $0xFFFFE000  }
0x66: {  	[spmem:s2] =	stream.indirect.scatter.add.f32 [tilespmem:s18], [sflag:$0x3], $0x40, s30, s21, $0xb8;
	[tilespmem:$0x17E00] =	vst v63  }
0x67: {  	_ =	swait.ge [sflag:s19], $0x2000  }
0x68: {  	[sflag:s19] =	ssyncset.done $0x0  }
0x69: {  	s30 =	sadd.s32 $0x100, s29;
	[sflag:s19] =	ssyncadd.s32 $0xFFFFE000  }
0x6a: {  	[tilespmem:s18], [sflag:$0x1] =	stream.indirect.gather [hbm4b:s4+s21], $0x40, s30, s21, $0xb8;
	[tilespmem:$0x17E00] =	vst v63  }
0x6b: {  	_ =	swait.ge [sflag:s24], $0x2000  }
.Ltmp2:
0x6c: {  	[sflag:s24] =	ssyncset.done $0x0;
	(pc) =	sbr.rel @p0 .LBB2_6-.Ltmp2, $4  }
0x6d: {  	s29 =	sadd.s32 $0x4F80, s29;
	[sflag:s24] =	ssyncadd.s32 $0xFFFFE000  }
0x6e: {  	[spmem:s2] =	stream.indirect.scatter.add.f32 [tilespmem:s22], [sflag:$0x3], $0x40, s29, s21, $0xb8;
	[tilespmem:$0x17E00] =	vst v63  }
0x6f: {  	_ =	swait.ge [sflag:s19], $0x2000  }
0x70: {  	s30 =	smov.u32 s0;
	s29 =	sshra.s32 s1, $0x2;
	[sflag:s19] =	ssyncset.done $0x0  }
0x71: {  	s0 =	sadd.s32 $0x80, s29;
	[sflag:s19] =	ssyncadd.s32 $0xFFFFE000  }
0x72: {  	[tilespmem:s22], [sflag:$0x2] =	stream.indirect.gather [hbm4b:s4+s21], $0x40, s0, s21, $0xb8;
	[tilespmem:$0x17E00] =	vst v63  }
0x73: {  	_ =	swait.ge [sflag:s23], $0x2000  }
0x74: {  	[sflag:s23] =	ssyncset.done $0x0  }
0x75: {  	s31 =	sadd.s32 $0x4F00, s29;
	[sflag:s23] =	ssyncadd.s32 $0xFFFFE000  }
0x76: {  	[spmem:s2] =	stream.indirect.scatter.add.f32 [tilespmem:s18], [sflag:$0x3], $0x40, s31, s21, $0xb8;
	[tilespmem:$0x17E00] =	vst v63  }
0x77: {  	_ =	swait.ge [sflag:s19], $0x2000  }
0x78: {  	[sflag:s19] =	ssyncset.done $0x0  }
0x79: {  	s1 =	sadd.s32 $0x100, s29;
	[sflag:s19] =	ssyncadd.s32 $0xFFFFE000  }
0x7a: {  	[tilespmem:s18], [sflag:$0x1] =	stream.indirect.gather [hbm4b:s4+s21], $0x40, s1, s21, $0xb8;
	[tilespmem:$0x17E00] =	vst v63  }
0x7b: {  	_ =	swait.ge [sflag:s24], $0x2000  }
0x7c: {  	[sflag:s24] =	ssyncset.done $0x0  }
0x7d: {  	s29 =	sadd.s32 $0x4F80, s29;
	[sflag:s24] =	ssyncadd.s32 $0xFFFFE000  }
0x7e: {  	[spmem:s2] =	stream.indirect.scatter.add.f32 [tilespmem:s22], [sflag:$0x3], $0x40, s29, s21, $0xb8;
	[tilespmem:$0x17E00] =	vst v63  }
0x7f: {  	_ =	swait.ge [sflag:s19], $0x2000  }
0x80: {  	[sflag:s19] =	ssyncset.done $0x0  }
0x81: {  	[sflag:s19] =	ssyncadd.s32 $0xFFFFE000  }
0x82: {  	[tilespmem:s22], [sflag:$0x2] =	stream.indirect.gather [hbm4b:s4+s21], $0x40, s25, s21, $0xb8;
	[tilespmem:$0x17E00] =	vst v63  }
0x83: {  	_ =	swait.ge [sflag:s23], $0x2000  }
0x84: {  	[sflag:s23] =	ssyncset.done $0x0  }
0x85: {  	[sflag:s23] =	ssyncadd.s32 $0xFFFFE000  }
0x86: {  	[spmem:s2] =	stream.indirect.scatter.add.f32 [tilespmem:s18], [sflag:$0x3], $0x40, s26, s21, $0xb8;
	[tilespmem:$0x17E00] =	vst v63  }
0x87: {  	_ =	swait.ge [sflag:s19], $0x2000  }
0x88: {  	[sflag:s19] =	ssyncset.done $0x0  }
0x89: {  	[sflag:s19] =	ssyncadd.s32 $0xFFFFE000  }
0x8a: {  	_ =	swait.ge [sflag:s24], $0x2000  }
0x8b: {  	[sflag:s24] =	ssyncset.done $0x0  }
0x8c: {  	[sflag:s24] =	ssyncadd.s32 $0xFFFFE000  }
0x8d: {  	[spmem:s2] =	stream.indirect.scatter.add.f32 [tilespmem:s22], [sflag:$0x3], $0x40, s28, s21, $0xb8;
	[tilespmem:$0x17E00] =	vst v63  }
0x8e: {  	_ =	swait.ge [sflag:s19], $0x2000  }
0x8f: {  	s30 =	stileid.u32;
	[sflag:s19] =	ssyncset.done $0x0  }
0x90: {  	s0 =	sshll.u32 s30, $0x6;
	[sflag:s19] =	ssyncadd.s32 $0xFFFFE000  }
0x91: {  	s0 =	sor.u32 $0x1C03, s0;
	s1 =	sshrl.u32 s5, $0x3;
	[bflag:$0x0] =	sbarrier.arrive $0xFFFF  }
0x92: {  	[hbm:s12], [sflag:s0] =	dma.local [spmem:s1], $0x400  }
0x93: {  	_ =	swait.ge [sflag:s19], $0x400  }
0x94: {  	[sflag:s19] =	ssyncset.done $0x0  }
0x95: {  	s31 =	sshrl.u32 s6, $0x3;
	[sflag:s19] =	ssyncadd.s32 $0xFFFFFC00  }
0x96: {  	[hbm:s13], [sflag:s0] =	dma.local [spmem:s31], $0x400  }
0x97: {  	_ =	swait.ge [sflag:s19], $0x400  }
0x98: {  	[sflag:s19] =	ssyncset.done $0x0  }
0x99: {  	s29 =	sshrl.u32 s7, $0x3;
	[sflag:s19] =	ssyncadd.s32 $0xFFFFFC00  }
0x9a: {  	[hbm:s14], [sflag:s0] =	dma.local [spmem:s29], $0x400  }
0x9b: {  	_ =	swait.ge [sflag:s19], $0x400  }
0x9c: {  	[sflag:s19] =	ssyncset.done $0x0  }
0x9d: {  	s30 =	sshrl.u32 s8, $0x3;
	[sflag:s19] =	ssyncadd.s32 $0xFFFFFC00  }
0x9e: {  	[hbm:s15], [sflag:s0] =	dma.local [spmem:s30], $0x400  }
0x9f: {  	s3 =	sadd.s32 $0x1, s3;
	_ =	swait.ge [sflag:s19], $0x400  }
0xa0: {  	p0 =	sne.s32 s3, s17;
	[sflag:s19] =	ssyncset.done $0x0  }
.Ltmp3:
0xa1: {  	s31 =	sshrl.u32 s9, $0x3;
	[sflag:s19] =	ssyncadd.s32 $0xFFFFFC00;
	(pc) =	sbr.rel @p0 .LBB2_1-.Ltmp3, $4  }
0xa2: {  	[hbm:s16], [sflag:s0] =	dma.local [spmem:s31], $0x400  }
0xa3: {  	_ =	swait.ge [sflag:s19], $0x400  }
0xa4: {  	[sflag:s19] =	ssyncset.done $0x0  }
0xa5: {  	[sflag:s19] =	ssyncadd.s32 $0xFFFFFC00  }
0xa6: {  	_ =	sfence.sel $0x180000  }
0xa7: {  	[bflag:$0x0] =	sbarrier.arrive $0xFFFF  }
0xa8: {  	_ =	strace $0x9000004A  }
0xa9: {  	s0 =	stileid.u32;
	[bflag:$0x2] =	sbarrier.arrive $0xFFFF  }
0xaa: {  	p0 =	sne.s32 s0, $0x0;
	s0 =	rddreg [dreg:$0x3]  }
0xab: {  	s0 =	sadd.s32 @!p0 $0x100000, s0  }
0xac: {  	[sflag:s0] =	ssyncadd.tile.s32 @!p0 $0x1;
	_ =	shalt  }
.Lfunc_end2:
_tile_overlayer_lowered:
.L_overlay_start_2:
0xad: {  	(tag) =	ssettag $0x2  }
0xae: {  	s0 =	rddreg [dreg:$0x0];
	s2 =	stileid.u32  }
0xaf: {  	s1 =	rddreg [dreg:$0x1];
	p0 =	sne.s32 s2, $0x0  }
0xb0: {  	s3 =	rddreg [dreg:$0x2];
	[bflag:$0x3] =	sbarrier.arrive $0xFFFF;
	s2 =	simm.s32 @!p0 $0x1C03  }
0xb1: {  	[timem:s3], [sflag:s2] =	dma.local @!p0 [hbm:s0], s1  }
0xb2: {  	s0 =	simm.s32 @!p0 $0x3  }
0xb3: {  	_ =	swait.ge @!p0 [sflag:s0], s1  }
0xb4: {  	s1 =	ssub.s32 @!p0 $0x0, s1;
	[sflag:s0] =	ssyncset.done @!p0 $0x0  }
0xb5: {  	[sflag:s0] =	ssyncadd.s32 @!p0 s1  }
0xb6: {  	[bflag:$0x3] =	sbarrier.arrive $0xFFFF  }
0xb7: {  	_ =	shalt  }

// kernel: kernel.14.cloned.1.call-start
scs
__scs_entry_jumppad:
0x0: {  	(pc) =	sbr.rel $0x88, $3  }
0x1: {  	(tag) =	ssettag $0x0;
	lr =	simm.s32 $0x1  }
0x2: {  	[smem:$0x3F97] =	sst lr;
	_ =	strace $0xD0000000  }
0x3: {  	_ = 	snop  }
0x4: {  	_ = 	snop  }
0x5: {  	_ = 	snop  }
0x6: {  	_ = 	snop  }
0x7: {  	_ = 	snop  }
__scs_overlays_trampoline_lowered:
0x8: {  	[smem:$0x3FA6] =	sst s0  }
0x9: {  	[smem:$0x3FA7] =	sst s1  }
0xa: {  	[smem:$0x3FA8] =	sst s2  }
0xb: {  	[smem:$0x3FA9] =	sst s3  }
0xc: {  	[smem:$0x3FAA] =	sst s4  }
0xd: {  	[smem:$0x3FAB] =	sst s5  }
0xe: {  	[smem:$0x3FAC] =	sst s6  }
0xf: {  	[smem:$0x3FAD] =	sst s7  }
0x10: {  	[smem:$0x3FAE] =	sst s8  }
0x11: {  	[smem:$0x3FAF] =	sst s9;
	s0 =	simm.s32 @!p0 $0x0  }
0x12: {  	s1 =	sld [smem:$0x3F95];
	s0 =	simm.s32 @p0 $0x1  }
0x13: {  	[smem:$0x3FB0] =	sst s0;
	s0 =	simm.s32 @!p1 $0x0  }
0x14: {  	s2 =	sld [smem:$0x3F94];
	s0 =	simm.s32 @p1 $0x1  }
0x15: {  	[smem:$0x3FB1] =	sst s0;
	s0 =	simm.s32 @!p2 $0x0  }
0x16: {  	s3 =	sld [smem:$0x3FDB];
	s0 =	simm.s32 @p2 $0x1  }
0x17: {  	s4 =	simm.s32 $0x1BF5;
	[smem:$0x3FB3] =	sst s0  }
0x18: {  	s0 =	sld [smem:$0x3F96];
	_ =	swait.ge [sflag:s4], $0x0  }
0x19: {  	s7 =	sld [smem:$0x3F97]  }
0x1a: {  	s8 =	sadd.s32 $0xFFFFE003, lr  }
0x1b: {  	s9 =	sadd.s32 $0xFFFFFEF7, lr;
	s5 =	simm.s32 $0xFFFFFFFF;
	p2 =	slt.u32 s8, $0xFFFFF086  }
0x1c: {  	p1 =	slt.u32 s9, $0xF7A;
	s5 =	simm.s32 @!p2 $0x0  }
0x1d: {  	s5 =	simm.s32 @p1 $0x1;
	p0 =	seq.s32 s7, s2  }
0x1e: {  	s7 =	smul.u32 @!p0 $0xF7A, s2;
	p2 =	seq.s32 @!p0 s5, $0x0  }
0x1f: {  	s9 =	smul.u32 $0xF7A, s1;
	s8 =	simm.s32 @!p0 $0x1BF5;
	p2 =	por !p2, p0  }
0x20: {  	[sflag:s8] =	ssyncset.s32 @!p0 $0xFFFFF086;
	s6 =	sadd.s32 @!p0 s3, s7;
	s7 =	simm.s32 @!p0 $0x108  }
0x21: {  	s3 =	sadd.s32 s3, s9;
	s6 =	sadd.s32 @!p0 $0x88, s6;
	s7 =	simm.s32 @p2 $0x1082  }
0x22: {  	[simem:s7], [sflag:s8] =	dma.local @!p0 [hbm:s6], $0xF7A  }
0x23: {  	s9 =	sor.u32 $0xD0000000, s2;
	s6 =	simm.s32 $0x108;
	_ =	swait.ge @!p0 [sflag:s8], $0x0  }
0x24: {  	s3 =	sadd.s32 $0x88, s3;
	s6 =	simm.s32 @!p1 $0x1082;
	[sflag:s4] =	ssyncset.s32 $0xFFFFF086  }
0x25: {  	[simem:s6], [sflag:s4] =	dma.local [hbm:s3], $0xF7A  }
0x26: {  	[smem:$0x3F97] =	sst s1;
	(tag) =	ssettag s2;
	_ =	strace s9  }
0x27: {  	s1 =	sld [smem:$0x3FA7]  }
0x28: {  	s2 =	sld [smem:$0x3FA8]  }
0x29: {  	s4 =	sld [smem:$0x3FAA]  }
0x2a: {  	p0 =	seq.s32 s5, $0x0;
	s5 =	sld [smem:$0x3FAB]  }
0x2b: {  	s6 =	sld [smem:$0x3FAC]  }
0x2c: {  	s7 =	sld [smem:$0x3FAD]  }
0x2d: {  	s3 =	simm.s32 $0x108;
	s8 =	sld [smem:$0x3FAE]  }
0x2e: {  	s3 =	simm.s32 @!p0 $0x1082;
	s9 =	sld [smem:$0x3FAF]  }
0x2f: {  	lr =	sadd.s32 s0, s3;
	s0 =	sld [smem:$0x3FA6]  }
0x30: {  	s3 =	sld [smem:$0x3FA9]  }
0x31: {  	[smem:$0x3FB2] =	sst s10  }
0x32: {  	s10 =	sld [smem:$0x3FB0];
	_ =	sdelay $0x3  }
0x33: {  	p0 =	seq.s32 s10, $0x1;
	s10 =	sld [smem:$0x3FB2];
	_ =	sdelay $0x3  }
0x34: {  	[smem:$0x3FB2] =	sst s10  }
0x35: {  	s10 =	sld [smem:$0x3FB1];
	_ =	sdelay $0x3  }
0x36: {  	p1 =	seq.s32 s10, $0x1;
	s10 =	sld [smem:$0x3FB2];
	_ =	sdelay $0x3  }
0x37: {  	[smem:$0x3FB2] =	sst s10  }
0x38: {  	s10 =	sld [smem:$0x3FB3]  }
0x39: {  	_ = 	snop;
	(pc) =	sbr.ind lr, $3  }
0x3a: {  	_ = 	snop  }
0x3b: {  	_ = 	snop  }
0x3c: {  	p2 =	seq.s32 s10, $0x1;
	s10 =	sld [smem:$0x3FB2]  }
0x3d: {  	_ =	shalt  }
0x3e: {  	_ =	shalt  }
0x3f: {  	_ =	shalt  }
0x40: {  	_ =	shalt  }
0x41: {  	_ =	shalt  }
0x42: {  	_ =	shalt  }
0x43: {  	_ =	shalt  }
0x44: {  	_ =	shalt  }
0x45: {  	_ =	shalt  }
0x46: {  	_ =	shalt  }
0x47: {  	_ =	shalt  }
0x48: {  	_ =	shalt  }
0x49: {  	_ =	shalt  }
0x4a: {  	_ =	shalt  }
0x4b: {  	_ =	shalt  }
0x4c: {  	_ =	shalt  }
0x4d: {  	_ =	shalt  }
0x4e: {  	_ =	shalt  }
0x4f: {  	_ =	shalt  }
0x50: {  	_ =	shalt  }
0x51: {  	_ =	shalt  }
0x52: {  	_ =	shalt  }
0x53: {  	_ =	shalt  }
0x54: {  	_ =	shalt  }
0x55: {  	_ =	shalt  }
0x56: {  	_ =	shalt  }
0x57: {  	_ =	shalt  }
0x58: {  	_ =	shalt  }
0x59: {  	_ =	shalt  }
0x5a: {  	_ =	shalt  }
0x5b: {  	_ =	shalt  }
0x5c: {  	_ =	shalt  }
0x5d: {  	_ =	shalt  }
0x5e: {  	_ =	shalt  }
0x5f: {  	_ =	shalt  }
0x60: {  	_ =	shalt  }
0x61: {  	_ =	shalt  }
0x62: {  	_ =	shalt  }
0x63: {  	_ =	shalt  }
0x64: {  	_ =	shalt  }
0x65: {  	_ =	shalt  }
0x66: {  	_ =	shalt  }
0x67: {  	_ =	shalt  }
0x68: {  	_ =	shalt  }
0x69: {  	_ =	shalt  }
0x6a: {  	_ =	shalt  }
0x6b: {  	_ =	shalt  }
0x6c: {  	_ =	shalt  }
0x6d: {  	_ =	shalt  }
0x6e: {  	_ =	shalt  }
0x6f: {  	_ =	shalt  }
0x70: {  	_ =	shalt  }
0x71: {  	_ =	shalt  }
0x72: {  	_ =	shalt  }
0x73: {  	_ =	shalt  }
0x74: {  	_ =	shalt  }
0x75: {  	_ =	shalt  }
0x76: {  	_ =	shalt  }
0x77: {  	_ =	shalt  }
0x78: {  	_ =	shalt  }
0x79: {  	_ =	shalt  }
0x7a: {  	_ =	shalt  }
0x7b: {  	_ =	shalt  }
0x7c: {  	_ =	shalt  }
0x7d: {  	_ =	shalt  }
0x7e: {  	_ =	shalt  }
0x7f: {  	_ =	shalt  }
0x80: {  	_ =	shalt  }
0x81: {  	_ =	shalt  }
0x82: {  	_ =	shalt  }
0x83: {  	_ =	shalt  }
0x84: {  	_ =	shalt  }
0x85: {  	_ =	shalt  }
0x86: {  	_ =	shalt  }
0x87: {  	_ =	shalt  }
.Lfunc_end0:
.L_simem_size_0:
called_computation.2_lowered:
.L_overlay_start_0:
0x88: {  	s2 =	sld [smem:$0x3FD9]  }
0x89: {  	s3 =	sld [smem:$0x3FFE];
	_ =	sdelay $0x1  }
0x8a: {  	s1 =	srdreg.scid  }
0x8b: {  	s0 =	sand.u32 $0x1, s1  }
0x8c: {  	s17 =	sshll.u32 s0, $0xA;
	s2 =	sadd.s32 s3, s2  }
0x8d: {  	s2 =	sadd.s32 s2, s17  }
0x8e: {  	[smem:$0x3FBE] =	sst s2  }
0x8f: {  	_ = 	snop  }
0x90: {  	s2 =	sld [smem:$0x3FD0];
	(tm) =	ssettm $0x1  }
0x91: {  	s18 =	sld [smem:$0x3FFB];
	_ =	sdelay $0x3  }
0x92: {  	_ =	strace s18  }
0x93: {  	s3 =	sld [smem:$0x3FFC];
	_ =	sdelay $0x3  }
0x94: {  	_ =	strace s3  }
0x95: {  	s3 =	sld [smem:$0x3FFD];
	_ =	sdelay $0x3  }
0x96: {  	_ =	strace s3  }
0x97: {  	_ =	strace $0x8FFFFFFF  }
0x98: {  	s19 =	sld [smem:$0x3FDB];
	_ =	sdelay $0x1  }
0x99: {  	s4 =	simm.s32 $_scs_section_size  }
0x9a: {  	s5 =	simm.s32 $_size__tile_overlayer_lowered;
	s6 =	simm.s32 $_tile_overlayer_lowered  }
0x9b: {  	s22 =	simm.s32 $0x1BFF;
	s21 =	sshll.u32 s6, $0x1;
	s3 =	sadd.s32 s4, s19  }
0x9c: {  	s7 =	simm.s32 $0x0;
	s20 =	sshll.u32 s5, $0x1;
	s5 =	sadd.s32 s21, s3  }
0x9d: {  	[timem:s7], [sflag:s22] =	dma.local [hbm:s5], s20  }
0x9e: {  	_ =	swait.ge [sflag:s22], s20  }
0x9f: {  	s4 =	ssub.s32 $0x0, s20;
	[sflag:s22] =	ssyncset.done $0x0  }
0xa0: {  	[sflag:s22] =	ssyncadd.s32 s4;
	_ =	sdelay $0x1  }
0xa1: {  	s23 =	simm.s32 $0x1B8B  }
0xa2: {  	_ =	swait.ge [sflag:s23], $0x1  }
0xa3: {  	[sflag:s23] =	ssyncset.done $0x0  }
0xa4: {  	s25 =	simm.s32 $0x1B8E;
	s24 =	sld [smem:$0x3FFE];
	[sflag:s23] =	ssyncadd.s32 $0xFFFFFFFF  }
0xa5: {  	s26 =	simm.s32 $execute0_lowered;
	[smem:$0x3FD2] =	sst s25  }
0xa6: {  	s5 =	sshll.u32 s26, $0x1;
	_ =	strace $0x8000004C;
	[dreg:$0x1] =	wrdreg $0xFFFFFFFF  }
0xa7: {  	s28 =	simm.s32 $_size_execute0_lowered;
	s3 =	sadd.s32 s3, s5;
	[dreg:$0x0] =	wrdreg $0x0  }
0xa8: {  	s5 =	sshll.u32 s28, $0x1;
	[dreg:$0x2] =	wrdreg s3  }
0xa9: {  	[dreg:$0x3] =	wrdreg s5  }
0xaa: {  	[dreg:$0x4] =	wrdreg $0xC0  }
0xab: {  	_ =	task [dreg:s7], $0x5FFFF  }
0xac: {  	[dreg:$0x1] =	wrdreg $0xFFFFFFFF  }
0xad: {  	[dreg:$0x0] =	wrdreg $0x60  }
0xae: {  	[dreg:$0x2] =	wrdreg s2  }
0xaf: {  	[dreg:$0x3] =	wrdreg s24  }
0xb0: {  	[dreg:$0x4] =	wrdreg $0xDE000  }
0xb1: {  	[dreg:$0x5] =	wrdreg $0x9  }
0xb2: {  	_ =	task.clear_ibuf [dreg:s7], $0x6FFFF;
	_ =	strace $0x9000004C  }
0xb3: {  	s29 =	simm.s32 $0x9;
	_ =	strace $0x8000004E  }
0xb4: {  	_ =	swait.ge [sflag:s29], $0x1  }
0xb5: {  	[sflag:s29] =	ssyncadd.s32 $0xFFFFFFFF  }
0xb6: {  	_ =	strace $0x9000004E  }
0xb7: {  	_ =	sfence  }
0xb8: {  	s30 =	sld [smem:$0x0];
	_ =	sdelay $0x2  }
0xb9: {  	s31 =	sshll.u32 s1, $0xD;
	s1 =	sshrl.u32 s1, $0x2  }
0xba: {  	s3 =	sand.u32 $0x4000, s31;
	s1 =	sadd.s32 s1, s30  }
0xbb: {  	s0 =	sor.u32 s3, s0;
	s1 =	sshll.u32 s1, $0x11  }
0xbc: {  	s0 =	sor.u32 s1, s0  }
0xbd: {  	s0 =	sadd.s32 $0x8F2B, s0  }
0xbe: {  	[sflag:s0] =	ssyncadd.remote.s32 $0x1  }
0xbf: {  	_ =	sfence.sel $0xFFFF  }
0xc0: {  	[dreg:$0x0] =	wrdreg $0xFFFFFFFF;
	(pc) =	sbr.abs _section_cstart, $3  }
0xc1: {  	[dreg:$0x1] =	wrdreg $0xFFFFFFFF  }
0xc2: {  	_ =	task.clear_ibuf [dreg:s7], $0x2FFFF;
	_ =	strace $0x9FFFFFFF  }
0xc3: {  	(tm) =	ssettm $0x7FFFFFFF  }
tec
execute0_lowered:
.L_overlay_start_1:
0x0: {  	(tag) =	ssettag $0x1  }
0x1: {  	s10 =	rddreg [dreg:$0x0]  }
0x2: {  	s6 =	rddreg [dreg:$0x1];
	s0 =	stileid.u32  }
0x3: {  	s1 =	srdreg.scid;
	s2 =	rddreg [dreg:$0x2];
	s3 =	simm.s32 $0x0  }
0x4: {  	s18 =	simm.s32 $0x9E00;
	s19 =	simm.s32 $0x3;
	s20 =	simm.s32 $0x4F00  }
0x5: {  	s21 =	simm.s32 $0x80;
	s22 =	simm.s32 $0xBE00;
	s23 =	simm.s32 $0x1  }
0x6: {  	s24 =	simm.s32 $0x2;
	s26 =	simm.s32 $0x9D00;
	s11 =	smul.u32 $0x9E0, s0  }
0x7: {  	s28 =	simm.s32 $0x9D80;
	s25 =	sand.u32 $0x1, s1;
	s5 =	smul.u32 $0x280, s0  }
0x8: {  	[smem:$0x7FF] =	sst s3;
	s8 =	smul.u32 $0x28000, s0;
	s4 =	sadd.s32 $0xC400, s6  }
0x9: {  	s7 =	smul.u32 $0x2800, s25;
	_ =	strace $0x8000004D;
	s31 =	ssub.s32 $0x2, s25  }
0xa: {  	v0 =	vmov s25;
	s25 =	simm.s32 $0x4E80;
	s12 =	sadd.s32 s11, s6;
	s8 =	sshrl.u32 s8, $0x2  }
0xb: {  	s13 =	sshrl.u32 s31, $0x1;
	s10 =	sadd.s32 s10, s11;
	s5 =	sadd.s32 s5, s7  }
0xc: {  	s17 =	ssub.s32 s31, s13;
	s11 =	sadd.s32 $0x2600, s12;
	s9 =	sshll.u32 s5, $0x3  }
0xd: {  	s5 =	sadd.s32 s8, s2;
	s17 =	smax.u32 s17, $0x1;
	s16 =	sadd.s32 s9, s6  }
0xe: {  	s6 =	sadd.s32 $0x2000, s5;
	s7 =	sadd.s32 $0x4000, s5;
	s8 =	sadd.s32 $0x6000, s5  }
0xf: {  	s9 =	sadd.s32 $0x8000, s5;
	s12 =	sadd.s32 $0x34400, s16;
	s13 =	sadd.s32 $0x34800, s16  }
0x10: {  	v1 =	vimm.f32 $0.0e+00;
	s14 =	sadd.s32 $0x34C00, s16;
	s15 =	sadd.s32 $0x35000, s16;
	s16 =	sadd.s32 $0x35400, s16  }
.LBB2_1:
0x11: {  	s30 =	simm.s32 $0x100;
	s29 =	simm.s32 $0x0  }
.LBB2_2:
0x12: {  	p0 =	sne.s32 s30, $0x7F00;
	[tilespmem:s29+$0x9E30] =	vst v1;
	s31 =	smov.u32 s30;
	s30 =	sadd.s32 $0x100, s30  }
.Ltmp0:
0x13: {  	[tilespmem:s29+$0x9E20] =	vst v1;
	(pc) =	sbr.rel @p0 .LBB2_2-.Ltmp0, $3  }
0x14: {  	[tilespmem:s29+$0x9E00] =	vst v1  }
0x15: {  	[tilespmem:s29+$0x9E10] =	vst v1;
	_ =	sdelay $0x1  }
0x16: {  	s29 =	sshra.s32 s31, $0x2  }
0x17: {  	[tilespmem:s29+$0x9E30] =	vst v1  }
0x18: {  	[tilespmem:s29+$0x9E20] =	vst v1  }
0x19: {  	[tilespmem:s29+$0x9E00] =	vst v1  }
0x1a: {  	[tilespmem:s29+$0x9E10] =	vst v1  }
0x1b: {  	[spmem:s5] =	stream.linear.scatter [tilespmem:s18], [sflag:$0x3], $0x2000, $0x38;
	[tilespmem:$0x17E00] =	vst v63  }
0x1c: {  	_ =	swait.ge [sflag:s19], $0x2000  }
0x1d: {  	[sflag:s19] =	ssyncset.done $0x0  }
0x1e: {  	[sflag:s19] =	ssyncadd.s32 $0xFFFFE000  }
0x1f: {  	[spmem:s6] =	stream.linear.scatter [tilespmem:s18], [sflag:$0x3], $0x2000, $0x38;
	[tilespmem:$0x17E00] =	vst v63  }
0x20: {  	_ =	swait.ge [sflag:s19], $0x2000  }
0x21: {  	[sflag:s19] =	ssyncset.done $0x0  }
0x22: {  	[sflag:s19] =	ssyncadd.s32 $0xFFFFE000  }
0x23: {  	[spmem:s7] =	stream.linear.scatter [tilespmem:s18], [sflag:$0x3], $0x2000, $0x38;
	[tilespmem:$0x17E00] =	vst v63  }
0x24: {  	_ =	swait.ge [sflag:s19], $0x2000  }
0x25: {  	[sflag:s19] =	ssyncset.done $0x0  }
0x26: {  	[sflag:s19] =	ssyncadd.s32 $0xFFFFE000  }
0x27: {  	[spmem:s8] =	stream.linear.scatter [tilespmem:s18], [sflag:$0x3], $0x2000, $0x38;
	[tilespmem:$0x17E00] =	vst v63  }
0x28: {  	_ =	swait.ge [sflag:s19], $0x2000  }
0x29: {  	[sflag:s19] =	ssyncset.done $0x0  }
0x2a: {  	[sflag:s19] =	ssyncadd.s32 $0xFFFFE000  }
0x2b: {  	[spmem:s9] =	stream.linear.scatter [tilespmem:s18], [sflag:$0x3], $0x2000, $0x38;
	[tilespmem:$0x17E00] =	vst v63  }
0x2c: {  	_ =	swait.ge [sflag:s19], $0x2000  }
0x2d: {  	[sflag:s19] =	ssyncset.done $0x0  }
0x2e: {  	[sflag:s19] =	ssyncadd.s32 $0xFFFFE000  }
0x2f: {  	s29 =	simm.s32 $0x0;
	[bflag:$0x0] =	sbarrier.arrive $0xFFFF  }
0x30: {  	[tilespmem:s29], [sflag:$0x3] =	stream.linear.gather [hbm4b:s10+s29], $0x4F00, $0x38;
	[tilespmem:$0x17E00] =	vst v63  }
0x31: {  	_ =	swait.ge [sflag:s19], $0x4F00  }
0x32: {  	[sflag:s19] =	ssyncset.done $0x0  }
0x33: {  	[sflag:s19] =	ssyncadd.s32 $0xFFFFB100  }
0x34: {  	[tilespmem:s20], [sflag:$0x3] =	stream.linear.gather [hbm4b:s11+s29], $0x4F00, $0x38;
	[tilespmem:$0x17E00] =	vst v63  }
0x35: {  	_ =	swait.ge [sflag:s19], $0x4F00  }
0x36: {  	[sflag:s19] =	ssyncset.done $0x0  }
0x37: {  	s29 =	simm.s32 $0x0;
	[sflag:s19] =	ssyncadd.s32 $0xFFFFB100  }
0x38: {  	v3 =	vld [tilespmem:s29+$0x0]  }
0x39: {  	v4 =	vld [tilespmem:s29+$0x10]  }
0x3a: {  	v6 =	vld [tilespmem:s29+$0x20]  }
0x3b: {  	v5 =	vld [tilespmem:s29+$0x30]  }
0x3c: {  	v2 =	vld [tilespmem:s29+$0x40]  }
0x3d: {  	v7 =	vshll.u32 v3, $0x1;
	v3 =	vld [tilespmem:s29+$0x50]  }
0x3e: {  	s30 =	simm.s32 $0x200;
	v8 =	vshll.u32 v4, $0x1;
	v4 =	vld [tilespmem:s29+$0x60];
	v7 =	vor.u32 v0, v7  }
.LBB2_4:
0x3f: {  	s31 =	sshra.s32 s30, $0x2;
	p0 =	sne.s32 s30, $0x13A00;
	[tilespmem:s29+$0x0] =	vst v7;
	v7 =	vor.u32 v0, v8;
	v6 =	vshll.u32 v6, $0x1;
	v8 =	vld [tilespmem:s29+$0x70]  }
0x40: {  	v9 =	vld [tilespmem:s31+$0x0];
	[tilespmem:s29+$0x10] =	vst v7;
	v6 =	vor.u32 v0, v6;
	v5 =	vshll.u32 v5, $0x1  }
0x41: {  	v10 =	vld [tilespmem:s31+$0x10];
	[tilespmem:s29+$0x20] =	vst v6;
	v5 =	vor.u32 v0, v5;
	v2 =	vshll.u32 v2, $0x1  }
.Ltmp1:
0x42: {  	v6 =	vld [tilespmem:s31+$0x20];
	[tilespmem:s29+$0x30] =	vst v5;
	v2 =	vor.u32 v0, v2;
	v3 =	vshll.u32 v3, $0x1;
	(pc) =	sbr.rel @p0 .LBB2_4-.Ltmp1, $4  }
0x43: {  	v5 =	vld [tilespmem:s31+$0x30];
	[tilespmem:s29+$0x40] =	vst v2;
	v3 =	vor.u32 v0, v3;
	v4 =	vshll.u32 v4, $0x1  }
0x44: {  	v2 =	vld [tilespmem:s31+$0x40];
	[tilespmem:s29+$0x50] =	vst v3;
	v4 =	vor.u32 v0, v4;
	v7 =	vshll.u32 v8, $0x1  }
0x45: {  	v8 =	vshll.u32 v9, $0x1;
	v3 =	vld [tilespmem:s31+$0x50];
	[tilespmem:s29+$0x60] =	vst v4;
	v9 =	vor.u32 v0, v7  }
0x46: {  	s30 =	sadd.s32 $0x200, s30;
	v7 =	vor.u32 v0, v8;
	v8 =	vshll.u32 v10, $0x1;
	v4 =	vld [tilespmem:s31+$0x60];
	[tilespmem:s29+$0x70] =	vst v9;
	s29 =	smov.u32 s31  }
0x47: {  	[tilespmem:s29+$0x0] =	vst v7;
	v62 =	vor.u32 v0, v8;
	v6 =	vshll.u32 v6, $0x1;
	v63 =	vld [tilespmem:s29+$0x70]  }
0x48: {  	[tilespmem:s29+$0x10] =	vst v62;
	v6 =	vor.u32 v0, v6;
	v5 =	vshll.u32 v5, $0x1  }
0x49: {  	[tilespmem:s29+$0x20] =	vst v6;
	v5 =	vor.u32 v0, v5;
	v2 =	vshll.u32 v2, $0x1  }
0x4a: {  	[tilespmem:s29+$0x30] =	vst v5;
	v2 =	vor.u32 v0, v2;
	v3 =	vshll.u32 v3, $0x1  }
0x4b: {  	[tilespmem:s29+$0x40] =	vst v2;
	v2 =	vor.u32 v0, v3;
	v3 =	vshll.u32 v4, $0x1  }
0x4c: {  	[tilespmem:s29+$0x50] =	vst v2;
	v2 =	vor.u32 v0, v3;
	v3 =	vshll.u32 v63, $0x1  }
0x4d: {  	[tilespmem:s29+$0x60] =	vst v2;
	v2 =	vor.u32 v0, v3  }
0x4e: {  	[tilespmem:s29+$0x70] =	vst v2;
	s29 =	simm.s32 $0x0  }
0x4f: {  	[tilespmem:s18], [sflag:$0x1] =	stream.indirect.gather [hbm4b:s4+s21], $0x40, s29, s21, $0xb8;
	[tilespmem:$0x17E00] =	vst v63  }
0x50: {  	s29 =	simm.s32 $0x80  }
0x51: {  	[tilespmem:s22], [sflag:$0x2] =	stream.indirect.gather [hbm4b:s4+s21], $0x40, s29, s21, $0xb8;
	[tilespmem:$0x17E00] =	vst v63  }
0x52: {  	_ =	swait.ge [sflag:s23], $0x2000  }
0x53: {  	[sflag:s23] =	ssyncset.done $0x0  }
0x54: {  	s29 =	simm.s32 $0x4F00;
	[sflag:s23] =	ssyncadd.s32 $0xFFFFE000  }
0x55: {  	[spmem:s2] =	stream.indirect.scatter.add.f32 [tilespmem:s18], [sflag:$0x3], $0x40, s29, s21, $0xb8;
	[tilespmem:$0x17E00] =	vst v63  }
0x56: {  	_ =	swait.ge [sflag:s19], $0x2000  }
0x57: {  	[sflag:s19] =	ssyncset.done $0x0  }
0x58: {  	s29 =	simm.s32 $0x100;
	[sflag:s19] =	ssyncadd.s32 $0xFFFFE000  }
0x59: {  	[tilespmem:s18], [sflag:$0x1] =	stream.indirect.gather [hbm4b:s4+s21], $0x40, s29, s21, $0xb8;
	[tilespmem:$0x17E00] =	vst v63  }
0x5a: {  	_ =	swait.ge [sflag:s24], $0x2000  }
0x5b: {  	[sflag:s24] =	ssyncset.done $0x0  }
0x5c: {  	s29 =	simm.s32 $0x4F80;
	[sflag:s24] =	ssyncadd.s32 $0xFFFFE000  }
0x5d: {  	[spmem:s2] =	stream.indirect.scatter.add.f32 [tilespmem:s22], [sflag:$0x3], $0x40, s29, s21, $0xb8;
	[tilespmem:$0x17E00] =	vst v63  }
0x5e: {  	_ =	swait.ge [sflag:s19], $0x2000  }
0x5f: {  	s30 =	simm.s32 $0x800;
	s29 =	simm.s32 $0x100;
	[sflag:s19] =	ssyncset.done $0x0  }
.LBB2_6:
0x60: {  	s31 =	sadd.s32 $0x80, s29  }
0x61: {  	[sflag:s19] =	ssyncadd.s32 $0xFFFFE000;
	s1 =	smov.u32 s30;
	s0 =	sadd.s32 $0x400, s30  }
0x62: {  	[tilespmem:s22], [sflag:$0x2] =	stream.indirect.gather [hbm4b:s4+s21], $0x40, s31, s21, $0xb8;
	[tilespmem:$0x17E00] =	vst v63  }
0x63: {  	p0 =	sne.s32 s30, $0x13400;
	_ =	swait.ge [sflag:s23], $0x2000  }
0x64: {  	[sflag:s23] =	ssyncset.done $0x0  }
0x65: {  	s30 =	sadd.s32 $0x4F00, s29;
	[sflag:s23] =	ssyncadd.s32 $0xFFFFE000  }
0x66: {  	[spmem:s2] =	stream.indirect.scatter.add.f32 [tilespmem:s18], [sflag:$0x3], $0x40, s30, s21, $0xb8;
	[tilespmem:$0x17E00] =	vst v63  }
0x67: {  	_ =	swait.ge [sflag:s19], $0x2000  }
0x68: {  	[sflag:s19] =	ssyncset.done $0x0  }
0x69: {  	s30 =	sadd.s32 $0x100, s29;
	[sflag:s19] =	ssyncadd.s32 $0xFFFFE000  }
0x6a: {  	[tilespmem:s18], [sflag:$0x1] =	stream.indirect.gather [hbm4b:s4+s21], $0x40, s30, s21, $0xb8;
	[tilespmem:$0x17E00] =	vst v63  }
0x6b: {  	_ =	swait.ge [sflag:s24], $0x2000  }
.Ltmp2:
0x6c: {  	[sflag:s24] =	ssyncset.done $0x0;
	(pc) =	sbr.rel @p0 .LBB2_6-.Ltmp2, $4  }
0x6d: {  	s29 =	sadd.s32 $0x4F80, s29;
	[sflag:s24] =	ssyncadd.s32 $0xFFFFE000  }
0x6e: {  	[spmem:s2] =	stream.indirect.scatter.add.f32 [tilespmem:s22], [sflag:$0x3], $0x40, s29, s21, $0xb8;
	[tilespmem:$0x17E00] =	vst v63  }
0x6f: {  	_ =	swait.ge [sflag:s19], $0x2000  }
0x70: {  	s30 =	smov.u32 s0;
	s29 =	sshra.s32 s1, $0x2;
	[sflag:s19] =	ssyncset.done $0x0  }
0x71: {  	s0 =	sadd.s32 $0x80, s29;
	[sflag:s19] =	ssyncadd.s32 $0xFFFFE000  }
0x72: {  	[tilespmem:s22], [sflag:$0x2] =	stream.indirect.gather [hbm4b:s4+s21], $0x40, s0, s21, $0xb8;
	[tilespmem:$0x17E00] =	vst v63  }
0x73: {  	_ =	swait.ge [sflag:s23], $0x2000  }
0x74: {  	[sflag:s23] =	ssyncset.done $0x0  }
0x75: {  	s31 =	sadd.s32 $0x4F00, s29;
	[sflag:s23] =	ssyncadd.s32 $0xFFFFE000  }
0x76: {  	[spmem:s2] =	stream.indirect.scatter.add.f32 [tilespmem:s18], [sflag:$0x3], $0x40, s31, s21, $0xb8;
	[tilespmem:$0x17E00] =	vst v63  }
0x77: {  	_ =	swait.ge [sflag:s19], $0x2000  }
0x78: {  	[sflag:s19] =	ssyncset.done $0x0  }
0x79: {  	s1 =	sadd.s32 $0x100, s29;
	[sflag:s19] =	ssyncadd.s32 $0xFFFFE000  }
0x7a: {  	[tilespmem:s18], [sflag:$0x1] =	stream.indirect.gather [hbm4b:s4+s21], $0x40, s1, s21, $0xb8;
	[tilespmem:$0x17E00] =	vst v63  }
0x7b: {  	_ =	swait.ge [sflag:s24], $0x2000  }
0x7c: {  	[sflag:s24] =	ssyncset.done $0x0  }
0x7d: {  	s29 =	sadd.s32 $0x4F80, s29;
	[sflag:s24] =	ssyncadd.s32 $0xFFFFE000  }
0x7e: {  	[spmem:s2] =	stream.indirect.scatter.add.f32 [tilespmem:s22], [sflag:$0x3], $0x40, s29, s21, $0xb8;
	[tilespmem:$0x17E00] =	vst v63  }
0x7f: {  	_ =	swait.ge [sflag:s19], $0x2000  }
0x80: {  	[sflag:s19] =	ssyncset.done $0x0  }
0x81: {  	[sflag:s19] =	ssyncadd.s32 $0xFFFFE000  }
0x82: {  	[tilespmem:s22], [sflag:$0x2] =	stream.indirect.gather [hbm4b:s4+s21], $0x40, s25, s21, $0xb8;
	[tilespmem:$0x17E00] =	vst v63  }
0x83: {  	_ =	swait.ge [sflag:s23], $0x2000  }
0x84: {  	[sflag:s23] =	ssyncset.done $0x0  }
0x85: {  	[sflag:s23] =	ssyncadd.s32 $0xFFFFE000  }
0x86: {  	[spmem:s2] =	stream.indirect.scatter.add.f32 [tilespmem:s18], [sflag:$0x3], $0x40, s26, s21, $0xb8;
	[tilespmem:$0x17E00] =	vst v63  }
0x87: {  	_ =	swait.ge [sflag:s19], $0x2000  }
0x88: {  	[sflag:s19] =	ssyncset.done $0x0  }
0x89: {  	[sflag:s19] =	ssyncadd.s32 $0xFFFFE000  }
0x8a: {  	_ =	swait.ge [sflag:s24], $0x2000  }
0x8b: {  	[sflag:s24] =	ssyncset.done $0x0  }
0x8c: {  	[sflag:s24] =	ssyncadd.s32 $0xFFFFE000  }
0x8d: {  	[spmem:s2] =	stream.indirect.scatter.add.f32 [tilespmem:s22], [sflag:$0x3], $0x40, s28, s21, $0xb8;
	[tilespmem:$0x17E00] =	vst v63  }
0x8e: {  	_ =	swait.ge [sflag:s19], $0x2000  }
0x8f: {  	s30 =	stileid.u32;
	[sflag:s19] =	ssyncset.done $0x0  }
0x90: {  	s0 =	sshll.u32 s30, $0x6;
	[sflag:s19] =	ssyncadd.s32 $0xFFFFE000  }
0x91: {  	s0 =	sor.u32 $0x1C03, s0;
	s1 =	sshrl.u32 s5, $0x3;
	[bflag:$0x0] =	sbarrier.arrive $0xFFFF  }
0x92: {  	[hbm:s12], [sflag:s0] =	dma.local [spmem:s1], $0x400  }
0x93: {  	_ =	swait.ge [sflag:s19], $0x400  }
0x94: {  	[sflag:s19] =	ssyncset.done $0x0  }
0x95: {  	s31 =	sshrl.u32 s6, $0x3;
	[sflag:s19] =	ssyncadd.s32 $0xFFFFFC00  }
0x96: {  	[hbm:s13], [sflag:s0] =	dma.local [spmem:s31], $0x400  }
0x97: {  	_ =	swait.ge [sflag:s19], $0x400  }
0x98: {  	[sflag:s19] =	ssyncset.done $0x0  }
0x99: {  	s29 =	sshrl.u32 s7, $0x3;
	[sflag:s19] =	ssyncadd.s32 $0xFFFFFC00  }
0x9a: {  	[hbm:s14], [sflag:s0] =	dma.local [spmem:s29], $0x400  }
0x9b: {  	_ =	swait.ge [sflag:s19], $0x400  }
0x9c: {  	[sflag:s19] =	ssyncset.done $0x0  }
0x9d: {  	s30 =	sshrl.u32 s8, $0x3;
	[sflag:s19] =	ssyncadd.s32 $0xFFFFFC00  }
0x9e: {  	[hbm:s15], [sflag:s0] =	dma.local [spmem:s30], $0x400  }
0x9f: {  	s3 =	sadd.s32 $0x1, s3;
	_ =	swait.ge [sflag:s19], $0x400  }
0xa0: {  	p0 =	sne.s32 s3, s17;
	[sflag:s19] =	ssyncset.done $0x0  }
.Ltmp3:
0xa1: {  	s31 =	sshrl.u32 s9, $0x3;
	[sflag:s19] =	ssyncadd.s32 $0xFFFFFC00;
	(pc) =	sbr.rel @p0 .LBB2_1-.Ltmp3, $4  }
0xa2: {  	[hbm:s16], [sflag:s0] =	dma.local [spmem:s31], $0x400  }
0xa3: {  	_ =	swait.ge [sflag:s19], $0x400  }
0xa4: {  	[sflag:s19] =	ssyncset.done $0x0  }
0xa5: {  	[sflag:s19] =	ssyncadd.s32 $0xFFFFFC00  }
0xa6: {  	_ =	sfence.sel $0x180000  }
0xa7: {  	[bflag:$0x0] =	sbarrier.arrive $0xFFFF  }
0xa8: {  	_ =	strace $0x9000004D  }
0xa9: {  	s0 =	stileid.u32;
	[bflag:$0x2] =	sbarrier.arrive $0xFFFF  }
0xaa: {  	p0 =	sne.s32 s0, $0x0;
	s0 =	rddreg [dreg:$0x3]  }
0xab: {  	s0 =	sadd.s32 @!p0 $0x100000, s0  }
0xac: {  	[sflag:s0] =	ssyncadd.tile.s32 @!p0 $0x1;
	_ =	shalt  }
.Lfunc_end2:
_tile_overlayer_lowered:
.L_overlay_start_2:
0xad: {  	(tag) =	ssettag $0x2  }
0xae: {  	s0 =	rddreg [dreg:$0x0];
	s2 =	stileid.u32  }
0xaf: {  	s1 =	rddreg [dreg:$0x1];
	p0 =	sne.s32 s2, $0x0  }
0xb0: {  	s3 =	rddreg [dreg:$0x2];
	[bflag:$0x3] =	sbarrier.arrive $0xFFFF;
	s2 =	simm.s32 @!p0 $0x1C03  }
0xb1: {  	[timem:s3], [sflag:s2] =	dma.local @!p0 [hbm:s0], s1  }
0xb2: {  	s0 =	simm.s32 @!p0 $0x3  }
0xb3: {  	_ =	swait.ge @!p0 [sflag:s0], s1  }
0xb4: {  	s1 =	ssub.s32 @!p0 $0x0, s1;
	[sflag:s0] =	ssyncset.done @!p0 $0x0  }
0xb5: {  	[sflag:s0] =	ssyncadd.s32 @!p0 s1  }
0xb6: {  	[bflag:$0x3] =	sbarrier.arrive $0xFFFF  }
0xb7: {  	_ =	shalt  }

// kernel: kernel.8.cloned.1.call-start
scs
__scs_entry_jumppad:
0x0: {  	(pc) =	sbr.rel $0x88, $3  }
0x1: {  	(tag) =	ssettag $0x0;
	lr =	simm.s32 $0x1  }
0x2: {  	[smem:$0x3F97] =	sst lr;
	_ =	strace $0xD0000000  }
0x3: {  	_ = 	snop  }
0x4: {  	_ = 	snop  }
0x5: {  	_ = 	snop  }
0x6: {  	_ = 	snop  }
0x7: {  	_ = 	snop  }
__scs_overlays_trampoline_lowered:
0x8: {  	[smem:$0x3FA6] =	sst s0  }
0x9: {  	[smem:$0x3FA7] =	sst s1  }
0xa: {  	[smem:$0x3FA8] =	sst s2  }
0xb: {  	[smem:$0x3FA9] =	sst s3  }
0xc: {  	[smem:$0x3FAA] =	sst s4  }
0xd: {  	[smem:$0x3FAB] =	sst s5  }
0xe: {  	[smem:$0x3FAC] =	sst s6  }
0xf: {  	[smem:$0x3FAD] =	sst s7  }
0x10: {  	[smem:$0x3FAE] =	sst s8  }
0x11: {  	[smem:$0x3FAF] =	sst s9;
	s0 =	simm.s32 @!p0 $0x0  }
0x12: {  	s1 =	sld [smem:$0x3F95];
	s0 =	simm.s32 @p0 $0x1  }
0x13: {  	[smem:$0x3FB0] =	sst s0;
	s0 =	simm.s32 @!p1 $0x0  }
0x14: {  	s2 =	sld [smem:$0x3F94];
	s0 =	simm.s32 @p1 $0x1  }
0x15: {  	[smem:$0x3FB1] =	sst s0;
	s0 =	simm.s32 @!p2 $0x0  }
0x16: {  	s3 =	sld [smem:$0x3FDB];
	s0 =	simm.s32 @p2 $0x1  }
0x17: {  	s4 =	simm.s32 $0x1BF5;
	[smem:$0x3FB3] =	sst s0  }
0x18: {  	s0 =	sld [smem:$0x3F96];
	_ =	swait.ge [sflag:s4], $0x0  }
0x19: {  	s7 =	sld [smem:$0x3F97]  }
0x1a: {  	s8 =	sadd.s32 $0xFFFFE003, lr  }
0x1b: {  	s9 =	sadd.s32 $0xFFFFFEF7, lr;
	s5 =	simm.s32 $0xFFFFFFFF;
	p2 =	slt.u32 s8, $0xFFFFF086  }
0x1c: {  	p1 =	slt.u32 s9, $0xF7A;
	s5 =	simm.s32 @!p2 $0x0  }
0x1d: {  	s5 =	simm.s32 @p1 $0x1;
	p0 =	seq.s32 s7, s2  }
0x1e: {  	s7 =	smul.u32 @!p0 $0xF7A, s2;
	p2 =	seq.s32 @!p0 s5, $0x0  }
0x1f: {  	s9 =	smul.u32 $0xF7A, s1;
	s8 =	simm.s32 @!p0 $0x1BF5;
	p2 =	por !p2, p0  }
0x20: {  	[sflag:s8] =	ssyncset.s32 @!p0 $0xFFFFF086;
	s6 =	sadd.s32 @!p0 s3, s7;
	s7 =	simm.s32 @!p0 $0x108  }
0x21: {  	s3 =	sadd.s32 s3, s9;
	s6 =	sadd.s32 @!p0 $0x88, s6;
	s7 =	simm.s32 @p2 $0x1082  }
0x22: {  	[simem:s7], [sflag:s8] =	dma.local @!p0 [hbm:s6], $0xF7A  }
0x23: {  	s9 =	sor.u32 $0xD0000000, s2;
	s6 =	simm.s32 $0x108;
	_ =	swait.ge @!p0 [sflag:s8], $0x0  }
0x24: {  	s3 =	sadd.s32 $0x88, s3;
	s6 =	simm.s32 @!p1 $0x1082;
	[sflag:s4] =	ssyncset.s32 $0xFFFFF086  }
0x25: {  	[simem:s6], [sflag:s4] =	dma.local [hbm:s3], $0xF7A  }
0x26: {  	[smem:$0x3F97] =	sst s1;
	(tag) =	ssettag s2;
	_ =	strace s9  }
0x27: {  	s1 =	sld [smem:$0x3FA7]  }
0x28: {  	s2 =	sld [smem:$0x3FA8]  }
0x29: {  	s4 =	sld [smem:$0x3FAA]  }
0x2a: {  	p0 =	seq.s32 s5, $0x0;
	s5 =	sld [smem:$0x3FAB]  }
0x2b: {  	s6 =	sld [smem:$0x3FAC]  }
0x2c: {  	s7 =	sld [smem:$0x3FAD]  }
0x2d: {  	s3 =	simm.s32 $0x108;
	s8 =	sld [smem:$0x3FAE]  }
0x2e: {  	s3 =	simm.s32 @!p0 $0x1082;
	s9 =	sld [smem:$0x3FAF]  }
0x2f: {  	lr =	sadd.s32 s0, s3;
	s0 =	sld [smem:$0x3FA6]  }
0x30: {  	s3 =	sld [smem:$0x3FA9]  }
0x31: {  	[smem:$0x3FB2] =	sst s10  }
0x32: {  	s10 =	sld [smem:$0x3FB0];
	_ =	sdelay $0x3  }
0x33: {  	p0 =	seq.s32 s10, $0x1;
	s10 =	sld [smem:$0x3FB2];
	_ =	sdelay $0x3  }
0x34: {  	[smem:$0x3FB2] =	sst s10  }
0x35: {  	s10 =	sld [smem:$0x3FB1];
	_ =	sdelay $0x3  }
0x36: {  	p1 =	seq.s32 s10, $0x1;
	s10 =	sld [smem:$0x3FB2];
	_ =	sdelay $0x3  }
0x37: {  	[smem:$0x3FB2] =	sst s10  }
0x38: {  	s10 =	sld [smem:$0x3FB3]  }
0x39: {  	_ = 	snop;
	(pc) =	sbr.ind lr, $3  }
0x3a: {  	_ = 	snop  }
0x3b: {  	_ = 	snop  }
0x3c: {  	p2 =	seq.s32 s10, $0x1;
	s10 =	sld [smem:$0x3FB2]  }
0x3d: {  	_ =	shalt  }
0x3e: {  	_ =	shalt  }
0x3f: {  	_ =	shalt  }
0x40: {  	_ =	shalt  }
0x41: {  	_ =	shalt  }
0x42: {  	_ =	shalt  }
0x43: {  	_ =	shalt  }
0x44: {  	_ =	shalt  }
0x45: {  	_ =	shalt  }
0x46: {  	_ =	shalt  }
0x47: {  	_ =	shalt  }
0x48: {  	_ =	shalt  }
0x49: {  	_ =	shalt  }
0x4a: {  	_ =	shalt  }
0x4b: {  	_ =	shalt  }
0x4c: {  	_ =	shalt  }
0x4d: {  	_ =	shalt  }
0x4e: {  	_ =	shalt  }
0x4f: {  	_ =	shalt  }
0x50: {  	_ =	shalt  }
0x51: {  	_ =	shalt  }
0x52: {  	_ =	shalt  }
0x53: {  	_ =	shalt  }
0x54: {  	_ =	shalt  }
0x55: {  	_ =	shalt  }
0x56: {  	_ =	shalt  }
0x57: {  	_ =	shalt  }
0x58: {  	_ =	shalt  }
0x59: {  	_ =	shalt  }
0x5a: {  	_ =	shalt  }
0x5b: {  	_ =	shalt  }
0x5c: {  	_ =	shalt  }
0x5d: {  	_ =	shalt  }
0x5e: {  	_ =	shalt  }
0x5f: {  	_ =	shalt  }
0x60: {  	_ =	shalt  }
0x61: {  	_ =	shalt  }
0x62: {  	_ =	shalt  }
0x63: {  	_ =	shalt  }
0x64: {  	_ =	shalt  }
0x65: {  	_ =	shalt  }
0x66: {  	_ =	shalt  }
0x67: {  	_ =	shalt  }
0x68: {  	_ =	shalt  }
0x69: {  	_ =	shalt  }
0x6a: {  	_ =	shalt  }
0x6b: {  	_ =	shalt  }
0x6c: {  	_ =	shalt  }
0x6d: {  	_ =	shalt  }
0x6e: {  	_ =	shalt  }
0x6f: {  	_ =	shalt  }
0x70: {  	_ =	shalt  }
0x71: {  	_ =	shalt  }
0x72: {  	_ =	shalt  }
0x73: {  	_ =	shalt  }
0x74: {  	_ =	shalt  }
0x75: {  	_ =	shalt  }
0x76: {  	_ =	shalt  }
0x77: {  	_ =	shalt  }
0x78: {  	_ =	shalt  }
0x79: {  	_ =	shalt  }
0x7a: {  	_ =	shalt  }
0x7b: {  	_ =	shalt  }
0x7c: {  	_ =	shalt  }
0x7d: {  	_ =	shalt  }
0x7e: {  	_ =	shalt  }
0x7f: {  	_ =	shalt  }
0x80: {  	_ =	shalt  }
0x81: {  	_ =	shalt  }
0x82: {  	_ =	shalt  }
0x83: {  	_ =	shalt  }
0x84: {  	_ =	shalt  }
0x85: {  	_ =	shalt  }
0x86: {  	_ =	shalt  }
0x87: {  	_ =	shalt  }
.Lfunc_end0:
.L_simem_size_0:
called_computation_lowered:
.L_overlay_start_0:
0x88: {  	s2 =	sld [smem:$0x3FD9]  }
0x89: {  	s3 =	sld [smem:$0x3FFE];
	_ =	sdelay $0x1  }
0x8a: {  	s1 =	srdreg.scid  }
0x8b: {  	s0 =	sand.u32 $0x1, s1  }
0x8c: {  	s16 =	sshll.u32 s0, $0xA;
	s2 =	sadd.s32 s3, s2  }
0x8d: {  	s2 =	sadd.s32 s2, s16  }
0x8e: {  	[smem:$0x3FBE] =	sst s2  }
0x8f: {  	_ = 	snop  }
0x90: {  	(tm) =	ssettm $0x1  }
0x91: {  	s17 =	sld [smem:$0x3FFB];
	_ =	sdelay $0x3  }
0x92: {  	_ =	strace s17  }
0x93: {  	s2 =	sld [smem:$0x3FFC];
	_ =	sdelay $0x3  }
0x94: {  	_ =	strace s2  }
0x95: {  	s2 =	sld [smem:$0x3FFD];
	_ =	sdelay $0x3  }
0x96: {  	_ =	strace s2  }
0x97: {  	_ =	strace $0x8FFFFFFF  }
0x98: {  	s18 =	sld [smem:$0x3FDB];
	_ =	sdelay $0x1  }
0x99: {  	s19 =	simm.s32 $_scs_section_size  }
0x9a: {  	s4 =	simm.s32 $_size__tile_overlayer_lowered;
	s5 =	simm.s32 $_tile_overlayer_lowered  }
0x9b: {  	s22 =	simm.s32 $0x1BFF;
	s21 =	sshll.u32 s5, $0x1;
	s2 =	sadd.s32 s19, s18  }
0x9c: {  	s6 =	simm.s32 $0x0;
	s20 =	sshll.u32 s4, $0x1;
	s4 =	sadd.s32 s21, s2  }
0x9d: {  	[timem:s6], [sflag:s22] =	dma.local [hbm:s4], s20  }
0x9e: {  	_ =	swait.ge [sflag:s22], s20  }
0x9f: {  	s3 =	ssub.s32 $0x0, s20;
	[sflag:s22] =	ssyncset.done $0x0  }
0xa0: {  	[sflag:s22] =	ssyncadd.s32 s3;
	_ =	sdelay $0x1  }
0xa1: {  	s23 =	simm.s32 $0x1B8B  }
0xa2: {  	_ =	swait.ge [sflag:s23], $0x1  }
0xa3: {  	[sflag:s23] =	ssyncset.done $0x0  }
0xa4: {  	s25 =	simm.s32 $0x1B8E;
	s24 =	sld [smem:$0x3FFE];
	[sflag:s23] =	ssyncadd.s32 $0xFFFFFFFF  }
0xa5: {  	s26 =	simm.s32 $execute0_lowered;
	[smem:$0x3FD2] =	sst s25  }
0xa6: {  	s4 =	sshll.u32 s26, $0x1;
	_ =	strace $0x80000046;
	[dreg:$0x1] =	wrdreg $0xFFFFFFFF  }
0xa7: {  	s28 =	simm.s32 $_size_execute0_lowered;
	s2 =	sadd.s32 s2, s4;
	[dreg:$0x0] =	wrdreg $0x0  }
0xa8: {  	s4 =	sshll.u32 s28, $0x1;
	[dreg:$0x2] =	wrdreg s2  }
0xa9: {  	[dreg:$0x3] =	wrdreg s4  }
0xaa: {  	[dreg:$0x4] =	wrdreg $0xC0  }
0xab: {  	_ =	task [dreg:s6], $0x5FFFF  }
0xac: {  	[dreg:$0x1] =	wrdreg $0xFFFFFFFF  }
0xad: {  	[dreg:$0x0] =	wrdreg $0x60  }
0xae: {  	[dreg:$0x2] =	wrdreg s24  }
0xaf: {  	[dreg:$0x3] =	wrdreg $0xBF000  }
0xb0: {  	[dreg:$0x4] =	wrdreg $0x9  }
0xb1: {  	_ =	task.clear_ibuf [dreg:s6], $0x5FFFF;
	_ =	strace $0x90000046  }
0xb2: {  	s29 =	simm.s32 $0x9;
	_ =	strace $0x80000048  }
0xb3: {  	_ =	swait.ge [sflag:s29], $0x1  }
0xb4: {  	[sflag:s29] =	ssyncadd.s32 $0xFFFFFFFF  }
0xb5: {  	_ =	strace $0x90000048  }
0xb6: {  	_ =	sfence  }
0xb7: {  	s30 =	sld [smem:$0x0];
	_ =	sdelay $0x2  }
0xb8: {  	s31 =	sshll.u32 s1, $0xD;
	s1 =	sshrl.u32 s1, $0x2  }
0xb9: {  	s3 =	sand.u32 $0x4000, s31;
	s1 =	sadd.s32 s1, s30  }
0xba: {  	s0 =	sor.u32 s3, s0;
	s1 =	sshll.u32 s1, $0x11  }
0xbb: {  	s0 =	sor.u32 s1, s0  }
0xbc: {  	s0 =	sadd.s32 $0x8F2B, s0  }
0xbd: {  	[sflag:s0] =	ssyncadd.remote.s32 $0x1  }
0xbe: {  	_ =	sfence.sel $0xFFFF  }
0xbf: {  	[dreg:$0x0] =	wrdreg $0xFFFFFFFF;
	(pc) =	sbr.abs _section_cstart, $3  }
0xc0: {  	[dreg:$0x1] =	wrdreg $0xFFFFFFFF  }
0xc1: {  	_ =	task.clear_ibuf [dreg:s6], $0x2FFFF;
	_ =	strace $0x9FFFFFFF  }
0xc2: {  	(tm) =	ssettm $0x7FFFFFFF  }
0xc3: {  	_ =	shalt  }
tec
execute0_lowered:
.L_overlay_start_1:
0x0: {  	(tag) =	ssettag $0x1  }
0x1: {  	s4 =	rddreg [dreg:$0x0]  }
0x2: {  	s2 =	rddreg [dreg:$0x1]  }
0x3: {  	s0 =	rddreg [dreg:$0x2];
	s1 =	stileid.u32  }
0x4: {  	s6 =	srdreg.scid;
	s3 =	simm.s32 $0x0;
	s14 =	simm.s32 $0x1  }
0x5: {  	s15 =	simm.s32 $0x80;
	s16 =	simm.s32 $0x4F00;
	s5 =	smul.u32 $0x9E0, s1  }
0x6: {  	s17 =	simm.s32 $0x7F00;
	s7 =	sand.u32 $0x1, s6;
	s30 =	smul.u32 $0x280, s1  }
0x7: {  	s18 =	simm.s32 $0x0;
	[smem:$0x7FF] =	sst s3;
	s8 =	smul.u32 $0x2800, s7  }
0x8: {  	s9 =	smul.u32 $0xA000, s1;
	_ =	strace $0x80000047;
	s31 =	ssub.s32 $0x2, s7  }
0x9: {  	s13 =	smul.u32 $0x9E00, s7;
	s5 =	sadd.s32 s5, s4;
	s6 =	sadd.s32 s30, s8  }
0xa: {  	s10 =	sshrl.u32 s31, $0x1;
	s9 =	sshrl.u32 s9, $0x2;
	s6 =	sshll.u32 s6, $0x4  }
0xb: {  	s12 =	ssub.s32 s31, s10;
	s5 =	sadd.s32 $0x2600, s5;
	s11 =	sadd.s32 s6, s4  }
0xc: {  	s4 =	sadd.s32 s9, s2;
	s6 =	sadd.s32 $0xC400, s11;
	s7 =	sadd.s32 $0xCC00, s11  }
0xd: {  	s8 =	sadd.s32 $0xD400, s11;
	s9 =	sadd.s32 $0xDC00, s11;
	s10 =	sadd.s32 $0xE400, s11  }
0xe: {  	v0 =	vimm.f32 $1.000000000e+00;
	v1 =	vimm.f32 $0.0e+00;
	s11 =	smax.u32 s12, $0x1;
	s12 =	sshrl.u32 s13, $0x2;
	s13 =	simm.s32 $0x5700  }
.LBB2_1:
0xf: {  	s19 =	simm.s32 $0x0  }
.LBB2_2:
0x10: {  	p0 =	sne.s32 s19, $0x1FC0  }
.Ltmp0:
0x11: {  	_ = 	snop;
	(pc) =	sbr.rel @p0 .LBB2_2-.Ltmp0, $3  }
0x12: {  	_ =	sdelay $0x1  }
0x13: {  	s20 =	sshra.s32 s19, $0x2  }
0x14: {  	s19 =	sadd.s32 $0x40, s19;
	[tilespmem:s20+$0x4F00] =	vst v0  }
0x15: {  	s19 =	simm.s32 $0x40;
	s20 =	simm.s32 $0x0  }
.LBB2_4:
0x16: {  	p0 =	sne.s32 s19, $0x9FC0;
	[tilespmem:s20+$0x5700] =	vst v1;
	s20 =	smov.u32 s19;
	s19 =	sadd.s32 $0x40, s19  }
.Ltmp1:
0x17: {  	(pc) =	sbr.rel @p0 .LBB2_4-.Ltmp1, $2  }
0x18: {  	_ =	sdelay $0x2  }
0x19: {  	s20 =	sshra.s32 s20, $0x2  }
0x1a: {  	[tilespmem:s20+$0x5700] =	vst v1  }
0x1b: {  	[spmem:s4] =	stream.linear.scatter [tilespmem:s13], [sflag:$0x1], $0x2800, $0x38;
	[tilespmem:$0xE700] =	vst v63  }
0x1c: {  	_ =	swait.ge [sflag:s14], $0x2800  }
0x1d: {  	[sflag:s14] =	ssyncset.done $0x0  }
0x1e: {  	[sflag:s14] =	ssyncadd.s32 $0xFFFFD800  }
0x1f: {  	s19 =	simm.s32 $0x0;
	[bflag:$0x0] =	sbarrier.arrive $0xFFFF  }
0x20: {  	[tilespmem:s19], [sflag:$0x1] =	stream.linear.gather [hbm4b:s5+s19], $0x4F00, $0x38;
	[tilespmem:$0xE700] =	vst v63  }
0x21: {  	_ =	swait.ge [sflag:s14], $0x4F00  }
0x22: {  	[sflag:s14] =	ssyncset.done $0x0  }
0x23: {  	s31 =	sadd.s32 $0x0, s12;
	[sflag:s14] =	ssyncadd.s32 $0xFFFFB100  }
0x24: {  	[spmem:s2] =	stream.indirect.scatter.add.f32 [tilespmem:s16], [sflag:$0x1], $0x10, s31, s15, $0xb8;
	[tilespmem:$0xE700] =	vst v63  }
0x25: {  	s19 =	simm.s32 $0x200;
	_ =	swait.ge [sflag:s14], $0x800  }
.LBB2_6:
0x26: {  	s20 =	sshra.s32 s19, $0x2;
	[sflag:s14] =	ssyncset.done $0x0;
	p0 =	sne.s32 s19, $0x9C00  }
.Ltmp2:
0x27: {  	s20 =	sadd.s32 s20, s12;
	[sflag:s14] =	ssyncadd.s32 $0xFFFFF800;
	(pc) =	sbr.rel @p0 .LBB2_6-.Ltmp2, $3  }
0x28: {  	[spmem:s2] =	stream.indirect.scatter.add.f32 [tilespmem:s16], [sflag:$0x1], $0x10, s20, s15, $0xb8;
	[tilespmem:$0xE700] =	vst v63  }
0x29: {  	s19 =	sadd.s32 $0x200, s19;
	_ =	sdelay $0x1  }
0x2a: {  	_ =	swait.ge [sflag:s14], $0x800  }
0x2b: {  	[sflag:s14] =	ssyncset.done $0x0  }
0x2c: {  	[sflag:s14] =	ssyncadd.s32 $0xFFFFF800  }
0x2d: {  	[bflag:$0x0] =	sbarrier.arrive $0xFFFF  }
0x2e: {  	[tilespmem:s13], [sflag:$0x1] =	stream.linear.gather [spmem:s4], $0x2800, $0x38;
	[tilespmem:$0xE700] =	vst v63  }
0x2f: {  	_ =	swait.ge [sflag:s14], $0x2800  }
0x30: {  	[sflag:s14] =	ssyncset.done $0x0  }
0x31: {  	s19 =	simm.s32 $0x0;
	[sflag:s14] =	ssyncadd.s32 $0xFFFFD800  }
0x32: {  	v2 =	vld [tilespmem:s19+$0x5700];
	_ =	sdelay $0x3  }
0x33: {  	s19 =	simm.s32 $0x7F40  }
0x34: {  	[tilespmem:s19+$0xFFFFFFC0] =	vst v2  }
0x35: {  	[tilespmem:s19+$0xFFFFFFD0] =	vst v2  }
0x36: {  	[tilespmem:s19+$0xFFFFFFE0] =	vst v2  }
0x37: {  	[tilespmem:s19+$0xFFFFFFF0] =	vst v2  }
0x38: {  	[tilespmem:s19+$0x0] =	vst v2  }
0x39: {  	[tilespmem:s19+$0x10] =	vst v2  }
0x3a: {  	[tilespmem:s19+$0x20] =	vst v2  }
0x3b: {  	s21 =	simm.s32 $0x10;
	s20 =	simm.s32 $0x80;
	[tilespmem:s19+$0x30] =	vst v2  }
.LBB2_8:
0x3c: {  	p0 =	sne.s32 s20, $0x1FC0;
	v2 =	vld [tilespmem:s21+$0x5700];
	_ =	sdelay $0x3  }
0x3d: {  	s19 =	sadd.s32 $0x80, s19  }
0x3e: {  	[tilespmem:s19+$0xFFFFFFC0] =	vst v2  }
0x3f: {  	[tilespmem:s19+$0xFFFFFFD0] =	vst v2  }
0x40: {  	[tilespmem:s19+$0xFFFFFFE0] =	vst v2  }
.Ltmp3:
0x41: {  	[tilespmem:s19+$0xFFFFFFF0] =	vst v2;
	(pc) =	sbr.rel @p0 .LBB2_8-.Ltmp3, $4  }
0x42: {  	[tilespmem:s19+$0x0] =	vst v2  }
0x43: {  	[tilespmem:s19+$0x10] =	vst v2  }
0x44: {  	[tilespmem:s19+$0x20] =	vst v2  }
0x45: {  	s21 =	sshra.s32 s20, $0x2;
	s20 =	sadd.s32 $0x40, s20;
	[tilespmem:s19+$0x30] =	vst v2  }
0x46: {  	v2 =	vld [tilespmem:s21+$0x5700];
	_ =	sdelay $0x3  }
0x47: {  	s19 =	sadd.s32 $0x80, s19  }
0x48: {  	[tilespmem:s19+$0xFFFFFFC0] =	vst v2  }
0x49: {  	[tilespmem:s19+$0xFFFFFFD0] =	vst v2  }
0x4a: {  	[tilespmem:s19+$0xFFFFFFE0] =	vst v2  }
0x4b: {  	[tilespmem:s19+$0xFFFFFFF0] =	vst v2  }
0x4c: {  	[tilespmem:s19+$0x0] =	vst v2  }
0x4d: {  	[tilespmem:s19+$0x10] =	vst v2  }
0x4e: {  	[tilespmem:s19+$0x20] =	vst v2  }
0x4f: {  	s30 =	simm.s32 $0x0;
	[tilespmem:s19+$0x30] =	vst v2  }
0x50: {  	[hbm4b:s6+s30] =	stream.linear.scatter [tilespmem:s17], [sflag:$0x1], $0x4000, $0x38;
	[tilespmem:$0xE700] =	vst v63  }
0x51: {  	_ =	swait.ge [sflag:s14], $0x4000  }
0x52: {  	[sflag:s14] =	ssyncset.done $0x0  }
0x53: {  	s31 =	simm.s32 $0x0;
	[sflag:s14] =	ssyncadd.s32 $0xFFFFC000  }
0x54: {  	v2 =	vld [tilespmem:s31+$0x5F00];
	_ =	sdelay $0x3  }
0x55: {  	s19 =	simm.s32 $0x7F40  }
0x56: {  	[tilespmem:s19+$0xFFFFFFC0] =	vst v2  }
0x57: {  	[tilespmem:s19+$0xFFFFFFD0] =	vst v2  }
0x58: {  	[tilespmem:s19+$0xFFFFFFE0] =	vst v2  }
0x59: {  	[tilespmem:s19+$0xFFFFFFF0] =	vst v2  }
0x5a: {  	[tilespmem:s19+$0x0] =	vst v2  }
0x5b: {  	[tilespmem:s19+$0x10] =	vst v2  }
0x5c: {  	[tilespmem:s19+$0x20] =	vst v2  }
0x5d: {  	s21 =	simm.s32 $0x10;
	s20 =	simm.s32 $0x80;
	[tilespmem:s19+$0x30] =	vst v2  }
.LBB2_10:
0x5e: {  	p0 =	sne.s32 s20, $0x1FC0;
	v2 =	vld [tilespmem:s21+$0x5F00];
	_ =	sdelay $0x3  }
0x5f: {  	s19 =	sadd.s32 $0x80, s19  }
0x60: {  	[tilespmem:s19+$0xFFFFFFC0] =	vst v2  }
0x61: {  	[tilespmem:s19+$0xFFFFFFD0] =	vst v2  }
0x62: {  	[tilespmem:s19+$0xFFFFFFE0] =	vst v2  }
.Ltmp4:
0x63: {  	[tilespmem:s19+$0xFFFFFFF0] =	vst v2;
	(pc) =	sbr.rel @p0 .LBB2_10-.Ltmp4, $4  }
0x64: {  	[tilespmem:s19+$0x0] =	vst v2  }
0x65: {  	[tilespmem:s19+$0x10] =	vst v2  }
0x66: {  	[tilespmem:s19+$0x20] =	vst v2  }
0x67: {  	s21 =	sshra.s32 s20, $0x2;
	s20 =	sadd.s32 $0x40, s20;
	[tilespmem:s19+$0x30] =	vst v2  }
0x68: {  	v2 =	vld [tilespmem:s21+$0x5F00];
	_ =	sdelay $0x3  }
0x69: {  	s19 =	sadd.s32 $0x80, s19  }
0x6a: {  	[tilespmem:s19+$0xFFFFFFC0] =	vst v2  }
0x6b: {  	[tilespmem:s19+$0xFFFFFFD0] =	vst v2  }
0x6c: {  	[tilespmem:s19+$0xFFFFFFE0] =	vst v2  }
0x6d: {  	[tilespmem:s19+$0xFFFFFFF0] =	vst v2  }
0x6e: {  	[tilespmem:s19+$0x0] =	vst v2  }
0x6f: {  	[tilespmem:s19+$0x10] =	vst v2  }
0x70: {  	[tilespmem:s19+$0x20] =	vst v2  }
0x71: {  	s30 =	simm.s32 $0x0;
	[tilespmem:s19+$0x30] =	vst v2  }
0x72: {  	[hbm4b:s7+s30] =	stream.linear.scatter [tilespmem:s17], [sflag:$0x1], $0x4000, $0x38;
	[tilespmem:$0xE700] =	vst v63  }
0x73: {  	_ =	swait.ge [sflag:s14], $0x4000  }
0x74: {  	[sflag:s14] =	ssyncset.done $0x0  }
0x75: {  	s31 =	simm.s32 $0x0;
	[sflag:s14] =	ssyncadd.s32 $0xFFFFC000  }
0x76: {  	v2 =	vld [tilespmem:s31+$0x6700];
	_ =	sdelay $0x3  }
0x77: {  	s19 =	simm.s32 $0x7F40  }
0x78: {  	[tilespmem:s19+$0xFFFFFFC0] =	vst v2  }
0x79: {  	[tilespmem:s19+$0xFFFFFFD0] =	vst v2  }
0x7a: {  	[tilespmem:s19+$0xFFFFFFE0] =	vst v2  }
0x7b: {  	[tilespmem:s19+$0xFFFFFFF0] =	vst v2  }
0x7c: {  	[tilespmem:s19+$0x0] =	vst v2  }
0x7d: {  	[tilespmem:s19+$0x10] =	vst v2  }
0x7e: {  	[tilespmem:s19+$0x20] =	vst v2  }
0x7f: {  	s21 =	simm.s32 $0x10;
	s20 =	simm.s32 $0x80;
	[tilespmem:s19+$0x30] =	vst v2  }
.LBB2_12:
0x80: {  	p0 =	sne.s32 s20, $0x1FC0;
	v2 =	vld [tilespmem:s21+$0x6700];
	_ =	sdelay $0x3  }
0x81: {  	s19 =	sadd.s32 $0x80, s19  }
0x82: {  	[tilespmem:s19+$0xFFFFFFC0] =	vst v2  }
0x83: {  	[tilespmem:s19+$0xFFFFFFD0] =	vst v2  }
0x84: {  	[tilespmem:s19+$0xFFFFFFE0] =	vst v2  }
.Ltmp5:
0x85: {  	[tilespmem:s19+$0xFFFFFFF0] =	vst v2;
	(pc) =	sbr.rel @p0 .LBB2_12-.Ltmp5, $4  }
0x86: {  	[tilespmem:s19+$0x0] =	vst v2  }
0x87: {  	[tilespmem:s19+$0x10] =	vst v2  }
0x88: {  	[tilespmem:s19+$0x20] =	vst v2  }
0x89: {  	s21 =	sshra.s32 s20, $0x2;
	s20 =	sadd.s32 $0x40, s20;
	[tilespmem:s19+$0x30] =	vst v2  }
0x8a: {  	v2 =	vld [tilespmem:s21+$0x6700];
	_ =	sdelay $0x3  }
0x8b: {  	s19 =	sadd.s32 $0x80, s19  }
0x8c: {  	[tilespmem:s19+$0xFFFFFFC0] =	vst v2  }
0x8d: {  	[tilespmem:s19+$0xFFFFFFD0] =	vst v2  }
0x8e: {  	[tilespmem:s19+$0xFFFFFFE0] =	vst v2  }
0x8f: {  	[tilespmem:s19+$0xFFFFFFF0] =	vst v2  }
0x90: {  	[tilespmem:s19+$0x0] =	vst v2  }
0x91: {  	[tilespmem:s19+$0x10] =	vst v2  }
0x92: {  	[tilespmem:s19+$0x20] =	vst v2  }
0x93: {  	s30 =	simm.s32 $0x0;
	[tilespmem:s19+$0x30] =	vst v2  }
0x94: {  	[hbm4b:s8+s30] =	stream.linear.scatter [tilespmem:s17], [sflag:$0x1], $0x4000, $0x38;
	[tilespmem:$0xE700] =	vst v63  }
0x95: {  	_ =	swait.ge [sflag:s14], $0x4000  }
0x96: {  	[sflag:s14] =	ssyncset.done $0x0  }
0x97: {  	s31 =	simm.s32 $0x0;
	[sflag:s14] =	ssyncadd.s32 $0xFFFFC000  }
0x98: {  	v2 =	vld [tilespmem:s31+$0x6F00];
	_ =	sdelay $0x3  }
0x99: {  	s19 =	simm.s32 $0x7F40  }
0x9a: {  	[tilespmem:s19+$0xFFFFFFC0] =	vst v2  }
0x9b: {  	[tilespmem:s19+$0xFFFFFFD0] =	vst v2  }
0x9c: {  	[tilespmem:s19+$0xFFFFFFE0] =	vst v2  }
0x9d: {  	[tilespmem:s19+$0xFFFFFFF0] =	vst v2  }
0x9e: {  	[tilespmem:s19+$0x0] =	vst v2  }
0x9f: {  	[tilespmem:s19+$0x10] =	vst v2  }
0xa0: {  	[tilespmem:s19+$0x20] =	vst v2  }
0xa1: {  	s21 =	simm.s32 $0x10;
	s20 =	simm.s32 $0x80;
	[tilespmem:s19+$0x30] =	vst v2  }
.LBB2_14:
0xa2: {  	p0 =	sne.s32 s20, $0x1FC0;
	v2 =	vld [tilespmem:s21+$0x6F00];
	_ =	sdelay $0x3  }
0xa3: {  	s19 =	sadd.s32 $0x80, s19  }
0xa4: {  	[tilespmem:s19+$0xFFFFFFC0] =	vst v2  }
0xa5: {  	[tilespmem:s19+$0xFFFFFFD0] =	vst v2  }
0xa6: {  	[tilespmem:s19+$0xFFFFFFE0] =	vst v2  }
.Ltmp6:
0xa7: {  	[tilespmem:s19+$0xFFFFFFF0] =	vst v2;
	(pc) =	sbr.rel @p0 .LBB2_14-.Ltmp6, $4  }
0xa8: {  	[tilespmem:s19+$0x0] =	vst v2  }
0xa9: {  	[tilespmem:s19+$0x10] =	vst v2  }
0xaa: {  	[tilespmem:s19+$0x20] =	vst v2  }
0xab: {  	s21 =	sshra.s32 s20, $0x2;
	s20 =	sadd.s32 $0x40, s20;
	[tilespmem:s19+$0x30] =	vst v2  }
0xac: {  	v2 =	vld [tilespmem:s21+$0x6F00];
	_ =	sdelay $0x3  }
0xad: {  	s19 =	sadd.s32 $0x80, s19  }
0xae: {  	[tilespmem:s19+$0xFFFFFFC0] =	vst v2  }
0xaf: {  	[tilespmem:s19+$0xFFFFFFD0] =	vst v2  }
0xb0: {  	[tilespmem:s19+$0xFFFFFFE0] =	vst v2  }
0xb1: {  	[tilespmem:s19+$0xFFFFFFF0] =	vst v2  }
0xb2: {  	[tilespmem:s19+$0x0] =	vst v2  }
0xb3: {  	[tilespmem:s19+$0x10] =	vst v2  }
0xb4: {  	[tilespmem:s19+$0x20] =	vst v2  }
0xb5: {  	s30 =	simm.s32 $0x0;
	[tilespmem:s19+$0x30] =	vst v2  }
0xb6: {  	[hbm4b:s9+s30] =	stream.linear.scatter [tilespmem:s17], [sflag:$0x1], $0x4000, $0x38;
	[tilespmem:$0xE700] =	vst v63  }
0xb7: {  	_ =	swait.ge [sflag:s14], $0x4000  }
0xb8: {  	[sflag:s14] =	ssyncset.done $0x0  }
0xb9: {  	s31 =	simm.s32 $0x0;
	[sflag:s14] =	ssyncadd.s32 $0xFFFFC000  }
0xba: {  	v2 =	vld [tilespmem:s31+$0x7700];
	_ =	sdelay $0x3  }
0xbb: {  	s19 =	simm.s32 $0x7F40  }
0xbc: {  	[tilespmem:s19+$0xFFFFFFC0] =	vst v2  }
0xbd: {  	[tilespmem:s19+$0xFFFFFFD0] =	vst v2  }
0xbe: {  	[tilespmem:s19+$0xFFFFFFE0] =	vst v2  }
0xbf: {  	[tilespmem:s19+$0xFFFFFFF0] =	vst v2  }
0xc0: {  	[tilespmem:s19+$0x0] =	vst v2  }
0xc1: {  	[tilespmem:s19+$0x10] =	vst v2  }
0xc2: {  	[tilespmem:s19+$0x20] =	vst v2  }
0xc3: {  	s21 =	simm.s32 $0x10;
	s20 =	simm.s32 $0x80;
	[tilespmem:s19+$0x30] =	vst v2  }
.LBB2_16:
0xc4: {  	p0 =	sne.s32 s20, $0x1FC0;
	v2 =	vld [tilespmem:s21+$0x7700];
	_ =	sdelay $0x3  }
0xc5: {  	s19 =	sadd.s32 $0x80, s19  }
0xc6: {  	[tilespmem:s19+$0xFFFFFFC0] =	vst v2  }
0xc7: {  	[tilespmem:s19+$0xFFFFFFD0] =	vst v2  }
0xc8: {  	[tilespmem:s19+$0xFFFFFFE0] =	vst v2  }
.Ltmp7:
0xc9: {  	[tilespmem:s19+$0xFFFFFFF0] =	vst v2;
	(pc) =	sbr.rel @p0 .LBB2_16-.Ltmp7, $4  }
0xca: {  	[tilespmem:s19+$0x0] =	vst v2  }
0xcb: {  	[tilespmem:s19+$0x10] =	vst v2  }
0xcc: {  	[tilespmem:s19+$0x20] =	vst v2  }
0xcd: {  	s21 =	sshra.s32 s20, $0x2;
	s20 =	sadd.s32 $0x40, s20;
	[tilespmem:s19+$0x30] =	vst v2  }
0xce: {  	v2 =	vld [tilespmem:s21+$0x7700];
	_ =	sdelay $0x3  }
0xcf: {  	s19 =	sadd.s32 $0x80, s19  }
0xd0: {  	[tilespmem:s19+$0xFFFFFFC0] =	vst v2  }
0xd1: {  	[tilespmem:s19+$0xFFFFFFD0] =	vst v2  }
0xd2: {  	[tilespmem:s19+$0xFFFFFFE0] =	vst v2  }
0xd3: {  	[tilespmem:s19+$0xFFFFFFF0] =	vst v2  }
0xd4: {  	[tilespmem:s19+$0x0] =	vst v2  }
0xd5: {  	s18 =	sadd.s32 $0x1, s18;
	[tilespmem:s19+$0x10] =	vst v2  }
0xd6: {  	p0 =	sne.s32 s18, s11;
	[tilespmem:s19+$0x20] =	vst v2  }
.Ltmp8:
0xd7: {  	[tilespmem:s19+$0x30] =	vst v2;
	(pc) =	sbr.rel @p0 .LBB2_1-.Ltmp8, $4  }
0xd8: {  	[hbm4b:s10+s3] =	stream.linear.scatter [tilespmem:s17], [sflag:$0x1], $0x4000, $0x38;
	[tilespmem:$0xE700] =	vst v63  }
0xd9: {  	_ =	swait.ge [sflag:s14], $0x4000  }
0xda: {  	[sflag:s14] =	ssyncset.done $0x0  }
0xdb: {  	[sflag:s14] =	ssyncadd.s32 $0xFFFFC000  }
0xdc: {  	_ =	sfence.sel $0x180000  }
0xdd: {  	[bflag:$0x0] =	sbarrier.arrive $0xFFFF  }
0xde: {  	p0 =	sne.s32 s1, $0x0;
	_ =	strace $0x90000047  }
0xdf: {  	s0 =	sadd.s32 @!p0 $0x100000, s0;
	[bflag:$0x2] =	sbarrier.arrive $0xFFFF  }
0xe0: {  	[sflag:s0] =	ssyncadd.tile.s32 @!p0 $0x1;
	_ =	shalt  }
.Lfunc_end2:
_tile_overlayer_lowered:
.L_overlay_start_2:
0xe1: {  	(tag) =	ssettag $0x2  }
0xe2: {  	s0 =	rddreg [dreg:$0x0];
	s2 =	stileid.u32  }
0xe3: {  	s1 =	rddreg [dreg:$0x1];
	p0 =	sne.s32 s2, $0x0  }
0xe4: {  	s3 =	rddreg [dreg:$0x2];
	[bflag:$0x3] =	sbarrier.arrive $0xFFFF;
	s2 =	simm.s32 @!p0 $0x1C01  }
0xe5: {  	[timem:s3], [sflag:s2] =	dma.local @!p0 [hbm:s0], s1  }
0xe6: {  	s0 =	simm.s32 @!p0 $0x1  }
0xe7: {  	_ =	swait.ge @!p0 [sflag:s0], s1  }
0xe8: {  	s1 =	ssub.s32 @!p0 $0x0, s1;
	[sflag:s0] =	ssyncset.done @!p0 $0x0  }
0xe9: {  	[sflag:s0] =	ssyncadd.s32 @!p0 s1  }
0xea: {  	[bflag:$0x3] =	sbarrier.arrive $0xFFFF  }
0xeb: {  	_ =	shalt  }

</sc_bundles>
